<compile_context>
chip_gen: v7x
topology: tpu7x:2x2x1
jax: 0.10.2.dev20260603
libtpu: 0.0.44.dev20260713+nightly
codegen_flags: <defaults>
</compile_context>

<pallas_src>
import functools

import jax
import jax.numpy as jnp
from jax import lax
from jax.experimental import pallas as pl
from jax.experimental.pallas import tpu as pltpu
from jax.experimental.pallas import tpu_sc as plsc

N = 10000
E = 320000
D = 128
NC = 2
NS = 16
NW = NC * NS
C = 128
NCH = 80
EPW = NCH * C
EP = NW * EPW
GRP = 8
NGRP = NCH // GRP
NP = N + 8
SROWS = 624
TAIL = N - NS * SROWS
BM = 1000

_PREC = jax.lax.Precision.HIGHEST



def _zero_fill(buf, nlanes):
    @pl.loop(0, buf.shape[0])
    def _(i):
        @pl.loop(0, nlanes // 16)
        def _(j):
            buf[i, pl.ds(j * 16, 16)] = jnp.zeros((16,), jnp.float32)


def _zero_acc(buf, acc_sh, s):
    base = s * SROWS
    for t in range(4):
        pltpu.sync_copy(buf, acc_sh.at[pl.ds(base + t * 128, 128)])
    pltpu.sync_copy(buf.at[pl.ds(0, SROWS - 512)],
                    acc_sh.at[pl.ds(base + 512, SROWS - 512)])

    @pl.when(s == NS - 1)
    def _():
        pltpu.sync_copy(buf.at[pl.ds(0, TAIL)],
                        acc_sh.at[pl.ds(NS * SROWS, TAIL)])


def _write_back(acc_sh, out_hbm, c, s):
    pltpu.sync_copy(acc_sh.at[pl.ds(s * SROWS, SROWS)],
                    out_hbm.at[pl.ds(c * N + s * SROWS, SROWS)])

    @pl.when(s == NS - 1)
    def _():
        pltpu.sync_copy(acc_sh.at[pl.ds(NS * SROWS, TAIL)],
                        out_hbm.at[pl.ds(c * N + NS * SROWS, TAIL)])


@functools.cache
def _sc_degree_kernel():
    return functools.partial(
        pl.kernel,
        out_type=jax.ShapeDtypeStruct((NC * N, 16), jnp.float32),
        mesh=plsc.VectorSubcoreMesh(core_axis_name="c", subcore_axis_name="s"),
        scratch_types=[
            pltpu.VMEM((GRP, C), jnp.int32),
            pltpu.VMEM((C, 16), jnp.float32),
            pltpu.VMEM((128, 16), jnp.float32),
            pltpu.VMEM_SHARED((NP, 16), jnp.float32),
        ],
    )(_sc_degree_body)


def _sc_degree(col):
    return _sc_degree_kernel()(col)


def _sc_degree_body(col_hbm, out_hbm, col_v, ones_v, z_v, acc_sh):
    c = lax.axis_index("c")
    s = lax.axis_index("s")
    w = s * NC + c

    @pl.loop(0, C)
    def _(i):
        ones_v[i, :] = jnp.ones((16,), jnp.float32)

    _zero_fill(z_v, 16)
    _zero_acc(z_v, acc_sh, s)
    plsc.subcore_barrier()

    @pl.loop(0, NGRP)
    def _(g):
        pltpu.sync_copy(col_hbm.at[w].at[pl.ds(g * GRP, GRP)], col_v)

        @pl.loop(0, GRP)
        def _(j):
            pltpu.sync_copy(ones_v, acc_sh.at[col_v.at[j]], add=True)

    plsc.subcore_barrier()
    _write_back(acc_sh, out_hbm, c, s)


HCH = NCH // 2


@functools.cache
def _sc_scatter_kernel():
    return functools.partial(
        pl.kernel,
        out_type=jax.ShapeDtypeStruct((NC * N, D), jnp.float32),
        mesh=plsc.VectorSubcoreMesh(core_axis_name="c", subcore_axis_name="s"),
        scratch_types=[
            pltpu.VMEM((HCH, C), jnp.int32),
            pltpu.VMEM((HCH, C), jnp.int32),
            pltpu.VMEM((C, D), jnp.float32),
            pltpu.VMEM((C, D), jnp.float32),
            pltpu.VMEM_SHARED((NP, D), jnp.float32),
            pltpu.SemaphoreType.DMA,
            pltpu.SemaphoreType.DMA,
            pltpu.SemaphoreType.DMA,
            pltpu.SemaphoreType.DMA,
        ],
    )(_sc_scatter_body)


def _sc_scatter(y, row, col):
    return _sc_scatter_kernel()(y, row, col)


def _sc_scatter_body(y_hbm, row_hbm, col_hbm, out_hbm,
                     row_v, col_v, buf0, buf1, acc_sh, gs0, gs1, ss0, ss1):
    c = lax.axis_index("c")
    s = lax.axis_index("s")
    w = s * NC + c

    _zero_fill(buf0, D)
    _zero_acc(buf0, acc_sh, s)
    plsc.subcore_barrier()

    def gather(j, buf, sem):
        pltpu.async_copy(y_hbm.at[row_v.at[j]], buf, sem)

    def wait_gather(buf, sem):
        pltpu.make_async_copy(y_hbm.at[row_v.at[0]], buf, sem).wait()

    def scat(j, buf, sem):
        pltpu.async_copy(buf, acc_sh.at[col_v.at[j]], sem, add=True)

    def wait_scat(buf, sem):
        pltpu.make_async_copy(buf, acc_sh.at[col_v.at[0]], sem).wait()

    for h in range(2):
        pltpu.sync_copy(row_hbm.at[w].at[pl.ds(h * HCH, HCH)], row_v)
        pltpu.sync_copy(col_hbm.at[w].at[pl.ds(h * HCH, HCH)], col_v)

        gather(0, buf0, gs0)
        gather(1, buf1, gs1)
        wait_gather(buf0, gs0)
        scat(0, buf0, ss0)

        @pl.loop(1, HCH // 2)
        def _(p):
            a = 2 * p
            wait_scat(buf0, ss0)
            gather(a, buf0, gs0)
            wait_gather(buf1, gs1)
            scat(a - 1, buf1, ss1)
            wait_scat(buf1, ss1)
            gather(a + 1, buf1, gs1)
            wait_gather(buf0, gs0)
            scat(a, buf0, ss0)

        wait_gather(buf1, gs1)
        scat(HCH - 1, buf1, ss1)
        wait_scat(buf1, ss1)
        wait_scat(buf0, ss0)

    plsc.subcore_barrier()
    _write_back(acc_sh, out_hbm, c, s)



def _mm_body(x_ref, w_ref, o_ref):
    o_ref[...] = jnp.dot(x_ref[...], w_ref[...], precision=_PREC,
                         preferred_element_type=jnp.float32)


def _tc_matmul(x, W):
    return pl.pallas_call(
        _mm_body,
        grid=(N // BM,),
        in_specs=[
            pl.BlockSpec((BM, D), lambda i: (i, 0)),
            pl.BlockSpec((D, D), lambda i: (0, 0)),
        ],
        out_specs=pl.BlockSpec((BM, D), lambda i: (i, 0)),
        out_shape=jax.ShapeDtypeStruct((N, D), jnp.float32),
    )(x, W)


def _dinv_of(dp_ref):
    deg = dp_ref[0, :, 0:1] + dp_ref[1, :, 0:1] + 1.0
    return jax.lax.rsqrt(deg)


def _norm_body(dp_ref, xw_ref, y_ref):
    y_ref[...] = xw_ref[...] * _dinv_of(dp_ref)


def _tc_norm(dp, xw):
    return pl.pallas_call(
        _norm_body,
        grid=(N // BM,),
        in_specs=[
            pl.BlockSpec((2, BM, 16), lambda i: (0, i, 0)),
            pl.BlockSpec((BM, D), lambda i: (i, 0)),
        ],
        out_specs=pl.BlockSpec((BM, D), lambda i: (i, 0)),
        out_shape=jax.ShapeDtypeStruct((N, D), jnp.float32),
    )(dp, xw)


def _l1_body(x_ref, dp_ref, s_ref, y1_ref, b_ref, w_ref, h_ref, y2_ref):
    dinv = _dinv_of(dp_ref)
    agg = s_ref[0] + s_ref[1] + y1_ref[...]
    h = jnp.maximum(x_ref[...] + dinv * agg + b_ref[...], 0.0)
    h_ref[...] = h
    y2_ref[...] = jnp.dot(h, w_ref[...], precision=_PREC,
                          preferred_element_type=jnp.float32) * dinv


def _tc_layer1(x, dp, s1, y1, b1, W2):
    return pl.pallas_call(
        _l1_body,
        grid=(N // BM,),
        in_specs=[
            pl.BlockSpec((BM, D), lambda i: (i, 0)),
            pl.BlockSpec((2, BM, 16), lambda i: (0, i, 0)),
            pl.BlockSpec((2, BM, D), lambda i: (0, i, 0)),
            pl.BlockSpec((BM, D), lambda i: (i, 0)),
            pl.BlockSpec((1, D), lambda i: (0, 0)),
            pl.BlockSpec((D, D), lambda i: (0, 0)),
        ],
        out_specs=[
            pl.BlockSpec((BM, D), lambda i: (i, 0)),
            pl.BlockSpec((BM, D), lambda i: (i, 0)),
        ],
        out_shape=[
            jax.ShapeDtypeStruct((N, D), jnp.float32),
            jax.ShapeDtypeStruct((N, D), jnp.float32),
        ],
    )(x, dp, s1, y1, b1, W2)


def _l2_body(h_ref, dp_ref, s_ref, y2_ref, b_ref, o_ref):
    dinv = _dinv_of(dp_ref)
    agg = s_ref[0] + s_ref[1] + y2_ref[...]
    o_ref[...] = h_ref[...] + dinv * agg + b_ref[...]


def _tc_layer2(h, dp, s2, y2, b2):
    return pl.pallas_call(
        _l2_body,
        grid=(N // BM,),
        in_specs=[
            pl.BlockSpec((BM, D), lambda i: (i, 0)),
            pl.BlockSpec((2, BM, 16), lambda i: (0, i, 0)),
            pl.BlockSpec((2, BM, D), lambda i: (0, i, 0)),
            pl.BlockSpec((BM, D), lambda i: (i, 0)),
            pl.BlockSpec((1, D), lambda i: (0, 0)),
        ],
        out_specs=pl.BlockSpec((BM, D), lambda i: (i, 0)),
        out_shape=jax.ShapeDtypeStruct((N, D), jnp.float32),
    )(h, dp, s2, y2, b2)



def kernel(x, edge_index, W1, b1, W2, b2):
    ei = edge_index.astype(jnp.int32)
    pad = EP - E
    row = jnp.concatenate(
        [ei[0], jnp.zeros((pad,), jnp.int32)]).reshape(NW, NCH, C)
    col = jnp.concatenate(
        [ei[1], jnp.full((pad,), N, jnp.int32)]).reshape(NW, NCH, C)
    b1r = b1.reshape(1, D)
    b2r = b2.reshape(1, D)

    dp = _sc_degree(col).reshape(NC, N, 16)
    xw1 = _tc_matmul(x, W1)
    y1 = _tc_norm(dp, xw1)
    s1 = _sc_scatter(y1, row, col).reshape(NC, N, D)
    h, y2 = _tc_layer1(x, dp, s1, y1, b1r, W2)
    s2 = _sc_scatter(y2, row, col).reshape(NC, N, D)
    return _tc_layer2(h, dp, s2, y2, b2r)

# --- scband reference (transcript-rebuilt; emitter-appended) ---
"""Pipeline reference for scband-gcnnet-71347996721293 (READ-ONLY COPY).

The authoritative reference and input builder live on the scoring server;
editing this copy changes nothing except your own understanding.
"""

import jax, jax.numpy as jnp
import numpy as np

N_NODES = 10000
N_EDGES = 320000
D = 128


def glorot(key, shape):
    fan_in, fan_out = shape[0], shape[1]
    limit = float(np.sqrt(6.0 / (fan_in + fan_out)))
    return jax.random.uniform(key, shape, dtype=jnp.float32, minval=-limit, maxval=limit)


def setup_inputs(seed: int = 0) -> dict:
    key = jax.random.key(seed)
    k1, k2, k3, k4 = jax.random.split(key, 4)
    x = jax.random.normal(k1, (N_NODES, D), dtype=jnp.float32)
    edge_index = jax.random.randint(k2, (2, N_EDGES), 0, N_NODES, dtype=jnp.int64)
    W1 = glorot(k3, (D, D))
    b1 = jnp.zeros((D,), dtype=jnp.float32)
    W2 = glorot(k4, (D, D))
    b2 = jnp.zeros((D,), dtype=jnp.float32)
    return {"x": x, "edge_index": edge_index, "W1": W1, "b1": b1, "W2": W2, "b2": b2}


def gcn_conv(x, edge_index, W, b):
    # PyG GCNConv with normalize=True, add_self_loops=True:
    # out = D^{-1/2} (A + I) D^{-1/2} (X W) + b
    N = x.shape[0]
    row = edge_index[0]
    col = edge_index[1]
    loop = jnp.arange(N, dtype=row.dtype)
    row = jnp.concatenate([row, loop])
    col = jnp.concatenate([col, loop])
    ew = jnp.ones(row.shape[0], dtype=x.dtype)
    deg = jnp.zeros((N,), dtype=x.dtype).at[col].add(ew)
    deg_inv_sqrt = jnp.where(deg > 0, 1.0 / jnp.sqrt(jnp.where(deg > 0, deg, 1.0)), 0.0)
    norm = deg_inv_sqrt[row] * deg_inv_sqrt[col]
    xw = x @ W
    msg = xw[row] * norm[:, None]
    out = jnp.zeros_like(xw).at[col].add(msg)
    return out + b


def reference(x, edge_index, W1, b1, W2, b2):
    # GCNNet.forward (dropout=0, so dropout is a no-op)
    h = x + gcn_conv(x, edge_index, W1, b1)
    h = jax.nn.relu(h)
    h = h + gcn_conv(h, edge_index, W2, b2)
    return h

if __name__ == "__main__":
    import jax
    _d = setup_inputs()
    print(jax.jit(kernel)(*tuple(_d.values())))

</pallas_src>

<mosaic_0001>
#map = affine_map<(d0, d1) -> (0, 0, 0)>
#map1 = affine_map<(d0, d1) -> (0, 0)>
module attributes {stable_mosaic.version = 14 : i64} {
  func.func @_sc_degree_body(%arg0: i32, %arg1: i32, %arg2: memref<32x80x128xi32, #tpu.memory_space<hbm>>, %arg3: memref<20000x16xf32, #tpu.memory_space<hbm>>, %arg4: memref<8x128xi32, #tpu.memory_space<vmem>>, %arg5: memref<128x16xf32, #tpu.memory_space<vmem>>, %arg6: memref<128x16xf32, #tpu.memory_space<vmem>>, %arg7: memref<10008x16xf32, #tpu.memory_space<vmem_shared>>) attributes {dimension_semantics = [#tpu.dimension_semantics<core_parallel>, #tpu.dimension_semantics<subcore_parallel>], iteration_bounds = array<i64: 2, 16>, scalar_prefetch = 0 : i64, scratch_operands = 4 : i64, tpu.core_type = #tpu.core_type<sc_vector_subcore>, window_params = [{transform_indices = #map}, {transform_indices = #map1}]} {
    %mul3A = arith.constant 2 : i32
    %mul3A_0 = arith.muli %arg1, %mul3A : i32
    %add3A = arith.addi %mul3A_0, %arg0 : i32
    %scan3A = arith.constant 0 : i32
    %scan3A_1 = arith.constant 128 : i32
    %scan3A_2 = arith.addi %scan3A, %scan3A_1 : i32
    %scan3A_3 = arith.constant 1 : i32
    scf.for %scan3A_42 = %scan3A to %scan3A_2 step %scan3A_3  : i32 {
      %mul3A_43 = arith.constant 1 : i32
      %mul3A_44 = arith.muli %scan3A_42, %mul3A_43 : i32
      %add3A_45 = arith.constant 0 : i32
      %add3A_46 = arith.addi %add3A_45, %mul3A_44 : i32
      %broadcast_in_dim3A = arith.constant 1.000000e+00 : f32
      %broadcast_in_dim3A_47 = vector.broadcast %broadcast_in_dim3A : f32 to vector<16xf32>
      %swap3A = arith.index_cast %add3A_46 : i32 to index
      %swap3A_48 = arith.constant 0 : index
      %swap3A_49 = tpu.vector_load %arg5[%swap3A, %swap3A_48] {strides = array<i32>} : memref<128x16xf32, #tpu.memory_space<vmem>>, vector<1x16xf32>,
      %swap3A_50 = vector.shape_cast %swap3A_49 : vector<1x16xf32> to vector<16xf32>
      %swap3A_51 = vector.shape_cast %broadcast_in_dim3A_47 : vector<16xf32> to vector<1x16xf32>
      tpu.vector_store %arg5[%swap3A, %swap3A_48], %swap3A_51 {strides = array<i32>} : memref<128x16xf32, #tpu.memory_space<vmem>>, vector<1x16xf32>,
    }
    %scan3A_4 = arith.constant 128 : i32
    %scan3A_5 = arith.constant 0 : i32
    %scan3A_6 = arith.constant 128 : i32
    %scan3A_7 = arith.addi %scan3A_5, %scan3A_6 : i32
    %scan3A_8 = arith.constant 1 : i32
    scf.for %scan3A_42 = %scan3A_5 to %scan3A_7 step %scan3A_8  : i32 {
      %mul3A_43 = arith.constant 1 : i32
      %mul3A_44 = arith.muli %scan3A_42, %mul3A_43 : i32
      %add3A_45 = arith.constant 0 : i32
      %add3A_46 = arith.addi %add3A_45, %mul3A_44 : i32
      %scan3A_47 = arith.constant 0 : i32
      %mul3A_48 = arith.constant 1 : i32
      %mul3A_49 = arith.muli %scan3A_47, %mul3A_48 : i32
      %add3A_50 = arith.constant 0 : i32
      %add3A_51 = arith.addi %add3A_50, %mul3A_49 : i32
      %broadcast_in_dim3A = arith.constant 0.000000e+00 : f32
      %broadcast_in_dim3A_52 = vector.broadcast %broadcast_in_dim3A : f32 to vector<16xf32>
      %mul3A_53 = arith.constant 16 : i32
      %mul3A_54 = arith.muli %add3A_51, %mul3A_53 : i32
      %swap3A = arith.index_cast %add3A_46 : i32 to index
      %swap3A_55 = arith.index_cast %mul3A_54 : i32 to index
      %swap3A_56 = tpu.vector_load %arg6[%swap3A, %swap3A_55] {strides = array<i32>} : memref<128x16xf32, #tpu.memory_space<vmem>>, vector<1x16xf32>,
      %swap3A_57 = vector.shape_cast %swap3A_56 : vector<1x16xf32> to vector<16xf32>
      %swap3A_58 = vector.shape_cast %broadcast_in_dim3A_52 : vector<16xf32> to vector<1x16xf32>
      tpu.vector_store %arg6[%swap3A, %swap3A_55], %swap3A_58 {strides = array<i32>} : memref<128x16xf32, #tpu.memory_space<vmem>>, vector<1x16xf32>,
      %scan3A_59 = arith.constant 1 : i32
    }
    %scan3A_9 = arith.constant 128 : i32
    %mul3A_10 = arith.constant 624 : i32
    %mul3A_11 = arith.muli %arg1, %mul3A_10 : i32
    %add3A_12 = arith.constant 0 : i32
    %add3A_13 = arith.addi %mul3A_11, %add3A_12 : i32
    "tpu.region"() ({
      %run_scoped3A = tpu.sem_alloc : memref<!tpu.dma_semaphore, #tpu.memory_space<semaphore_mem>>
      %dma_start3A = arith.constant 0 : i32
      %dma_start3A_42 = tpu.memref_slice %arg7[%add3A_13, %dma_start3A] : memref<10008x16xf32, #tpu.memory_space<vmem_shared>> -> memref<128x16xf32, #tpu.memory_space<vmem_shared>>
      %dma_start3A_43 = arith.constant 0 : i32
      %dma_start3A_44 = tpu.memref_slice %arg7[%add3A_13, %dma_start3A_43] : memref<10008x16xf32, #tpu.memory_space<vmem_shared>> -> memref<128x16xf32, #tpu.memory_space<vmem_shared>>
      tpu.enqueue_dma source(%arg6 : memref<128x16xf32, #tpu.memory_space<vmem>>) target(%dma_start3A_44 : memref<128x16xf32, #tpu.memory_space<vmem_shared>>) target_semaphore(%run_scoped3A : memref<!tpu.dma_semaphore, #tpu.memory_space<semaphore_mem>>)
      %dma_wait3A = arith.constant 0 : i32
      %dma_wait3A_45 = tpu.memref_slice %arg7[%add3A_13, %dma_wait3A] : memref<10008x16xf32, #tpu.memory_space<vmem_shared>> -> memref<128x16xf32, #tpu.memory_space<vmem_shared>>
      %dma_wait3A_46 = arith.constant 0 : i32
      %dma_wait3A_47 = tpu.memref_slice %arg7[%add3A_13, %dma_wait3A_46] : memref<10008x16xf32, #tpu.memory_space<vmem_shared>> -> memref<128x16xf32, #tpu.memory_space<vmem_shared>>
      tpu.wait_dma2 semaphore(%run_scoped3A : memref<!tpu.dma_semaphore, #tpu.memory_space<semaphore_mem>>) src(%arg6 : memref<128x16xf32, #tpu.memory_space<vmem>>) dst(%dma_wait3A_47 : memref<128x16xf32, #tpu.memory_space<vmem_shared>>)
      tpu.yield
    }) : () -> ()
    %add3A_14 = arith.constant 128 : i32
    %add3A_15 = arith.addi %mul3A_11, %add3A_14 : i32
    "tpu.region"() ({
      %run_scoped3A = tpu.sem_alloc : memref<!tpu.dma_semaphore, #tpu.memory_space<semaphore_mem>>
      %dma_start3A = arith.constant 0 : i32
      %dma_start3A_42 = tpu.memref_slice %arg7[%add3A_15, %dma_start3A] : memref<10008x16xf32, #tpu.memory_space<vmem_shared>> -> memref<128x16xf32, #tpu.memory_space<vmem_shared>>
      %dma_start3A_43 = arith.constant 0 : i32
      %dma_start3A_44 = tpu.memref_slice %arg7[%add3A_15, %dma_start3A_43] : memref<10008x16xf32, #tpu.memory_space<vmem_shared>> -> memref<128x16xf32, #tpu.memory_space<vmem_shared>>
      tpu.enqueue_dma source(%arg6 : memref<128x16xf32, #tpu.memory_space<vmem>>) target(%dma_start3A_44 : memref<128x16xf32, #tpu.memory_space<vmem_shared>>) target_semaphore(%run_scoped3A : memref<!tpu.dma_semaphore, #tpu.memory_space<semaphore_mem>>)
      %dma_wait3A = arith.constant 0 : i32
      %dma_wait3A_45 = tpu.memref_slice %arg7[%add3A_15, %dma_wait3A] : memref<10008x16xf32, #tpu.memory_space<vmem_shared>> -> memref<128x16xf32, #tpu.memory_space<vmem_shared>>
      %dma_wait3A_46 = arith.constant 0 : i32
      %dma_wait3A_47 = tpu.memref_slice %arg7[%add3A_15, %dma_wait3A_46] : memref<10008x16xf32, #tpu.memory_space<vmem_shared>> -> memref<128x16xf32, #tpu.memory_space<vmem_shared>>
      tpu.wait_dma2 semaphore(%run_scoped3A : memref<!tpu.dma_semaphore, #tpu.memory_space<semaphore_mem>>) src(%arg6 : memref<128x16xf32, #tpu.memory_space<vmem>>) dst(%dma_wait3A_47 : memref<128x16xf32, #tpu.memory_space<vmem_shared>>)
      tpu.yield
    }) : () -> ()
    %add3A_16 = arith.constant 256 : i32
    %add3A_17 = arith.addi %mul3A_11, %add3A_16 : i32
    "tpu.region"() ({
      %run_scoped3A = tpu.sem_alloc : memref<!tpu.dma_semaphore, #tpu.memory_space<semaphore_mem>>
      %dma_start3A = arith.constant 0 : i32
      %dma_start3A_42 = tpu.memref_slice %arg7[%add3A_17, %dma_start3A] : memref<10008x16xf32, #tpu.memory_space<vmem_shared>> -> memref<128x16xf32, #tpu.memory_space<vmem_shared>>
      %dma_start3A_43 = arith.constant 0 : i32
      %dma_start3A_44 = tpu.memref_slice %arg7[%add3A_17, %dma_start3A_43] : memref<10008x16xf32, #tpu.memory_space<vmem_shared>> -> memref<128x16xf32, #tpu.memory_space<vmem_shared>>
      tpu.enqueue_dma source(%arg6 : memref<128x16xf32, #tpu.memory_space<vmem>>) target(%dma_start3A_44 : memref<128x16xf32, #tpu.memory_space<vmem_shared>>) target_semaphore(%run_scoped3A : memref<!tpu.dma_semaphore, #tpu.memory_space<semaphore_mem>>)
      %dma_wait3A = arith.constant 0 : i32
      %dma_wait3A_45 = tpu.memref_slice %arg7[%add3A_17, %dma_wait3A] : memref<10008x16xf32, #tpu.memory_space<vmem_shared>> -> memref<128x16xf32, #tpu.memory_space<vmem_shared>>
      %dma_wait3A_46 = arith.constant 0 : i32
      %dma_wait3A_47 = tpu.memref_slice %arg7[%add3A_17, %dma_wait3A_46] : memref<10008x16xf32, #tpu.memory_space<vmem_shared>> -> memref<128x16xf32, #tpu.memory_space<vmem_shared>>
      tpu.wait_dma2 semaphore(%run_scoped3A : memref<!tpu.dma_semaphore, #tpu.memory_space<semaphore_mem>>) src(%arg6 : memref<128x16xf32, #tpu.memory_space<vmem>>) dst(%dma_wait3A_47 : memref<128x16xf32, #tpu.memory_space<vmem_shared>>)
      tpu.yield
    }) : () -> ()
    %add3A_18 = arith.constant 384 : i32
    %add3A_19 = arith.addi %mul3A_11, %add3A_18 : i32
    "tpu.region"() ({
      %run_scoped3A = tpu.sem_alloc : memref<!tpu.dma_semaphore, #tpu.memory_space<semaphore_mem>>
      %dma_start3A = arith.constant 0 : i32
      %dma_start3A_42 = tpu.memref_slice %arg7[%add3A_19, %dma_start3A] : memref<10008x16xf32, #tpu.memory_space<vmem_shared>> -> memref<128x16xf32, #tpu.memory_space<vmem_shared>>
      %dma_start3A_43 = arith.constant 0 : i32
      %dma_start3A_44 = tpu.memref_slice %arg7[%add3A_19, %dma_start3A_43] : memref<10008x16xf32, #tpu.memory_space<vmem_shared>> -> memref<128x16xf32, #tpu.memory_space<vmem_shared>>
      tpu.enqueue_dma source(%arg6 : memref<128x16xf32, #tpu.memory_space<vmem>>) target(%dma_start3A_44 : memref<128x16xf32, #tpu.memory_space<vmem_shared>>) target_semaphore(%run_scoped3A : memref<!tpu.dma_semaphore, #tpu.memory_space<semaphore_mem>>)
      %dma_wait3A = arith.constant 0 : i32
      %dma_wait3A_45 = tpu.memref_slice %arg7[%add3A_19, %dma_wait3A] : memref<10008x16xf32, #tpu.memory_space<vmem_shared>> -> memref<128x16xf32, #tpu.memory_space<vmem_shared>>
      %dma_wait3A_46 = arith.constant 0 : i32
      %dma_wait3A_47 = tpu.memref_slice %arg7[%add3A_19, %dma_wait3A_46] : memref<10008x16xf32, #tpu.memory_space<vmem_shared>> -> memref<128x16xf32, #tpu.memory_space<vmem_shared>>
      tpu.wait_dma2 semaphore(%run_scoped3A : memref<!tpu.dma_semaphore, #tpu.memory_space<semaphore_mem>>) src(%arg6 : memref<128x16xf32, #tpu.memory_space<vmem>>) dst(%dma_wait3A_47 : memref<128x16xf32, #tpu.memory_space<vmem_shared>>)
      tpu.yield
    }) : () -> ()
    %add3A_20 = arith.constant 512 : i32
    %add3A_21 = arith.addi %mul3A_11, %add3A_20 : i32
    "tpu.region"() ({
      %run_scoped3A = tpu.sem_alloc : memref<!tpu.dma_semaphore, #tpu.memory_space<semaphore_mem>>
      %dma_start3A = arith.constant 0 : i32
      %dma_start3A_42 = arith.constant 0 : i32
      %dma_start3A_43 = tpu.memref_slice %arg6[%dma_start3A, %dma_start3A_42] : memref<128x16xf32, #tpu.memory_space<vmem>> -> memref<112x16xf32, #tpu.memory_space<vmem>>
      %dma_start3A_44 = arith.constant 0 : i32
      %dma_start3A_45 = tpu.memref_slice %arg7[%add3A_21, %dma_start3A_44] : memref<10008x16xf32, #tpu.memory_space<vmem_shared>> -> memref<112x16xf32, #tpu.memory_space<vmem_shared>>
      %dma_start3A_46 = arith.constant 0 : i32
      %dma_start3A_47 = tpu.memref_slice %arg7[%add3A_21, %dma_start3A_46] : memref<10008x16xf32, #tpu.memory_space<vmem_shared>> -> memref<112x16xf32, #tpu.memory_space<vmem_shared>>
      %dma_start3A_48 = arith.constant 0 : i32
      %dma_start3A_49 = arith.constant 0 : i32
      %dma_start3A_50 = tpu.memref_slice %arg6[%dma_start3A_48, %dma_start3A_49] : memref<128x16xf32, #tpu.memory_space<vmem>> -> memref<112x16xf32, #tpu.memory_space<vmem>>
      tpu.enqueue_dma source(%dma_start3A_50 : memref<112x16xf32, #tpu.memory_space<vmem>>) target(%dma_start3A_47 : memref<112x16xf32, #tpu.memory_space<vmem_shared>>) target_semaphore(%run_scoped3A : memref<!tpu.dma_semaphore, #tpu.memory_space<semaphore_mem>>)
      %dma_wait3A = arith.constant 0 : i32
      %dma_wait3A_51 = arith.constant 0 : i32
      %dma_wait3A_52 = tpu.memref_slice %arg6[%dma_wait3A, %dma_wait3A_51] : memref<128x16xf32, #tpu.memory_space<vmem>> -> memref<112x16xf32, #tpu.memory_space<vmem>>
      %dma_wait3A_53 = arith.constant 0 : i32
      %dma_wait3A_54 = tpu.memref_slice %arg7[%add3A_21, %dma_wait3A_53] : memref<10008x16xf32, #tpu.memory_space<vmem_shared>> -> memref<112x16xf32, #tpu.memory_space<vmem_shared>>
      %dma_wait3A_55 = arith.constant 0 : i32
      %dma_wait3A_56 = tpu.memref_slice %arg7[%add3A_21, %dma_wait3A_55] : memref<10008x16xf32, #tpu.memory_space<vmem_shared>> -> memref<112x16xf32, #tpu.memory_space<vmem_shared>>
      %dma_wait3A_57 = arith.constant 0 : i32
      %dma_wait3A_58 = arith.constant 0 : i32
      %dma_wait3A_59 = tpu.memref_slice %arg6[%dma_wait3A_57, %dma_wait3A_58] : memref<128x16xf32, #tpu.memory_space<vmem>> -> memref<112x16xf32, #tpu.memory_space<vmem>>
      tpu.wait_dma2 semaphore(%run_scoped3A : memref<!tpu.dma_semaphore, #tpu.memory_space<semaphore_mem>>) src(%dma_wait3A_59 : memref<112x16xf32, #tpu.memory_space<vmem>>) dst(%dma_wait3A_56 : memref<112x16xf32, #tpu.memory_space<vmem_shared>>)
      tpu.yield
    }) : () -> ()
    %eq3A = arith.constant 15 : i32
    %eq3A_22 = arith.cmpi eq, %arg1, %eq3A : i32
    %convert_element_type3A = arith.extui %eq3A_22 : i1 to i32
    %cond3A = arith.constant 0 : i32
    %cond3A_23 = arith.cmpi ne, %convert_element_type3A, %cond3A : i32
    scf.if %cond3A_23 {
      "tpu.region"() ({
        %run_scoped3A = tpu.sem_alloc : memref<!tpu.dma_semaphore, #tpu.memory_space<semaphore_mem>>
        %dma_start3A = arith.constant 0 : i32
        %dma_start3A_42 = arith.constant 0 : i32
        %dma_start3A_43 = tpu.memref_slice %arg6[%dma_start3A, %dma_start3A_42] : memref<128x16xf32, #tpu.memory_space<vmem>> -> memref<16x16xf32, #tpu.memory_space<vmem>>
        %dma_start3A_44 = arith.constant 9984 : i32
        %dma_start3A_45 = arith.constant 0 : i32
        %dma_start3A_46 = tpu.memref_slice %arg7[%dma_start3A_44, %dma_start3A_45] : memref<10008x16xf32, #tpu.memory_space<vmem_shared>> -> memref<16x16xf32, #tpu.memory_space<vmem_shared>>
        %dma_start3A_47 = arith.constant 9984 : i32
        %dma_start3A_48 = arith.constant 0 : i32
        %dma_start3A_49 = tpu.memref_slice %arg7[%dma_start3A_47, %dma_start3A_48] : memref<10008x16xf32, #tpu.memory_space<vmem_shared>> -> memref<16x16xf32, #tpu.memory_space<vmem_shared>>
        %dma_start3A_50 = arith.constant 0 : i32
        %dma_start3A_51 = arith.constant 0 : i32
        %dma_start3A_52 = tpu.memref_slice %arg6[%dma_start3A_50, %dma_start3A_51] : memref<128x16xf32, #tpu.memory_space<vmem>> -> memref<16x16xf32, #tpu.memory_space<vmem>>
        tpu.enqueue_dma source(%dma_start3A_52 : memref<16x16xf32, #tpu.memory_space<vmem>>) target(%dma_start3A_49 : memref<16x16xf32, #tpu.memory_space<vmem_shared>>) target_semaphore(%run_scoped3A : memref<!tpu.dma_semaphore, #tpu.memory_space<semaphore_mem>>)
        %dma_wait3A = arith.constant 0 : i32
        %dma_wait3A_53 = arith.constant 0 : i32
        %dma_wait3A_54 = tpu.memref_slice %arg6[%dma_wait3A, %dma_wait3A_53] : memref<128x16xf32, #tpu.memory_space<vmem>> -> memref<16x16xf32, #tpu.memory_space<vmem>>
        %dma_wait3A_55 = arith.constant 9984 : i32
        %dma_wait3A_56 = arith.constant 0 : i32
        %dma_wait3A_57 = tpu.memref_slice %arg7[%dma_wait3A_55, %dma_wait3A_56] : memref<10008x16xf32, #tpu.memory_space<vmem_shared>> -> memref<16x16xf32, #tpu.memory_space<vmem_shared>>
        %dma_wait3A_58 = arith.constant 9984 : i32
        %dma_wait3A_59 = arith.constant 0 : i32
        %dma_wait3A_60 = tpu.memref_slice %arg7[%dma_wait3A_58, %dma_wait3A_59] : memref<10008x16xf32, #tpu.memory_space<vmem_shared>> -> memref<16x16xf32, #tpu.memory_space<vmem_shared>>
        %dma_wait3A_61 = arith.constant 0 : i32
        %dma_wait3A_62 = arith.constant 0 : i32
        %dma_wait3A_63 = tpu.memref_slice %arg6[%dma_wait3A_61, %dma_wait3A_62] : memref<128x16xf32, #tpu.memory_space<vmem>> -> memref<16x16xf32, #tpu.memory_space<vmem>>
        tpu.wait_dma2 semaphore(%run_scoped3A : memref<!tpu.dma_semaphore, #tpu.memory_space<semaphore_mem>>) src(%dma_wait3A_63 : memref<16x16xf32, #tpu.memory_space<vmem>>) dst(%dma_wait3A_60 : memref<16x16xf32, #tpu.memory_space<vmem_shared>>)
        tpu.yield
      }) : () -> ()
    } else {
    }
    %barrier3A = arith.constant 0 : index
    tpu.barrier barrier_id(%barrier3A)
    %scan3A_24 = arith.constant 0 : i32
    %scan3A_25 = arith.constant 10 : i32
    %scan3A_26 = arith.addi %scan3A_24, %scan3A_25 : i32
    %scan3A_27 = arith.constant 1 : i32
    scf.for %scan3A_42 = %scan3A_24 to %scan3A_26 step %scan3A_27  : i32 {
      %mul3A_43 = arith.constant 1 : i32
      %mul3A_44 = arith.muli %scan3A_42, %mul3A_43 : i32
      %add3A_45 = arith.constant 0 : i32
      %add3A_46 = arith.addi %add3A_45, %mul3A_44 : i32
      %mul3A_47 = arith.constant 8 : i32
      %mul3A_48 = arith.muli %add3A_46, %mul3A_47 : i32
      "tpu.region"() ({
        %run_scoped3A = tpu.sem_alloc : memref<!tpu.dma_semaphore, #tpu.memory_space<semaphore_mem>>
        %dma_start3A = arith.constant 0 : i32
        %dma_start3A_54 = arith.constant 0 : i32
        %dma_start3A_55 = tpu.memref_slice %arg2[%add3A, %dma_start3A, %dma_start3A_54] : memref<32x80x128xi32, #tpu.memory_space<hbm>> -> memref<1x80x128xi32, #tpu.memory_space<hbm>>
        %dma_start3A_56 = tpu.memref_squeeze %dma_start3A_55 : memref<1x80x128xi32, #tpu.memory_space<hbm>> -> memref<80x128xi32, #tpu.memory_space<hbm>>
        %dma_start3A_57 = arith.constant 0 : i32
        %dma_start3A_58 = tpu.memref_slice %dma_start3A_56[%mul3A_48, %dma_start3A_57] : memref<80x128xi32, #tpu.memory_space<hbm>> -> memref<8x128xi32, #tpu.memory_space<hbm>>
        %dma_start3A_59 = arith.constant 0 : i32
        %dma_start3A_60 = arith.constant 0 : i32
        %dma_start3A_61 = tpu.memref_slice %arg2[%add3A, %dma_start3A_59, %dma_start3A_60] : memref<32x80x128xi32, #tpu.memory_space<hbm>> -> memref<1x80x128xi32, #tpu.memory_space<hbm>>
        %dma_start3A_62 = tpu.memref_squeeze %dma_start3A_61 : memref<1x80x128xi32, #tpu.memory_space<hbm>> -> memref<80x128xi32, #tpu.memory_space<hbm>>
        %dma_start3A_63 = arith.constant 0 : i32
        %dma_start3A_64 = tpu.memref_slice %dma_start3A_62[%mul3A_48, %dma_start3A_63] : memref<80x128xi32, #tpu.memory_space<hbm>> -> memref<8x128xi32, #tpu.memory_space<hbm>>
        tpu.enqueue_dma source(%dma_start3A_64 : memref<8x128xi32, #tpu.memory_space<hbm>>) target(%arg4 : memref<8x128xi32, #tpu.memory_space<vmem>>) target_semaphore(%run_scoped3A : memref<!tpu.dma_semaphore, #tpu.memory_space<semaphore_mem>>)
        %dma_wait3A = arith.constant 0 : i32
        %dma_wait3A_65 = arith.constant 0 : i32
        %dma_wait3A_66 = tpu.memref_slice %arg2[%add3A, %dma_wait3A, %dma_wait3A_65] : memref<32x80x128xi32, #tpu.memory_space<hbm>> -> memref<1x80x128xi32, #tpu.memory_space<hbm>>
        %dma_wait3A_67 = tpu.memref_squeeze %dma_wait3A_66 : memref<1x80x128xi32, #tpu.memory_space<hbm>> -> memref<80x128xi32, #tpu.memory_space<hbm>>
        %dma_wait3A_68 = arith.constant 0 : i32
        %dma_wait3A_69 = tpu.memref_slice %dma_wait3A_67[%mul3A_48, %dma_wait3A_68] : memref<80x128xi32, #tpu.memory_space<hbm>> -> memref<8x128xi32, #tpu.memory_space<hbm>>
        %dma_wait3A_70 = arith.constant 0 : i32
        %dma_wait3A_71 = arith.constant 0 : i32
        %dma_wait3A_72 = tpu.memref_slice %arg2[%add3A, %dma_wait3A_70, %dma_wait3A_71] : memref<32x80x128xi32, #tpu.memory_space<hbm>> -> memref<1x80x128xi32, #tpu.memory_space<hbm>>
        %dma_wait3A_73 = tpu.memref_squeeze %dma_wait3A_72 : memref<1x80x128xi32, #tpu.memory_space<hbm>> -> memref<80x128xi32, #tpu.memory_space<hbm>>
        %dma_wait3A_74 = arith.constant 0 : i32
        %dma_wait3A_75 = tpu.memref_slice %dma_wait3A_73[%mul3A_48, %dma_wait3A_74] : memref<80x128xi32, #tpu.memory_space<hbm>> -> memref<8x128xi32, #tpu.memory_space<hbm>>
        tpu.wait_dma2 semaphore(%run_scoped3A : memref<!tpu.dma_semaphore, #tpu.memory_space<semaphore_mem>>) src(%dma_wait3A_75 : memref<8x128xi32, #tpu.memory_space<hbm>>) dst(%arg4 : memref<8x128xi32, #tpu.memory_space<vmem>>)
        tpu.yield
      }) : () -> ()
      %scan3A_49 = arith.constant 0 : i32
      %scan3A_50 = arith.constant 8 : i32
      %scan3A_51 = arith.addi %scan3A_49, %scan3A_50 : i32
      %scan3A_52 = arith.constant 1 : i32
      scf.for %scan3A_54 = %scan3A_49 to %scan3A_51 step %scan3A_52  : i32 {
        %mul3A_55 = arith.constant 1 : i32
        %mul3A_56 = arith.muli %scan3A_54, %mul3A_55 : i32
        %add3A_57 = arith.constant 0 : i32
        %add3A_58 = arith.addi %add3A_57, %mul3A_56 : i32
        "tpu.region"() ({
          %run_scoped3A = tpu.sem_alloc : memref<!tpu.dma_semaphore, #tpu.memory_space<semaphore_mem>>
          %dma_start3A = arith.constant 0 : i32
          %dma_start3A_59 = tpu.memref_slice %arg4[%add3A_58, %dma_start3A] : memref<8x128xi32, #tpu.memory_space<vmem>> -> memref<1x128xi32, #tpu.memory_space<vmem>>
          %dma_start3A_60 = tpu.memref_squeeze %dma_start3A_59 : memref<1x128xi32, #tpu.memory_space<vmem>> -> memref<128xi32, #tpu.memory_space<vmem>>
          %dma_start3A_61 = arith.constant 0 : i32
          %dma_start3A_62 = arith.constant 0 : i32
          %dma_start3A_63 = tpu.memref_slice %arg7[%dma_start3A_61, %dma_start3A_62] : memref<10008x16xf32, #tpu.memory_space<vmem_shared>> -> memref<10008x16xf32, #tpu.memory_space<vmem_shared>>
          tpu.enqueue_indirect_dma source(%arg5 : memref<128x16xf32, #tpu.memory_space<vmem>>) target(%dma_start3A_63 : memref<10008x16xf32, #tpu.memory_space<vmem_shared>>) offsets(%dma_start3A_60 : memref<128xi32, #tpu.memory_space<vmem>>) semaphore(%run_scoped3A : memref<!tpu.dma_semaphore, #tpu.memory_space<semaphore_mem>>) {add = true}
          %dma_wait3A = arith.constant 0 : i32
          %dma_wait3A_64 = tpu.memref_slice %arg4[%add3A_58, %dma_wait3A] : memref<8x128xi32, #tpu.memory_space<vmem>> -> memref<1x128xi32, #tpu.memory_space<vmem>>
          %dma_wait3A_65 = tpu.memref_squeeze %dma_wait3A_64 : memref<1x128xi32, #tpu.memory_space<vmem>> -> memref<128xi32, #tpu.memory_space<vmem>>
          %dma_wait3A_66 = arith.constant 0 : i32
          %dma_wait3A_67 = arith.constant 0 : i32
          %dma_wait3A_68 = tpu.memref_slice %arg7[%dma_wait3A_66, %dma_wait3A_67] : memref<10008x16xf32, #tpu.memory_space<vmem_shared>> -> memref<10008x16xf32, #tpu.memory_space<vmem_shared>>
          tpu.wait_indirect_dma semaphore(%run_scoped3A : memref<!tpu.dma_semaphore, #tpu.memory_space<semaphore_mem>>) src(%arg5 : memref<128x16xf32, #tpu.memory_space<vmem>>) dst(%dma_wait3A_68 : memref<10008x16xf32, #tpu.memory_space<vmem_shared>>)
          tpu.yield
        }) : () -> ()
      }
      %scan3A_53 = arith.constant 8 : i32
    }
    %scan3A_28 = arith.constant 10 : i32
    %barrier3A_29 = arith.constant 0 : index
    tpu.barrier barrier_id(%barrier3A_29)
    %mul3A_30 = arith.constant 624 : i32
    %mul3A_31 = arith.muli %arg1, %mul3A_30 : i32
    %mul3A_32 = arith.constant 10000 : i32
    %mul3A_33 = arith.muli %arg0, %mul3A_32 : i32
    %mul3A_34 = arith.constant 624 : i32
    %mul3A_35 = arith.muli %arg1, %mul3A_34 : i32
    %add3A_36 = arith.addi %mul3A_33, %mul3A_35 : i32
    "tpu.region"() ({
      %run_scoped3A = tpu.sem_alloc : memref<!tpu.dma_semaphore, #tpu.memory_space<semaphore_mem>>
      %dma_start3A = arith.constant 0 : i32
      %dma_start3A_42 = tpu.memref_slice %arg3[%add3A_36, %dma_start3A] : memref<20000x16xf32, #tpu.memory_space<hbm>> -> memref<624x16xf32, #tpu.memory_space<hbm>>
      %dma_start3A_43 = arith.constant 0 : i32
      %dma_start3A_44 = tpu.memref_slice %arg7[%mul3A_31, %dma_start3A_43] : memref<10008x16xf32, #tpu.memory_space<vmem_shared>> -> memref<624x16xf32, #tpu.memory_space<vmem_shared>>
      tpu.enqueue_dma source(%dma_start3A_44 : memref<624x16xf32, #tpu.memory_space<vmem_shared>>) target(%dma_start3A_42 : memref<624x16xf32, #tpu.memory_space<hbm>>) target_semaphore(%run_scoped3A : memref<!tpu.dma_semaphore, #tpu.memory_space<semaphore_mem>>)
      %dma_wait3A = arith.constant 0 : i32
      %dma_wait3A_45 = tpu.memref_slice %arg3[%add3A_36, %dma_wait3A] : memref<20000x16xf32, #tpu.memory_space<hbm>> -> memref<624x16xf32, #tpu.memory_space<hbm>>
      %dma_wait3A_46 = arith.constant 0 : i32
      %dma_wait3A_47 = tpu.memref_slice %arg7[%mul3A_31, %dma_wait3A_46] : memref<10008x16xf32, #tpu.memory_space<vmem_shared>> -> memref<624x16xf32, #tpu.memory_space<vmem_shared>>
      tpu.wait_dma2 semaphore(%run_scoped3A : memref<!tpu.dma_semaphore, #tpu.memory_space<semaphore_mem>>) src(%dma_wait3A_47 : memref<624x16xf32, #tpu.memory_space<vmem_shared>>) dst(%dma_wait3A_45 : memref<624x16xf32, #tpu.memory_space<hbm>>)
      tpu.yield
    }) : () -> ()
    %eq3A_37 = arith.constant 15 : i32
    %eq3A_38 = arith.cmpi eq, %arg1, %eq3A_37 : i32
    %convert_element_type3A_39 = arith.extui %eq3A_38 : i1 to i32
    %cond3A_40 = arith.constant 0 : i32
    %cond3A_41 = arith.cmpi ne, %convert_element_type3A_39, %cond3A_40 : i32
    scf.if %cond3A_41 {
      %mul3A_42 = arith.constant 10000 : i32
      %mul3A_43 = arith.muli %arg0, %mul3A_42 : i32
      %add3A_44 = arith.constant 9984 : i32
      %add3A_45 = arith.addi %mul3A_43, %add3A_44 : i32
      "tpu.region"() ({
        %run_scoped3A = tpu.sem_alloc : memref<!tpu.dma_semaphore, #tpu.memory_space<semaphore_mem>>
        %dma_start3A = arith.constant 0 : i32
        %dma_start3A_46 = tpu.memref_slice %arg3[%add3A_45, %dma_start3A] : memref<20000x16xf32, #tpu.memory_space<hbm>> -> memref<16x16xf32, #tpu.memory_space<hbm>>
        %dma_start3A_47 = arith.constant 9984 : i32
        %dma_start3A_48 = arith.constant 0 : i32
        %dma_start3A_49 = tpu.memref_slice %arg7[%dma_start3A_47, %dma_start3A_48] : memref<10008x16xf32, #tpu.memory_space<vmem_shared>> -> memref<16x16xf32, #tpu.memory_space<vmem_shared>>
        tpu.enqueue_dma source(%dma_start3A_49 : memref<16x16xf32, #tpu.memory_space<vmem_shared>>) target(%dma_start3A_46 : memref<16x16xf32, #tpu.memory_space<hbm>>) target_semaphore(%run_scoped3A : memref<!tpu.dma_semaphore, #tpu.memory_space<semaphore_mem>>)
        %dma_wait3A = arith.constant 0 : i32
        %dma_wait3A_50 = tpu.memref_slice %arg3[%add3A_45, %dma_wait3A] : memref<20000x16xf32, #tpu.memory_space<hbm>> -> memref<16x16xf32, #tpu.memory_space<hbm>>
        %dma_wait3A_51 = arith.constant 9984 : i32
        %dma_wait3A_52 = arith.constant 0 : i32
        %dma_wait3A_53 = tpu.memref_slice %arg7[%dma_wait3A_51, %dma_wait3A_52] : memref<10008x16xf32, #tpu.memory_space<vmem_shared>> -> memref<16x16xf32, #tpu.memory_space<vmem_shared>>
        tpu.wait_dma2 semaphore(%run_scoped3A : memref<!tpu.dma_semaphore, #tpu.memory_space<semaphore_mem>>) src(%dma_wait3A_53 : memref<16x16xf32, #tpu.memory_space<vmem_shared>>) dst(%dma_wait3A_50 : memref<16x16xf32, #tpu.memory_space<hbm>>)
        tpu.yield
      }) : () -> ()
    } else {
    }
    return
  }
}

#map = affine_map<(d0, d1) -> (0, 0)>
#map1 = affine_map<(d0, d1) -> (0, 0, 0)>
module attributes {stable_mosaic.version = 14 : i64} {
  func.func @_sc_scatter_body(%arg0: i32, %arg1: i32, %arg2: memref<10000x128xf32, #tpu.memory_space<hbm>>, %arg3: memref<32x80x128xi32, #tpu.memory_space<hbm>>, %arg4: memref<32x80x128xi32, #tpu.memory_space<hbm>>, %arg5: memref<20000x128xf32, #tpu.memory_space<hbm>>, %arg6: memref<40x128xi32, #tpu.memory_space<vmem>>, %arg7: memref<40x128xi32, #tpu.memory_space<vmem>>, %arg8: memref<128x128xf32, #tpu.memory_space<vmem>>, %arg9: memref<128x128xf32, #tpu.memory_space<vmem>>, %arg10: memref<10008x128xf32, #tpu.memory_space<vmem_shared>>, %arg11: memref<!tpu.dma_semaphore, #tpu.memory_space<semaphore_mem>>, %arg12: memref<!tpu.dma_semaphore, #tpu.memory_space<semaphore_mem>>, %arg13: memref<!tpu.dma_semaphore, #tpu.memory_space<semaphore_mem>>, %arg14: memref<!tpu.dma_semaphore, #tpu.memory_space<semaphore_mem>>) attributes {dimension_semantics = [#tpu.dimension_semantics<core_parallel>, #tpu.dimension_semantics<subcore_parallel>], iteration_bounds = array<i64: 2, 16>, scalar_prefetch = 0 : i64, scratch_operands = 9 : i64, tpu.core_type = #tpu.core_type<sc_vector_subcore>, window_params = [{transform_indices = #map}, {transform_indices = #map1}, {transform_indices = #map1}, {transform_indices = #map}]} {
    %mul3A = arith.constant 2 : i32
    %mul3A_0 = arith.muli %arg1, %mul3A : i32
    %add3A = arith.addi %mul3A_0, %arg0 : i32
    %scan3A = arith.constant 0 : i32
    %scan3A_1 = arith.constant 128 : i32
    %scan3A_2 = arith.addi %scan3A, %scan3A_1 : i32
    %scan3A_3 = arith.constant 1 : i32
    scf.for %scan3A_152 = %scan3A to %scan3A_2 step %scan3A_3  : i32 {
      %mul3A_153 = arith.constant 1 : i32
      %mul3A_154 = arith.muli %scan3A_152, %mul3A_153 : i32
      %add3A_155 = arith.constant 0 : i32
      %add3A_156 = arith.addi %add3A_155, %mul3A_154 : i32
      %scan3A_157 = arith.constant 0 : i32
      %scan3A_158 = arith.constant 8 : i32
      %scan3A_159 = arith.addi %scan3A_157, %scan3A_158 : i32
      %scan3A_160 = arith.constant 1 : i32
      scf.for %scan3A_162 = %scan3A_157 to %scan3A_159 step %scan3A_160  : i32 {
        %mul3A_163 = arith.constant 1 : i32
        %mul3A_164 = arith.muli %scan3A_162, %mul3A_163 : i32
        %add3A_165 = arith.constant 0 : i32
        %add3A_166 = arith.addi %add3A_165, %mul3A_164 : i32
        %broadcast_in_dim3A = arith.constant 0.000000e+00 : f32
        %broadcast_in_dim3A_167 = vector.broadcast %broadcast_in_dim3A : f32 to vector<16xf32>
        %mul3A_168 = arith.constant 16 : i32
        %mul3A_169 = arith.muli %add3A_166, %mul3A_168 : i32
        %swap3A = arith.index_cast %add3A_156 : i32 to index
        %swap3A_170 = arith.index_cast %mul3A_169 : i32 to index
        %swap3A_171 = tpu.vector_load %arg8[%swap3A, %swap3A_170] {strides = array<i32>} : memref<128x128xf32, #tpu.memory_space<vmem>>, vector<1x16xf32>,
        %swap3A_172 = vector.shape_cast %swap3A_171 : vector<1x16xf32> to vector<16xf32>
        %swap3A_173 = vector.shape_cast %broadcast_in_dim3A_167 : vector<16xf32> to vector<1x16xf32>
        tpu.vector_store %arg8[%swap3A, %swap3A_170], %swap3A_173 {strides = array<i32>} : memref<128x128xf32, #tpu.memory_space<vmem>>, vector<1x16xf32>,
      }
      %scan3A_161 = arith.constant 8 : i32
    }
    %scan3A_4 = arith.constant 128 : i32
    %mul3A_5 = arith.constant 624 : i32
    %mul3A_6 = arith.muli %arg1, %mul3A_5 : i32
    %add3A_7 = arith.constant 0 : i32
    %add3A_8 = arith.addi %mul3A_6, %add3A_7 : i32
    "tpu.region"() ({
      %run_scoped3A = tpu.sem_alloc : memref<!tpu.dma_semaphore, #tpu.memory_space<semaphore_mem>>
      %dma_start3A_152 = arith.constant 0 : i32
      %dma_start3A_153 = tpu.memref_slice %arg10[%add3A_8, %dma_start3A_152] : memref<10008x128xf32, #tpu.memory_space<vmem_shared>> -> memref<128x128xf32, #tpu.memory_space<vmem_shared>>
      %dma_start3A_154 = arith.constant 0 : i32
      %dma_start3A_155 = tpu.memref_slice %arg10[%add3A_8, %dma_start3A_154] : memref<10008x128xf32, #tpu.memory_space<vmem_shared>> -> memref<128x128xf32, #tpu.memory_space<vmem_shared>>
      tpu.enqueue_dma source(%arg8 : memref<128x128xf32, #tpu.memory_space<vmem>>) target(%dma_start3A_155 : memref<128x128xf32, #tpu.memory_space<vmem_shared>>) target_semaphore(%run_scoped3A : memref<!tpu.dma_semaphore, #tpu.memory_space<semaphore_mem>>)
      %dma_wait3A_156 = arith.constant 0 : i32
      %dma_wait3A_157 = tpu.memref_slice %arg10[%add3A_8, %dma_wait3A_156] : memref<10008x128xf32, #tpu.memory_space<vmem_shared>> -> memref<128x128xf32, #tpu.memory_space<vmem_shared>>
      %dma_wait3A_158 = arith.constant 0 : i32
      %dma_wait3A_159 = tpu.memref_slice %arg10[%add3A_8, %dma_wait3A_158] : memref<10008x128xf32, #tpu.memory_space<vmem_shared>> -> memref<128x128xf32, #tpu.memory_space<vmem_shared>>
      tpu.wait_dma2 semaphore(%run_scoped3A : memref<!tpu.dma_semaphore, #tpu.memory_space<semaphore_mem>>) src(%arg8 : memref<128x128xf32, #tpu.memory_space<vmem>>) dst(%dma_wait3A_159 : memref<128x128xf32, #tpu.memory_space<vmem_shared>>)
      tpu.yield
    }) : () -> ()
    %add3A_9 = arith.constant 128 : i32
    %add3A_10 = arith.addi %mul3A_6, %add3A_9 : i32
    "tpu.region"() ({
      %run_scoped3A = tpu.sem_alloc : memref<!tpu.dma_semaphore, #tpu.memory_space<semaphore_mem>>
      %dma_start3A_152 = arith.constant 0 : i32
      %dma_start3A_153 = tpu.memref_slice %arg10[%add3A_10, %dma_start3A_152] : memref<10008x128xf32, #tpu.memory_space<vmem_shared>> -> memref<128x128xf32, #tpu.memory_space<vmem_shared>>
      %dma_start3A_154 = arith.constant 0 : i32
      %dma_start3A_155 = tpu.memref_slice %arg10[%add3A_10, %dma_start3A_154] : memref<10008x128xf32, #tpu.memory_space<vmem_shared>> -> memref<128x128xf32, #tpu.memory_space<vmem_shared>>
      tpu.enqueue_dma source(%arg8 : memref<128x128xf32, #tpu.memory_space<vmem>>) target(%dma_start3A_155 : memref<128x128xf32, #tpu.memory_space<vmem_shared>>) target_semaphore(%run_scoped3A : memref<!tpu.dma_semaphore, #tpu.memory_space<semaphore_mem>>)
      %dma_wait3A_156 = arith.constant 0 : i32
      %dma_wait3A_157 = tpu.memref_slice %arg10[%add3A_10, %dma_wait3A_156] : memref<10008x128xf32, #tpu.memory_space<vmem_shared>> -> memref<128x128xf32, #tpu.memory_space<vmem_shared>>
      %dma_wait3A_158 = arith.constant 0 : i32
      %dma_wait3A_159 = tpu.memref_slice %arg10[%add3A_10, %dma_wait3A_158] : memref<10008x128xf32, #tpu.memory_space<vmem_shared>> -> memref<128x128xf32, #tpu.memory_space<vmem_shared>>
      tpu.wait_dma2 semaphore(%run_scoped3A : memref<!tpu.dma_semaphore, #tpu.memory_space<semaphore_mem>>) src(%arg8 : memref<128x128xf32, #tpu.memory_space<vmem>>) dst(%dma_wait3A_159 : memref<128x128xf32, #tpu.memory_space<vmem_shared>>)
      tpu.yield
    }) : () -> ()
    %add3A_11 = arith.constant 256 : i32
    %add3A_12 = arith.addi %mul3A_6, %add3A_11 : i32
    "tpu.region"() ({
      %run_scoped3A = tpu.sem_alloc : memref<!tpu.dma_semaphore, #tpu.memory_space<semaphore_mem>>
      %dma_start3A_152 = arith.constant 0 : i32
      %dma_start3A_153 = tpu.memref_slice %arg10[%add3A_12, %dma_start3A_152] : memref<10008x128xf32, #tpu.memory_space<vmem_shared>> -> memref<128x128xf32, #tpu.memory_space<vmem_shared>>
      %dma_start3A_154 = arith.constant 0 : i32
      %dma_start3A_155 = tpu.memref_slice %arg10[%add3A_12, %dma_start3A_154] : memref<10008x128xf32, #tpu.memory_space<vmem_shared>> -> memref<128x128xf32, #tpu.memory_space<vmem_shared>>
      tpu.enqueue_dma source(%arg8 : memref<128x128xf32, #tpu.memory_space<vmem>>) target(%dma_start3A_155 : memref<128x128xf32, #tpu.memory_space<vmem_shared>>) target_semaphore(%run_scoped3A : memref<!tpu.dma_semaphore, #tpu.memory_space<semaphore_mem>>)
      %dma_wait3A_156 = arith.constant 0 : i32
      %dma_wait3A_157 = tpu.memref_slice %arg10[%add3A_12, %dma_wait3A_156] : memref<10008x128xf32, #tpu.memory_space<vmem_shared>> -> memref<128x128xf32, #tpu.memory_space<vmem_shared>>
      %dma_wait3A_158 = arith.constant 0 : i32
      %dma_wait3A_159 = tpu.memref_slice %arg10[%add3A_12, %dma_wait3A_158] : memref<10008x128xf32, #tpu.memory_space<vmem_shared>> -> memref<128x128xf32, #tpu.memory_space<vmem_shared>>
      tpu.wait_dma2 semaphore(%run_scoped3A : memref<!tpu.dma_semaphore, #tpu.memory_space<semaphore_mem>>) src(%arg8 : memref<128x128xf32, #tpu.memory_space<vmem>>) dst(%dma_wait3A_159 : memref<128x128xf32, #tpu.memory_space<vmem_shared>>)
      tpu.yield
    }) : () -> ()
    %add3A_13 = arith.constant 384 : i32
    %add3A_14 = arith.addi %mul3A_6, %add3A_13 : i32
    "tpu.region"() ({
      %run_scoped3A = tpu.sem_alloc : memref<!tpu.dma_semaphore, #tpu.memory_space<semaphore_mem>>
      %dma_start3A_152 = arith.constant 0 : i32
      %dma_start3A_153 = tpu.memref_slice %arg10[%add3A_14, %dma_start3A_152] : memref<10008x128xf32, #tpu.memory_space<vmem_shared>> -> memref<128x128xf32, #tpu.memory_space<vmem_shared>>
      %dma_start3A_154 = arith.constant 0 : i32
      %dma_start3A_155 = tpu.memref_slice %arg10[%add3A_14, %dma_start3A_154] : memref<10008x128xf32, #tpu.memory_space<vmem_shared>> -> memref<128x128xf32, #tpu.memory_space<vmem_shared>>
      tpu.enqueue_dma source(%arg8 : memref<128x128xf32, #tpu.memory_space<vmem>>) target(%dma_start3A_155 : memref<128x128xf32, #tpu.memory_space<vmem_shared>>) target_semaphore(%run_scoped3A : memref<!tpu.dma_semaphore, #tpu.memory_space<semaphore_mem>>)
      %dma_wait3A_156 = arith.constant 0 : i32
      %dma_wait3A_157 = tpu.memref_slice %arg10[%add3A_14, %dma_wait3A_156] : memref<10008x128xf32, #tpu.memory_space<vmem_shared>> -> memref<128x128xf32, #tpu.memory_space<vmem_shared>>
      %dma_wait3A_158 = arith.constant 0 : i32
      %dma_wait3A_159 = tpu.memref_slice %arg10[%add3A_14, %dma_wait3A_158] : memref<10008x128xf32, #tpu.memory_space<vmem_shared>> -> memref<128x128xf32, #tpu.memory_space<vmem_shared>>
      tpu.wait_dma2 semaphore(%run_scoped3A : memref<!tpu.dma_semaphore, #tpu.memory_space<semaphore_mem>>) src(%arg8 : memref<128x128xf32, #tpu.memory_space<vmem>>) dst(%dma_wait3A_159 : memref<128x128xf32, #tpu.memory_space<vmem_shared>>)
      tpu.yield
    }) : () -> ()
    %add3A_15 = arith.constant 512 : i32
    %add3A_16 = arith.addi %mul3A_6, %add3A_15 : i32
    "tpu.region"() ({
      %run_scoped3A = tpu.sem_alloc : memref<!tpu.dma_semaphore, #tpu.memory_space<semaphore_mem>>
      %dma_start3A_152 = arith.constant 0 : i32
      %dma_start3A_153 = arith.constant 0 : i32
      %dma_start3A_154 = tpu.memref_slice %arg8[%dma_start3A_152, %dma_start3A_153] : memref<128x128xf32, #tpu.memory_space<vmem>> -> memref<112x128xf32, #tpu.memory_space<vmem>>
      %dma_start3A_155 = arith.constant 0 : i32
      %dma_start3A_156 = tpu.memref_slice %arg10[%add3A_16, %dma_start3A_155] : memref<10008x128xf32, #tpu.memory_space<vmem_shared>> -> memref<112x128xf32, #tpu.memory_space<vmem_shared>>
      %dma_start3A_157 = arith.constant 0 : i32
      %dma_start3A_158 = tpu.memref_slice %arg10[%add3A_16, %dma_start3A_157] : memref<10008x128xf32, #tpu.memory_space<vmem_shared>> -> memref<112x128xf32, #tpu.memory_space<vmem_shared>>
      %dma_start3A_159 = arith.constant 0 : i32
      %dma_start3A_160 = arith.constant 0 : i32
      %dma_start3A_161 = tpu.memref_slice %arg8[%dma_start3A_159, %dma_start3A_160] : memref<128x128xf32, #tpu.memory_space<vmem>> -> memref<112x128xf32, #tpu.memory_space<vmem>>
      tpu.enqueue_dma source(%dma_start3A_161 : memref<112x128xf32, #tpu.memory_space<vmem>>) target(%dma_start3A_158 : memref<112x128xf32, #tpu.memory_space<vmem_shared>>) target_semaphore(%run_scoped3A : memref<!tpu.dma_semaphore, #tpu.memory_space<semaphore_mem>>)
      %dma_wait3A_162 = arith.constant 0 : i32
      %dma_wait3A_163 = arith.constant 0 : i32
      %dma_wait3A_164 = tpu.memref_slice %arg8[%dma_wait3A_162, %dma_wait3A_163] : memref<128x128xf32, #tpu.memory_space<vmem>> -> memref<112x128xf32, #tpu.memory_space<vmem>>
      %dma_wait3A_165 = arith.constant 0 : i32
      %dma_wait3A_166 = tpu.memref_slice %arg10[%add3A_16, %dma_wait3A_165] : memref<10008x128xf32, #tpu.memory_space<vmem_shared>> -> memref<112x128xf32, #tpu.memory_space<vmem_shared>>
      %dma_wait3A_167 = arith.constant 0 : i32
      %dma_wait3A_168 = tpu.memref_slice %arg10[%add3A_16, %dma_wait3A_167] : memref<10008x128xf32, #tpu.memory_space<vmem_shared>> -> memref<112x128xf32, #tpu.memory_space<vmem_shared>>
      %dma_wait3A_169 = arith.constant 0 : i32
      %dma_wait3A_170 = arith.constant 0 : i32
      %dma_wait3A_171 = tpu.memref_slice %arg8[%dma_wait3A_169, %dma_wait3A_170] : memref<128x128xf32, #tpu.memory_space<vmem>> -> memref<112x128xf32, #tpu.memory_space<vmem>>
      tpu.wait_dma2 semaphore(%run_scoped3A : memref<!tpu.dma_semaphore, #tpu.memory_space<semaphore_mem>>) src(%dma_wait3A_171 : memref<112x128xf32, #tpu.memory_space<vmem>>) dst(%dma_wait3A_168 : memref<112x128xf32, #tpu.memory_space<vmem_shared>>)
      tpu.yield
    }) : () -> ()
    %eq3A = arith.constant 15 : i32
    %eq3A_17 = arith.cmpi eq, %arg1, %eq3A : i32
    %convert_element_type3A = arith.extui %eq3A_17 : i1 to i32
    %cond3A = arith.constant 0 : i32
    %cond3A_18 = arith.cmpi ne, %convert_element_type3A, %cond3A : i32
    scf.if %cond3A_18 {
      "tpu.region"() ({
        %run_scoped3A = tpu.sem_alloc : memref<!tpu.dma_semaphore, #tpu.memory_space<semaphore_mem>>
        %dma_start3A_152 = arith.constant 0 : i32
        %dma_start3A_153 = arith.constant 0 : i32
        %dma_start3A_154 = tpu.memref_slice %arg8[%dma_start3A_152, %dma_start3A_153] : memref<128x128xf32, #tpu.memory_space<vmem>> -> memref<16x128xf32, #tpu.memory_space<vmem>>
        %dma_start3A_155 = arith.constant 9984 : i32
        %dma_start3A_156 = arith.constant 0 : i32
        %dma_start3A_157 = tpu.memref_slice %arg10[%dma_start3A_155, %dma_start3A_156] : memref<10008x128xf32, #tpu.memory_space<vmem_shared>> -> memref<16x128xf32, #tpu.memory_space<vmem_shared>>
        %dma_start3A_158 = arith.constant 9984 : i32
        %dma_start3A_159 = arith.constant 0 : i32
        %dma_start3A_160 = tpu.memref_slice %arg10[%dma_start3A_158, %dma_start3A_159] : memref<10008x128xf32, #tpu.memory_space<vmem_shared>> -> memref<16x128xf32, #tpu.memory_space<vmem_shared>>
        %dma_start3A_161 = arith.constant 0 : i32
        %dma_start3A_162 = arith.constant 0 : i32
        %dma_start3A_163 = tpu.memref_slice %arg8[%dma_start3A_161, %dma_start3A_162] : memref<128x128xf32, #tpu.memory_space<vmem>> -> memref<16x128xf32, #tpu.memory_space<vmem>>
        tpu.enqueue_dma source(%dma_start3A_163 : memref<16x128xf32, #tpu.memory_space<vmem>>) target(%dma_start3A_160 : memref<16x128xf32, #tpu.memory_space<vmem_shared>>) target_semaphore(%run_scoped3A : memref<!tpu.dma_semaphore, #tpu.memory_space<semaphore_mem>>)
        %dma_wait3A_164 = arith.constant 0 : i32
        %dma_wait3A_165 = arith.constant 0 : i32
        %dma_wait3A_166 = tpu.memref_slice %arg8[%dma_wait3A_164, %dma_wait3A_165] : memref<128x128xf32, #tpu.memory_space<vmem>> -> memref<16x128xf32, #tpu.memory_space<vmem>>
        %dma_wait3A_167 = arith.constant 9984 : i32
        %dma_wait3A_168 = arith.constant 0 : i32
        %dma_wait3A_169 = tpu.memref_slice %arg10[%dma_wait3A_167, %dma_wait3A_168] : memref<10008x128xf32, #tpu.memory_space<vmem_shared>> -> memref<16x128xf32, #tpu.memory_space<vmem_shared>>
        %dma_wait3A_170 = arith.constant 9984 : i32
        %dma_wait3A_171 = arith.constant 0 : i32
        %dma_wait3A_172 = tpu.memref_slice %arg10[%dma_wait3A_170, %dma_wait3A_171] : memref<10008x128xf32, #tpu.memory_space<vmem_shared>> -> memref<16x128xf32, #tpu.memory_space<vmem_shared>>
        %dma_wait3A_173 = arith.constant 0 : i32
        %dma_wait3A_174 = arith.constant 0 : i32
        %dma_wait3A_175 = tpu.memref_slice %arg8[%dma_wait3A_173, %dma_wait3A_174] : memref<128x128xf32, #tpu.memory_space<vmem>> -> memref<16x128xf32, #tpu.memory_space<vmem>>
        tpu.wait_dma2 semaphore(%run_scoped3A : memref<!tpu.dma_semaphore, #tpu.memory_space<semaphore_mem>>) src(%dma_wait3A_175 : memref<16x128xf32, #tpu.memory_space<vmem>>) dst(%dma_wait3A_172 : memref<16x128xf32, #tpu.memory_space<vmem_shared>>)
        tpu.yield
      }) : () -> ()
    } else {
    }
    %barrier3A = arith.constant 0 : index
    tpu.barrier barrier_id(%barrier3A)
    "tpu.region"() ({
      %run_scoped3A = tpu.sem_alloc : memref<!tpu.dma_semaphore, #tpu.memory_space<semaphore_mem>>
      %dma_start3A_152 = arith.constant 0 : i32
      %dma_start3A_153 = arith.constant 0 : i32
      %dma_start3A_154 = tpu.memref_slice %arg3[%add3A, %dma_start3A_152, %dma_start3A_153] : memref<32x80x128xi32, #tpu.memory_space<hbm>> -> memref<1x80x128xi32, #tpu.memory_space<hbm>>
      %dma_start3A_155 = tpu.memref_squeeze %dma_start3A_154 : memref<1x80x128xi32, #tpu.memory_space<hbm>> -> memref<80x128xi32, #tpu.memory_space<hbm>>
      %dma_start3A_156 = arith.constant 0 : i32
      %dma_start3A_157 = arith.constant 0 : i32
      %dma_start3A_158 = tpu.memref_slice %dma_start3A_155[%dma_start3A_156, %dma_start3A_157] : memref<80x128xi32, #tpu.memory_space<hbm>> -> memref<40x128xi32, #tpu.memory_space<hbm>>
      %dma_start3A_159 = arith.constant 0 : i32
      %dma_start3A_160 = arith.constant 0 : i32
      %dma_start3A_161 = tpu.memref_slice %arg3[%add3A, %dma_start3A_159, %dma_start3A_160] : memref<32x80x128xi32, #tpu.memory_space<hbm>> -> memref<1x80x128xi32, #tpu.memory_space<hbm>>
      %dma_start3A_162 = tpu.memref_squeeze %dma_start3A_161 : memref<1x80x128xi32, #tpu.memory_space<hbm>> -> memref<80x128xi32, #tpu.memory_space<hbm>>
      %dma_start3A_163 = arith.constant 0 : i32
      %dma_start3A_164 = arith.constant 0 : i32
      %dma_start3A_165 = tpu.memref_slice %dma_start3A_162[%dma_start3A_163, %dma_start3A_164] : memref<80x128xi32, #tpu.memory_space<hbm>> -> memref<40x128xi32, #tpu.memory_space<hbm>>
      tpu.enqueue_dma source(%dma_start3A_165 : memref<40x128xi32, #tpu.memory_space<hbm>>) target(%arg6 : memref<40x128xi32, #tpu.memory_space<vmem>>) target_semaphore(%run_scoped3A : memref<!tpu.dma_semaphore, #tpu.memory_space<semaphore_mem>>)
      %dma_wait3A_166 = arith.constant 0 : i32
      %dma_wait3A_167 = arith.constant 0 : i32
      %dma_wait3A_168 = tpu.memref_slice %arg3[%add3A, %dma_wait3A_166, %dma_wait3A_167] : memref<32x80x128xi32, #tpu.memory_space<hbm>> -> memref<1x80x128xi32, #tpu.memory_space<hbm>>
      %dma_wait3A_169 = tpu.memref_squeeze %dma_wait3A_168 : memref<1x80x128xi32, #tpu.memory_space<hbm>> -> memref<80x128xi32, #tpu.memory_space<hbm>>
      %dma_wait3A_170 = arith.constant 0 : i32
      %dma_wait3A_171 = arith.constant 0 : i32
      %dma_wait3A_172 = tpu.memref_slice %dma_wait3A_169[%dma_wait3A_170, %dma_wait3A_171] : memref<80x128xi32, #tpu.memory_space<hbm>> -> memref<40x128xi32, #tpu.memory_space<hbm>>
      %dma_wait3A_173 = arith.constant 0 : i32
      %dma_wait3A_174 = arith.constant 0 : i32
      %dma_wait3A_175 = tpu.memref_slice %arg3[%add3A, %dma_wait3A_173, %dma_wait3A_174] : memref<32x80x128xi32, #tpu.memory_space<hbm>> -> memref<1x80x128xi32, #tpu.memory_space<hbm>>
      %dma_wait3A_176 = tpu.memref_squeeze %dma_wait3A_175 : memref<1x80x128xi32, #tpu.memory_space<hbm>> -> memref<80x128xi32, #tpu.memory_space<hbm>>
      %dma_wait3A_177 = arith.constant 0 : i32
      %dma_wait3A_178 = arith.constant 0 : i32
      %dma_wait3A_179 = tpu.memref_slice %dma_wait3A_176[%dma_wait3A_177, %dma_wait3A_178] : memref<80x128xi32, #tpu.memory_space<hbm>> -> memref<40x128xi32, #tpu.memory_space<hbm>>
      tpu.wait_dma2 semaphore(%run_scoped3A : memref<!tpu.dma_semaphore, #tpu.memory_space<semaphore_mem>>) src(%dma_wait3A_179 : memref<40x128xi32, #tpu.memory_space<hbm>>) dst(%arg6 : memref<40x128xi32, #tpu.memory_space<vmem>>)
      tpu.yield
    }) : () -> ()
    "tpu.region"() ({
      %run_scoped3A = tpu.sem_alloc : memref<!tpu.dma_semaphore, #tpu.memory_space<semaphore_mem>>
      %dma_start3A_152 = arith.constant 0 : i32
      %dma_start3A_153 = arith.constant 0 : i32
      %dma_start3A_154 = tpu.memref_slice %arg4[%add3A, %dma_start3A_152, %dma_start3A_153] : memref<32x80x128xi32, #tpu.memory_space<hbm>> -> memref<1x80x128xi32, #tpu.memory_space<hbm>>
      %dma_start3A_155 = tpu.memref_squeeze %dma_start3A_154 : memref<1x80x128xi32, #tpu.memory_space<hbm>> -> memref<80x128xi32, #tpu.memory_space<hbm>>
      %dma_start3A_156 = arith.constant 0 : i32
      %dma_start3A_157 = arith.constant 0 : i32
      %dma_start3A_158 = tpu.memref_slice %dma_start3A_155[%dma_start3A_156, %dma_start3A_157] : memref<80x128xi32, #tpu.memory_space<hbm>> -> memref<40x128xi32, #tpu.memory_space<hbm>>
      %dma_start3A_159 = arith.constant 0 : i32
      %dma_start3A_160 = arith.constant 0 : i32
      %dma_start3A_161 = tpu.memref_slice %arg4[%add3A, %dma_start3A_159, %dma_start3A_160] : memref<32x80x128xi32, #tpu.memory_space<hbm>> -> memref<1x80x128xi32, #tpu.memory_space<hbm>>
      %dma_start3A_162 = tpu.memref_squeeze %dma_start3A_161 : memref<1x80x128xi32, #tpu.memory_space<hbm>> -> memref<80x128xi32, #tpu.memory_space<hbm>>
      %dma_start3A_163 = arith.constant 0 : i32
      %dma_start3A_164 = arith.constant 0 : i32
      %dma_start3A_165 = tpu.memref_slice %dma_start3A_162[%dma_start3A_163, %dma_start3A_164] : memref<80x128xi32, #tpu.memory_space<hbm>> -> memref<40x128xi32, #tpu.memory_space<hbm>>
      tpu.enqueue_dma source(%dma_start3A_165 : memref<40x128xi32, #tpu.memory_space<hbm>>) target(%arg7 : memref<40x128xi32, #tpu.memory_space<vmem>>) target_semaphore(%run_scoped3A : memref<!tpu.dma_semaphore, #tpu.memory_space<semaphore_mem>>)
      %dma_wait3A_166 = arith.constant 0 : i32
      %dma_wait3A_167 = arith.constant 0 : i32
      %dma_wait3A_168 = tpu.memref_slice %arg4[%add3A, %dma_wait3A_166, %dma_wait3A_167] : memref<32x80x128xi32, #tpu.memory_space<hbm>> -> memref<1x80x128xi32, #tpu.memory_space<hbm>>
      %dma_wait3A_169 = tpu.memref_squeeze %dma_wait3A_168 : memref<1x80x128xi32, #tpu.memory_space<hbm>> -> memref<80x128xi32, #tpu.memory_space<hbm>>
      %dma_wait3A_170 = arith.constant 0 : i32
      %dma_wait3A_171 = arith.constant 0 : i32
      %dma_wait3A_172 = tpu.memref_slice %dma_wait3A_169[%dma_wait3A_170, %dma_wait3A_171] : memref<80x128xi32, #tpu.memory_space<hbm>> -> memref<40x128xi32, #tpu.memory_space<hbm>>
      %dma_wait3A_173 = arith.constant 0 : i32
      %dma_wait3A_174 = arith.constant 0 : i32
      %dma_wait3A_175 = tpu.memref_slice %arg4[%add3A, %dma_wait3A_173, %dma_wait3A_174] : memref<32x80x128xi32, #tpu.memory_space<hbm>> -> memref<1x80x128xi32, #tpu.memory_space<hbm>>
      %dma_wait3A_176 = tpu.memref_squeeze %dma_wait3A_175 : memref<1x80x128xi32, #tpu.memory_space<hbm>> -> memref<80x128xi32, #tpu.memory_space<hbm>>
      %dma_wait3A_177 = arith.constant 0 : i32
      %dma_wait3A_178 = arith.constant 0 : i32
      %dma_wait3A_179 = tpu.memref_slice %dma_wait3A_176[%dma_wait3A_177, %dma_wait3A_178] : memref<80x128xi32, #tpu.memory_space<hbm>> -> memref<40x128xi32, #tpu.memory_space<hbm>>
      tpu.wait_dma2 semaphore(%run_scoped3A : memref<!tpu.dma_semaphore, #tpu.memory_space<semaphore_mem>>) src(%dma_wait3A_179 : memref<40x128xi32, #tpu.memory_space<hbm>>) dst(%arg7 : memref<40x128xi32, #tpu.memory_space<vmem>>)
      tpu.yield
    }) : () -> ()
    %dma_start3A = arith.constant 0 : i32
    %dma_start3A_19 = arith.constant 0 : i32
    %dma_start3A_20 = tpu.memref_slice %arg6[%dma_start3A, %dma_start3A_19] : memref<40x128xi32, #tpu.memory_space<vmem>> -> memref<1x128xi32, #tpu.memory_space<vmem>>
    %dma_start3A_21 = tpu.memref_squeeze %dma_start3A_20 : memref<1x128xi32, #tpu.memory_space<vmem>> -> memref<128xi32, #tpu.memory_space<vmem>>
    %dma_start3A_22 = arith.constant 0 : i32
    %dma_start3A_23 = arith.constant 0 : i32
    %dma_start3A_24 = tpu.memref_slice %arg2[%dma_start3A_22, %dma_start3A_23] : memref<10000x128xf32, #tpu.memory_space<hbm>> -> memref<10000x128xf32, #tpu.memory_space<hbm>>
    tpu.enqueue_indirect_dma source(%dma_start3A_24 : memref<10000x128xf32, #tpu.memory_space<hbm>>) target(%arg8 : memref<128x128xf32, #tpu.memory_space<vmem>>) offsets(%dma_start3A_21 : memref<128xi32, #tpu.memory_space<vmem>>) semaphore(%arg11 : memref<!tpu.dma_semaphore, #tpu.memory_space<semaphore_mem>>)
    %dma_start3A_25 = arith.constant 1 : i32
    %dma_start3A_26 = arith.constant 0 : i32
    %dma_start3A_27 = tpu.memref_slice %arg6[%dma_start3A_25, %dma_start3A_26] : memref<40x128xi32, #tpu.memory_space<vmem>> -> memref<1x128xi32, #tpu.memory_space<vmem>>
    %dma_start3A_28 = tpu.memref_squeeze %dma_start3A_27 : memref<1x128xi32, #tpu.memory_space<vmem>> -> memref<128xi32, #tpu.memory_space<vmem>>
    %dma_start3A_29 = arith.constant 0 : i32
    %dma_start3A_30 = arith.constant 0 : i32
    %dma_start3A_31 = tpu.memref_slice %arg2[%dma_start3A_29, %dma_start3A_30] : memref<10000x128xf32, #tpu.memory_space<hbm>> -> memref<10000x128xf32, #tpu.memory_space<hbm>>
    tpu.enqueue_indirect_dma source(%dma_start3A_31 : memref<10000x128xf32, #tpu.memory_space<hbm>>) target(%arg9 : memref<128x128xf32, #tpu.memory_space<vmem>>) offsets(%dma_start3A_28 : memref<128xi32, #tpu.memory_space<vmem>>) semaphore(%arg12 : memref<!tpu.dma_semaphore, #tpu.memory_space<semaphore_mem>>)
    %dma_wait3A = arith.constant 0 : i32
    %dma_wait3A_32 = arith.constant 0 : i32
    %dma_wait3A_33 = tpu.memref_slice %arg6[%dma_wait3A, %dma_wait3A_32] : memref<40x128xi32, #tpu.memory_space<vmem>> -> memref<1x128xi32, #tpu.memory_space<vmem>>
    %dma_wait3A_34 = tpu.memref_squeeze %dma_wait3A_33 : memref<1x128xi32, #tpu.memory_space<vmem>> -> memref<128xi32, #tpu.memory_space<vmem>>
    %dma_wait3A_35 = arith.constant 0 : i32
    %dma_wait3A_36 = arith.constant 0 : i32
    %dma_wait3A_37 = tpu.memref_slice %arg2[%dma_wait3A_35, %dma_wait3A_36] : memref<10000x128xf32, #tpu.memory_space<hbm>> -> memref<10000x128xf32, #tpu.memory_space<hbm>>
    tpu.wait_indirect_dma semaphore(%arg11 : memref<!tpu.dma_semaphore, #tpu.memory_space<semaphore_mem>>) src(%dma_wait3A_37 : memref<10000x128xf32, #tpu.memory_space<hbm>>) dst(%arg8 : memref<128x128xf32, #tpu.memory_space<vmem>>)
    %dma_start3A_38 = arith.constant 0 : i32
    %dma_start3A_39 = arith.constant 0 : i32
    %dma_start3A_40 = tpu.memref_slice %arg7[%dma_start3A_38, %dma_start3A_39] : memref<40x128xi32, #tpu.memory_space<vmem>> -> memref<1x128xi32, #tpu.memory_space<vmem>>
    %dma_start3A_41 = tpu.memref_squeeze %dma_start3A_40 : memref<1x128xi32, #tpu.memory_space<vmem>> -> memref<128xi32, #tpu.memory_space<vmem>>
    %dma_start3A_42 = arith.constant 0 : i32
    %dma_start3A_43 = arith.constant 0 : i32
    %dma_start3A_44 = tpu.memref_slice %arg10[%dma_start3A_42, %dma_start3A_43] : memref<10008x128xf32, #tpu.memory_space<vmem_shared>> -> memref<10008x128xf32, #tpu.memory_space<vmem_shared>>
    tpu.enqueue_indirect_dma source(%arg8 : memref<128x128xf32, #tpu.memory_space<vmem>>) target(%dma_start3A_44 : memref<10008x128xf32, #tpu.memory_space<vmem_shared>>) offsets(%dma_start3A_41 : memref<128xi32, #tpu.memory_space<vmem>>) semaphore(%arg13 : memref<!tpu.dma_semaphore, #tpu.memory_space<semaphore_mem>>) {add = true}
    %scan3A_45 = arith.constant 0 : i32
    %scan3A_46 = arith.constant 19 : i32
    %scan3A_47 = arith.addi %scan3A_45, %scan3A_46 : i32
    %scan3A_48 = arith.constant 1 : i32
    scf.for %scan3A_152 = %scan3A_45 to %scan3A_47 step %scan3A_48  : i32 {
      %mul3A_153 = arith.constant 1 : i32
      %mul3A_154 = arith.muli %scan3A_152, %mul3A_153 : i32
      %add3A_155 = arith.constant 1 : i32
      %add3A_156 = arith.addi %add3A_155, %mul3A_154 : i32
      %mul3A_157 = arith.constant 2 : i32
      %mul3A_158 = arith.muli %mul3A_157, %add3A_156 : i32
      %dma_wait3A_159 = arith.constant 0 : i32
      %dma_wait3A_160 = arith.constant 0 : i32
      %dma_wait3A_161 = tpu.memref_slice %arg7[%dma_wait3A_159, %dma_wait3A_160] : memref<40x128xi32, #tpu.memory_space<vmem>> -> memref<1x128xi32, #tpu.memory_space<vmem>>
      %dma_wait3A_162 = tpu.memref_squeeze %dma_wait3A_161 : memref<1x128xi32, #tpu.memory_space<vmem>> -> memref<128xi32, #tpu.memory_space<vmem>>
      %dma_wait3A_163 = arith.constant 0 : i32
      %dma_wait3A_164 = arith.constant 0 : i32
      %dma_wait3A_165 = tpu.memref_slice %arg10[%dma_wait3A_163, %dma_wait3A_164] : memref<10008x128xf32, #tpu.memory_space<vmem_shared>> -> memref<10008x128xf32, #tpu.memory_space<vmem_shared>>
      tpu.wait_indirect_dma semaphore(%arg13 : memref<!tpu.dma_semaphore, #tpu.memory_space<semaphore_mem>>) src(%arg8 : memref<128x128xf32, #tpu.memory_space<vmem>>) dst(%dma_wait3A_165 : memref<10008x128xf32, #tpu.memory_space<vmem_shared>>)
      %dma_start3A_166 = arith.constant 0 : i32
      %dma_start3A_167 = tpu.memref_slice %arg6[%mul3A_158, %dma_start3A_166] : memref<40x128xi32, #tpu.memory_space<vmem>> -> memref<1x128xi32, #tpu.memory_space<vmem>>
      %dma_start3A_168 = tpu.memref_squeeze %dma_start3A_167 : memref<1x128xi32, #tpu.memory_space<vmem>> -> memref<128xi32, #tpu.memory_space<vmem>>
      %dma_start3A_169 = arith.constant 0 : i32
      %dma_start3A_170 = arith.constant 0 : i32
      %dma_start3A_171 = tpu.memref_slice %arg2[%dma_start3A_169, %dma_start3A_170] : memref<10000x128xf32, #tpu.memory_space<hbm>> -> memref<10000x128xf32, #tpu.memory_space<hbm>>
      tpu.enqueue_indirect_dma source(%dma_start3A_171 : memref<10000x128xf32, #tpu.memory_space<hbm>>) target(%arg8 : memref<128x128xf32, #tpu.memory_space<vmem>>) offsets(%dma_start3A_168 : memref<128xi32, #tpu.memory_space<vmem>>) semaphore(%arg11 : memref<!tpu.dma_semaphore, #tpu.memory_space<semaphore_mem>>)
      %dma_wait3A_172 = arith.constant 0 : i32
      %dma_wait3A_173 = arith.constant 0 : i32
      %dma_wait3A_174 = tpu.memref_slice %arg6[%dma_wait3A_172, %dma_wait3A_173] : memref<40x128xi32, #tpu.memory_space<vmem>> -> memref<1x128xi32, #tpu.memory_space<vmem>>
      %dma_wait3A_175 = tpu.memref_squeeze %dma_wait3A_174 : memref<1x128xi32, #tpu.memory_space<vmem>> -> memref<128xi32, #tpu.memory_space<vmem>>
      %dma_wait3A_176 = arith.constant 0 : i32
      %dma_wait3A_177 = arith.constant 0 : i32
      %dma_wait3A_178 = tpu.memref_slice %arg2[%dma_wait3A_176, %dma_wait3A_177] : memref<10000x128xf32, #tpu.memory_space<hbm>> -> memref<10000x128xf32, #tpu.memory_space<hbm>>
      tpu.wait_indirect_dma semaphore(%arg12 : memref<!tpu.dma_semaphore, #tpu.memory_space<semaphore_mem>>) src(%dma_wait3A_178 : memref<10000x128xf32, #tpu.memory_space<hbm>>) dst(%arg9 : memref<128x128xf32, #tpu.memory_space<vmem>>)
      %sub3A = arith.constant 1 : i32
      %sub3A_179 = arith.subi %mul3A_158, %sub3A : i32
      %dma_start3A_180 = arith.constant 0 : i32
      %dma_start3A_181 = tpu.memref_slice %arg7[%sub3A_179, %dma_start3A_180] : memref<40x128xi32, #tpu.memory_space<vmem>> -> memref<1x128xi32, #tpu.memory_space<vmem>>
      %dma_start3A_182 = tpu.memref_squeeze %dma_start3A_181 : memref<1x128xi32, #tpu.memory_space<vmem>> -> memref<128xi32, #tpu.memory_space<vmem>>
      %dma_start3A_183 = arith.constant 0 : i32
      %dma_start3A_184 = arith.constant 0 : i32
      %dma_start3A_185 = tpu.memref_slice %arg10[%dma_start3A_183, %dma_start3A_184] : memref<10008x128xf32, #tpu.memory_space<vmem_shared>> -> memref<10008x128xf32, #tpu.memory_space<vmem_shared>>
      tpu.enqueue_indirect_dma source(%arg9 : memref<128x128xf32, #tpu.memory_space<vmem>>) target(%dma_start3A_185 : memref<10008x128xf32, #tpu.memory_space<vmem_shared>>) offsets(%dma_start3A_182 : memref<128xi32, #tpu.memory_space<vmem>>) semaphore(%arg14 : memref<!tpu.dma_semaphore, #tpu.memory_space<semaphore_mem>>) {add = true}
      %dma_wait3A_186 = arith.constant 0 : i32
      %dma_wait3A_187 = arith.constant 0 : i32
      %dma_wait3A_188 = tpu.memref_slice %arg7[%dma_wait3A_186, %dma_wait3A_187] : memref<40x128xi32, #tpu.memory_space<vmem>> -> memref<1x128xi32, #tpu.memory_space<vmem>>
      %dma_wait3A_189 = tpu.memref_squeeze %dma_wait3A_188 : memref<1x128xi32, #tpu.memory_space<vmem>> -> memref<128xi32, #tpu.memory_space<vmem>>
      %dma_wait3A_190 = arith.constant 0 : i32
      %dma_wait3A_191 = arith.constant 0 : i32
      %dma_wait3A_192 = tpu.memref_slice %arg10[%dma_wait3A_190, %dma_wait3A_191] : memref<10008x128xf32, #tpu.memory_space<vmem_shared>> -> memref<10008x128xf32, #tpu.memory_space<vmem_shared>>
      tpu.wait_indirect_dma semaphore(%arg14 : memref<!tpu.dma_semaphore, #tpu.memory_space<semaphore_mem>>) src(%arg9 : memref<128x128xf32, #tpu.memory_space<vmem>>) dst(%dma_wait3A_192 : memref<10008x128xf32, #tpu.memory_space<vmem_shared>>)
      %add3A_193 = arith.constant 1 : i32
      %add3A_194 = arith.addi %mul3A_158, %add3A_193 : i32
      %dma_start3A_195 = arith.constant 0 : i32
      %dma_start3A_196 = tpu.memref_slice %arg6[%add3A_194, %dma_start3A_195] : memref<40x128xi32, #tpu.memory_space<vmem>> -> memref<1x128xi32, #tpu.memory_space<vmem>>
      %dma_start3A_197 = tpu.memref_squeeze %dma_start3A_196 : memref<1x128xi32, #tpu.memory_space<vmem>> -> memref<128xi32, #tpu.memory_space<vmem>>
      %dma_start3A_198 = arith.constant 0 : i32
      %dma_start3A_199 = arith.constant 0 : i32
      %dma_start3A_200 = tpu.memref_slice %arg2[%dma_start3A_198, %dma_start3A_199] : memref<10000x128xf32, #tpu.memory_space<hbm>> -> memref<10000x128xf32, #tpu.memory_space<hbm>>
      tpu.enqueue_indirect_dma source(%dma_start3A_200 : memref<10000x128xf32, #tpu.memory_space<hbm>>) target(%arg9 : memref<128x128xf32, #tpu.memory_space<vmem>>) offsets(%dma_start3A_197 : memref<128xi32, #tpu.memory_space<vmem>>) semaphore(%arg12 : memref<!tpu.dma_semaphore, #tpu.memory_space<semaphore_mem>>)
      %dma_wait3A_201 = arith.constant 0 : i32
      %dma_wait3A_202 = arith.constant 0 : i32
      %dma_wait3A_203 = tpu.memref_slice %arg6[%dma_wait3A_201, %dma_wait3A_202] : memref<40x128xi32, #tpu.memory_space<vmem>> -> memref<1x128xi32, #tpu.memory_space<vmem>>
      %dma_wait3A_204 = tpu.memref_squeeze %dma_wait3A_203 : memref<1x128xi32, #tpu.memory_space<vmem>> -> memref<128xi32, #tpu.memory_space<vmem>>
      %dma_wait3A_205 = arith.constant 0 : i32
      %dma_wait3A_206 = arith.constant 0 : i32
      %dma_wait3A_207 = tpu.memref_slice %arg2[%dma_wait3A_205, %dma_wait3A_206] : memref<10000x128xf32, #tpu.memory_space<hbm>> -> memref<10000x128xf32, #tpu.memory_space<hbm>>
      tpu.wait_indirect_dma semaphore(%arg11 : memref<!tpu.dma_semaphore, #tpu.memory_space<semaphore_mem>>) src(%dma_wait3A_207 : memref<10000x128xf32, #tpu.memory_space<hbm>>) dst(%arg8 : memref<128x128xf32, #tpu.memory_space<vmem>>)
      %dma_start3A_208 = arith.constant 0 : i32
      %dma_start3A_209 = tpu.memref_slice %arg7[%mul3A_158, %dma_start3A_208] : memref<40x128xi32, #tpu.memory_space<vmem>> -> memref<1x128xi32, #tpu.memory_space<vmem>>
      %dma_start3A_210 = tpu.memref_squeeze %dma_start3A_209 : memref<1x128xi32, #tpu.memory_space<vmem>> -> memref<128xi32, #tpu.memory_space<vmem>>
      %dma_start3A_211 = arith.constant 0 : i32
      %dma_start3A_212 = arith.constant 0 : i32
      %dma_start3A_213 = tpu.memref_slice %arg10[%dma_start3A_211, %dma_start3A_212] : memref<10008x128xf32, #tpu.memory_space<vmem_shared>> -> memref<10008x128xf32, #tpu.memory_space<vmem_shared>>
      tpu.enqueue_indirect_dma source(%arg8 : memref<128x128xf32, #tpu.memory_space<vmem>>) target(%dma_start3A_213 : memref<10008x128xf32, #tpu.memory_space<vmem_shared>>) offsets(%dma_start3A_210 : memref<128xi32, #tpu.memory_space<vmem>>) semaphore(%arg13 : memref<!tpu.dma_semaphore, #tpu.memory_space<semaphore_mem>>) {add = true}
    }
    %scan3A_49 = arith.constant 19 : i32
    %dma_wait3A_50 = arith.constant 0 : i32
    %dma_wait3A_51 = arith.constant 0 : i32
    %dma_wait3A_52 = tpu.memref_slice %arg6[%dma_wait3A_50, %dma_wait3A_51] : memref<40x128xi32, #tpu.memory_space<vmem>> -> memref<1x128xi32, #tpu.memory_space<vmem>>
    %dma_wait3A_53 = tpu.memref_squeeze %dma_wait3A_52 : memref<1x128xi32, #tpu.memory_space<vmem>> -> memref<128xi32, #tpu.memory_space<vmem>>
    %dma_wait3A_54 = arith.constant 0 : i32
    %dma_wait3A_55 = arith.constant 0 : i32
    %dma_wait3A_56 = tpu.memref_slice %arg2[%dma_wait3A_54, %dma_wait3A_55] : memref<10000x128xf32, #tpu.memory_space<hbm>> -> memref<10000x128xf32, #tpu.memory_space<hbm>>
    tpu.wait_indirect_dma semaphore(%arg12 : memref<!tpu.dma_semaphore, #tpu.memory_space<semaphore_mem>>) src(%dma_wait3A_56 : memref<10000x128xf32, #tpu.memory_space<hbm>>) dst(%arg9 : memref<128x128xf32, #tpu.memory_space<vmem>>)
    %dma_start3A_57 = arith.constant 39 : i32
    %dma_start3A_58 = arith.constant 0 : i32
    %dma_start3A_59 = tpu.memref_slice %arg7[%dma_start3A_57, %dma_start3A_58] : memref<40x128xi32, #tpu.memory_space<vmem>> -> memref<1x128xi32, #tpu.memory_space<vmem>>
    %dma_start3A_60 = tpu.memref_squeeze %dma_start3A_59 : memref<1x128xi32, #tpu.memory_space<vmem>> -> memref<128xi32, #tpu.memory_space<vmem>>
    %dma_start3A_61 = arith.constant 0 : i32
    %dma_start3A_62 = arith.constant 0 : i32
    %dma_start3A_63 = tpu.memref_slice %arg10[%dma_start3A_61, %dma_start3A_62] : memref<10008x128xf32, #tpu.memory_space<vmem_shared>> -> memref<10008x128xf32, #tpu.memory_space<vmem_shared>>
    tpu.enqueue_indirect_dma source(%arg9 : memref<128x128xf32, #tpu.memory_space<vmem>>) target(%dma_start3A_63 : memref<10008x128xf32, #tpu.memory_space<vmem_shared>>) offsets(%dma_start3A_60 : memref<128xi32, #tpu.memory_space<vmem>>) semaphore(%arg14 : memref<!tpu.dma_semaphore, #tpu.memory_space<semaphore_mem>>) {add = true}
    %dma_wait3A_64 = arith.constant 0 : i32
    %dma_wait3A_65 = arith.constant 0 : i32
    %dma_wait3A_66 = tpu.memref_slice %arg7[%dma_wait3A_64, %dma_wait3A_65] : memref<40x128xi32, #tpu.memory_space<vmem>> -> memref<1x128xi32, #tpu.memory_space<vmem>>
    %dma_wait3A_67 = tpu.memref_squeeze %dma_wait3A_66 : memref<1x128xi32, #tpu.memory_space<vmem>> -> memref<128xi32, #tpu.memory_space<vmem>>
    %dma_wait3A_68 = arith.constant 0 : i32
    %dma_wait3A_69 = arith.constant 0 : i32
    %dma_wait3A_70 = tpu.memref_slice %arg10[%dma_wait3A_68, %dma_wait3A_69] : memref<10008x128xf32, #tpu.memory_space<vmem_shared>> -> memref<10008x128xf32, #tpu.memory_space<vmem_shared>>
    tpu.wait_indirect_dma semaphore(%arg14 : memref<!tpu.dma_semaphore, #tpu.memory_space<semaphore_mem>>) src(%arg9 : memref<128x128xf32, #tpu.memory_space<vmem>>) dst(%dma_wait3A_70 : memref<10008x128xf32, #tpu.memory_space<vmem_shared>>)
    %dma_wait3A_71 = arith.constant 0 : i32
    %dma_wait3A_72 = arith.constant 0 : i32
    %dma_wait3A_73 = tpu.memref_slice %arg7[%dma_wait3A_71, %dma_wait3A_72] : memref<40x128xi32, #tpu.memory_space<vmem>> -> memref<1x128xi32, #tpu.memory_space<vmem>>
    %dma_wait3A_74 = tpu.memref_squeeze %dma_wait3A_73 : memref<1x128xi32, #tpu.memory_space<vmem>> -> memref<128xi32, #tpu.memory_space<vmem>>
    %dma_wait3A_75 = arith.constant 0 : i32
    %dma_wait3A_76 = arith.constant 0 : i32
    %dma_wait3A_77 = tpu.memref_slice %arg10[%dma_wait3A_75, %dma_wait3A_76] : memref<10008x128xf32, #tpu.memory_space<vmem_shared>> -> memref<10008x128xf32, #tpu.memory_space<vmem_shared>>
    tpu.wait_indirect_dma semaphore(%arg13 : memref<!tpu.dma_semaphore, #tpu.memory_space<semaphore_mem>>) src(%arg8 : memref<128x128xf32, #tpu.memory_space<vmem>>) dst(%dma_wait3A_77 : memref<10008x128xf32, #tpu.memory_space<vmem_shared>>)
    "tpu.region"() ({
      %run_scoped3A = tpu.sem_alloc : memref<!tpu.dma_semaphore, #tpu.memory_space<semaphore_mem>>
      %dma_start3A_152 = arith.constant 0 : i32
      %dma_start3A_153 = arith.constant 0 : i32
      %dma_start3A_154 = tpu.memref_slice %arg3[%add3A, %dma_start3A_152, %dma_start3A_153] : memref<32x80x128xi32, #tpu.memory_space<hbm>> -> memref<1x80x128xi32, #tpu.memory_space<hbm>>
      %dma_start3A_155 = tpu.memref_squeeze %dma_start3A_154 : memref<1x80x128xi32, #tpu.memory_space<hbm>> -> memref<80x128xi32, #tpu.memory_space<hbm>>
      %dma_start3A_156 = arith.constant 40 : i32
      %dma_start3A_157 = arith.constant 0 : i32
      %dma_start3A_158 = tpu.memref_slice %dma_start3A_155[%dma_start3A_156, %dma_start3A_157] : memref<80x128xi32, #tpu.memory_space<hbm>> -> memref<40x128xi32, #tpu.memory_space<hbm>>
      %dma_start3A_159 = arith.constant 0 : i32
      %dma_start3A_160 = arith.constant 0 : i32
      %dma_start3A_161 = tpu.memref_slice %arg3[%add3A, %dma_start3A_159, %dma_start3A_160] : memref<32x80x128xi32, #tpu.memory_space<hbm>> -> memref<1x80x128xi32, #tpu.memory_space<hbm>>
      %dma_start3A_162 = tpu.memref_squeeze %dma_start3A_161 : memref<1x80x128xi32, #tpu.memory_space<hbm>> -> memref<80x128xi32, #tpu.memory_space<hbm>>
      %dma_start3A_163 = arith.constant 40 : i32
      %dma_start3A_164 = arith.constant 0 : i32
      %dma_start3A_165 = tpu.memref_slice %dma_start3A_162[%dma_start3A_163, %dma_start3A_164] : memref<80x128xi32, #tpu.memory_space<hbm>> -> memref<40x128xi32, #tpu.memory_space<hbm>>
      tpu.enqueue_dma source(%dma_start3A_165 : memref<40x128xi32, #tpu.memory_space<hbm>>) target(%arg6 : memref<40x128xi32, #tpu.memory_space<vmem>>) target_semaphore(%run_scoped3A : memref<!tpu.dma_semaphore, #tpu.memory_space<semaphore_mem>>)
      %dma_wait3A_166 = arith.constant 0 : i32
      %dma_wait3A_167 = arith.constant 0 : i32
      %dma_wait3A_168 = tpu.memref_slice %arg3[%add3A, %dma_wait3A_166, %dma_wait3A_167] : memref<32x80x128xi32, #tpu.memory_space<hbm>> -> memref<1x80x128xi32, #tpu.memory_space<hbm>>
      %dma_wait3A_169 = tpu.memref_squeeze %dma_wait3A_168 : memref<1x80x128xi32, #tpu.memory_space<hbm>> -> memref<80x128xi32, #tpu.memory_space<hbm>>
      %dma_wait3A_170 = arith.constant 40 : i32
      %dma_wait3A_171 = arith.constant 0 : i32
      %dma_wait3A_172 = tpu.memref_slice %dma_wait3A_169[%dma_wait3A_170, %dma_wait3A_171] : memref<80x128xi32, #tpu.memory_space<hbm>> -> memref<40x128xi32, #tpu.memory_space<hbm>>
      %dma_wait3A_173 = arith.constant 0 : i32
      %dma_wait3A_174 = arith.constant 0 : i32
      %dma_wait3A_175 = tpu.memref_slice %arg3[%add3A, %dma_wait3A_173, %dma_wait3A_174] : memref<32x80x128xi32, #tpu.memory_space<hbm>> -> memref<1x80x128xi32, #tpu.memory_space<hbm>>
      %dma_wait3A_176 = tpu.memref_squeeze %dma_wait3A_175 : memref<1x80x128xi32, #tpu.memory_space<hbm>> -> memref<80x128xi32, #tpu.memory_space<hbm>>
      %dma_wait3A_177 = arith.constant 40 : i32
      %dma_wait3A_178 = arith.constant 0 : i32
      %dma_wait3A_179 = tpu.memref_slice %dma_wait3A_176[%dma_wait3A_177, %dma_wait3A_178] : memref<80x128xi32, #tpu.memory_space<hbm>> -> memref<40x128xi32, #tpu.memory_space<hbm>>
      tpu.wait_dma2 semaphore(%run_scoped3A : memref<!tpu.dma_semaphore, #tpu.memory_space<semaphore_mem>>) src(%dma_wait3A_179 : memref<40x128xi32, #tpu.memory_space<hbm>>) dst(%arg6 : memref<40x128xi32, #tpu.memory_space<vmem>>)
      tpu.yield
    }) : () -> ()
    "tpu.region"() ({
      %run_scoped3A = tpu.sem_alloc : memref<!tpu.dma_semaphore, #tpu.memory_space<semaphore_mem>>
      %dma_start3A_152 = arith.constant 0 : i32
      %dma_start3A_153 = arith.constant 0 : i32
      %dma_start3A_154 = tpu.memref_slice %arg4[%add3A, %dma_start3A_152, %dma_start3A_153] : memref<32x80x128xi32, #tpu.memory_space<hbm>> -> memref<1x80x128xi32, #tpu.memory_space<hbm>>
      %dma_start3A_155 = tpu.memref_squeeze %dma_start3A_154 : memref<1x80x128xi32, #tpu.memory_space<hbm>> -> memref<80x128xi32, #tpu.memory_space<hbm>>
      %dma_start3A_156 = arith.constant 40 : i32
      %dma_start3A_157 = arith.constant 0 : i32
      %dma_start3A_158 = tpu.memref_slice %dma_start3A_155[%dma_start3A_156, %dma_start3A_157] : memref<80x128xi32, #tpu.memory_space<hbm>> -> memref<40x128xi32, #tpu.memory_space<hbm>>
      %dma_start3A_159 = arith.constant 0 : i32
      %dma_start3A_160 = arith.constant 0 : i32
      %dma_start3A_161 = tpu.memref_slice %arg4[%add3A, %dma_start3A_159, %dma_start3A_160] : memref<32x80x128xi32, #tpu.memory_space<hbm>> -> memref<1x80x128xi32, #tpu.memory_space<hbm>>
      %dma_start3A_162 = tpu.memref_squeeze %dma_start3A_161 : memref<1x80x128xi32, #tpu.memory_space<hbm>> -> memref<80x128xi32, #tpu.memory_space<hbm>>
      %dma_start3A_163 = arith.constant 40 : i32
      %dma_start3A_164 = arith.constant 0 : i32
      %dma_start3A_165 = tpu.memref_slice %dma_start3A_162[%dma_start3A_163, %dma_start3A_164] : memref<80x128xi32, #tpu.memory_space<hbm>> -> memref<40x128xi32, #tpu.memory_space<hbm>>
      tpu.enqueue_dma source(%dma_start3A_165 : memref<40x128xi32, #tpu.memory_space<hbm>>) target(%arg7 : memref<40x128xi32, #tpu.memory_space<vmem>>) target_semaphore(%run_scoped3A : memref<!tpu.dma_semaphore, #tpu.memory_space<semaphore_mem>>)
      %dma_wait3A_166 = arith.constant 0 : i32
      %dma_wait3A_167 = arith.constant 0 : i32
      %dma_wait3A_168 = tpu.memref_slice %arg4[%add3A, %dma_wait3A_166, %dma_wait3A_167] : memref<32x80x128xi32, #tpu.memory_space<hbm>> -> memref<1x80x128xi32, #tpu.memory_space<hbm>>
      %dma_wait3A_169 = tpu.memref_squeeze %dma_wait3A_168 : memref<1x80x128xi32, #tpu.memory_space<hbm>> -> memref<80x128xi32, #tpu.memory_space<hbm>>
      %dma_wait3A_170 = arith.constant 40 : i32
      %dma_wait3A_171 = arith.constant 0 : i32
      %dma_wait3A_172 = tpu.memref_slice %dma_wait3A_169[%dma_wait3A_170, %dma_wait3A_171] : memref<80x128xi32, #tpu.memory_space<hbm>> -> memref<40x128xi32, #tpu.memory_space<hbm>>
      %dma_wait3A_173 = arith.constant 0 : i32
      %dma_wait3A_174 = arith.constant 0 : i32
      %dma_wait3A_175 = tpu.memref_slice %arg4[%add3A, %dma_wait3A_173, %dma_wait3A_174] : memref<32x80x128xi32, #tpu.memory_space<hbm>> -> memref<1x80x128xi32, #tpu.memory_space<hbm>>
      %dma_wait3A_176 = tpu.memref_squeeze %dma_wait3A_175 : memref<1x80x128xi32, #tpu.memory_space<hbm>> -> memref<80x128xi32, #tpu.memory_space<hbm>>
      %dma_wait3A_177 = arith.constant 40 : i32
      %dma_wait3A_178 = arith.constant 0 : i32
      %dma_wait3A_179 = tpu.memref_slice %dma_wait3A_176[%dma_wait3A_177, %dma_wait3A_178] : memref<80x128xi32, #tpu.memory_space<hbm>> -> memref<40x128xi32, #tpu.memory_space<hbm>>
      tpu.wait_dma2 semaphore(%run_scoped3A : memref<!tpu.dma_semaphore, #tpu.memory_space<semaphore_mem>>) src(%dma_wait3A_179 : memref<40x128xi32, #tpu.memory_space<hbm>>) dst(%arg7 : memref<40x128xi32, #tpu.memory_space<vmem>>)
      tpu.yield
    }) : () -> ()
    %dma_start3A_78 = arith.constant 0 : i32
    %dma_start3A_79 = arith.constant 0 : i32
    %dma_start3A_80 = tpu.memref_slice %arg6[%dma_start3A_78, %dma_start3A_79] : memref<40x128xi32, #tpu.memory_space<vmem>> -> memref<1x128xi32, #tpu.memory_space<vmem>>
    %dma_start3A_81 = tpu.memref_squeeze %dma_start3A_80 : memref<1x128xi32, #tpu.memory_space<vmem>> -> memref<128xi32, #tpu.memory_space<vmem>>
    %dma_start3A_82 = arith.constant 0 : i32
    %dma_start3A_83 = arith.constant 0 : i32
    %dma_start3A_84 = tpu.memref_slice %arg2[%dma_start3A_82, %dma_start3A_83] : memref<10000x128xf32, #tpu.memory_space<hbm>> -> memref<10000x128xf32, #tpu.memory_space<hbm>>
    tpu.enqueue_indirect_dma source(%dma_start3A_84 : memref<10000x128xf32, #tpu.memory_space<hbm>>) target(%arg8 : memref<128x128xf32, #tpu.memory_space<vmem>>) offsets(%dma_start3A_81 : memref<128xi32, #tpu.memory_space<vmem>>) semaphore(%arg11 : memref<!tpu.dma_semaphore, #tpu.memory_space<semaphore_mem>>)
    %dma_start3A_85 = arith.constant 1 : i32
    %dma_start3A_86 = arith.constant 0 : i32
    %dma_start3A_87 = tpu.memref_slice %arg6[%dma_start3A_85, %dma_start3A_86] : memref<40x128xi32, #tpu.memory_space<vmem>> -> memref<1x128xi32, #tpu.memory_space<vmem>>
    %dma_start3A_88 = tpu.memref_squeeze %dma_start3A_87 : memref<1x128xi32, #tpu.memory_space<vmem>> -> memref<128xi32, #tpu.memory_space<vmem>>
    %dma_start3A_89 = arith.constant 0 : i32
    %dma_start3A_90 = arith.constant 0 : i32
    %dma_start3A_91 = tpu.memref_slice %arg2[%dma_start3A_89, %dma_start3A_90] : memref<10000x128xf32, #tpu.memory_space<hbm>> -> memref<10000x128xf32, #tpu.memory_space<hbm>>
    tpu.enqueue_indirect_dma source(%dma_start3A_91 : memref<10000x128xf32, #tpu.memory_space<hbm>>) target(%arg9 : memref<128x128xf32, #tpu.memory_space<vmem>>) offsets(%dma_start3A_88 : memref<128xi32, #tpu.memory_space<vmem>>) semaphore(%arg12 : memref<!tpu.dma_semaphore, #tpu.memory_space<semaphore_mem>>)
    %dma_wait3A_92 = arith.constant 0 : i32
    %dma_wait3A_93 = arith.constant 0 : i32
    %dma_wait3A_94 = tpu.memref_slice %arg6[%dma_wait3A_92, %dma_wait3A_93] : memref<40x128xi32, #tpu.memory_space<vmem>> -> memref<1x128xi32, #tpu.memory_space<vmem>>
    %dma_wait3A_95 = tpu.memref_squeeze %dma_wait3A_94 : memref<1x128xi32, #tpu.memory_space<vmem>> -> memref<128xi32, #tpu.memory_space<vmem>>
    %dma_wait3A_96 = arith.constant 0 : i32
    %dma_wait3A_97 = arith.constant 0 : i32
    %dma_wait3A_98 = tpu.memref_slice %arg2[%dma_wait3A_96, %dma_wait3A_97] : memref<10000x128xf32, #tpu.memory_space<hbm>> -> memref<10000x128xf32, #tpu.memory_space<hbm>>
    tpu.wait_indirect_dma semaphore(%arg11 : memref<!tpu.dma_semaphore, #tpu.memory_space<semaphore_mem>>) src(%dma_wait3A_98 : memref<10000x128xf32, #tpu.memory_space<hbm>>) dst(%arg8 : memref<128x128xf32, #tpu.memory_space<vmem>>)
    %dma_start3A_99 = arith.constant 0 : i32
    %dma_start3A_100 = arith.constant 0 : i32
    %dma_start3A_101 = tpu.memref_slice %arg7[%dma_start3A_99, %dma_start3A_100] : memref<40x128xi32, #tpu.memory_space<vmem>> -> memref<1x128xi32, #tpu.memory_space<vmem>>
    %dma_start3A_102 = tpu.memref_squeeze %dma_start3A_101 : memref<1x128xi32, #tpu.memory_space<vmem>> -> memref<128xi32, #tpu.memory_space<vmem>>
    %dma_start3A_103 = arith.constant 0 : i32
    %dma_start3A_104 = arith.constant 0 : i32
    %dma_start3A_105 = tpu.memref_slice %arg10[%dma_start3A_103, %dma_start3A_104] : memref<10008x128xf32, #tpu.memory_space<vmem_shared>> -> memref<10008x128xf32, #tpu.memory_space<vmem_shared>>
    tpu.enqueue_indirect_dma source(%arg8 : memref<128x128xf32, #tpu.memory_space<vmem>>) target(%dma_start3A_105 : memref<10008x128xf32, #tpu.memory_space<vmem_shared>>) offsets(%dma_start3A_102 : memref<128xi32, #tpu.memory_space<vmem>>) semaphore(%arg13 : memref<!tpu.dma_semaphore, #tpu.memory_space<semaphore_mem>>) {add = true}
    %scan3A_106 = arith.constant 0 : i32
    %scan3A_107 = arith.constant 19 : i32
    %scan3A_108 = arith.addi %scan3A_106, %scan3A_107 : i32
    %scan3A_109 = arith.constant 1 : i32
    scf.for %scan3A_152 = %scan3A_106 to %scan3A_108 step %scan3A_109  : i32 {
      %mul3A_153 = arith.constant 1 : i32
      %mul3A_154 = arith.muli %scan3A_152, %mul3A_153 : i32
      %add3A_155 = arith.constant 1 : i32
      %add3A_156 = arith.addi %add3A_155, %mul3A_154 : i32
      %mul3A_157 = arith.constant 2 : i32
      %mul3A_158 = arith.muli %mul3A_157, %add3A_156 : i32
      %dma_wait3A_159 = arith.constant 0 : i32
      %dma_wait3A_160 = arith.constant 0 : i32
      %dma_wait3A_161 = tpu.memref_slice %arg7[%dma_wait3A_159, %dma_wait3A_160] : memref<40x128xi32, #tpu.memory_space<vmem>> -> memref<1x128xi32, #tpu.memory_space<vmem>>
      %dma_wait3A_162 = tpu.memref_squeeze %dma_wait3A_161 : memref<1x128xi32, #tpu.memory_space<vmem>> -> memref<128xi32, #tpu.memory_space<vmem>>
      %dma_wait3A_163 = arith.constant 0 : i32
      %dma_wait3A_164 = arith.constant 0 : i32
      %dma_wait3A_165 = tpu.memref_slice %arg10[%dma_wait3A_163, %dma_wait3A_164] : memref<10008x128xf32, #tpu.memory_space<vmem_shared>> -> memref<10008x128xf32, #tpu.memory_space<vmem_shared>>
      tpu.wait_indirect_dma semaphore(%arg13 : memref<!tpu.dma_semaphore, #tpu.memory_space<semaphore_mem>>) src(%arg8 : memref<128x128xf32, #tpu.memory_space<vmem>>) dst(%dma_wait3A_165 : memref<10008x128xf32, #tpu.memory_space<vmem_shared>>)
      %dma_start3A_166 = arith.constant 0 : i32
      %dma_start3A_167 = tpu.memref_slice %arg6[%mul3A_158, %dma_start3A_166] : memref<40x128xi32, #tpu.memory_space<vmem>> -> memref<1x128xi32, #tpu.memory_space<vmem>>
      %dma_start3A_168 = tpu.memref_squeeze %dma_start3A_167 : memref<1x128xi32, #tpu.memory_space<vmem>> -> memref<128xi32, #tpu.memory_space<vmem>>
      %dma_start3A_169 = arith.constant 0 : i32
      %dma_start3A_170 = arith.constant 0 : i32
      %dma_start3A_171 = tpu.memref_slice %arg2[%dma_start3A_169, %dma_start3A_170] : memref<10000x128xf32, #tpu.memory_space<hbm>> -> memref<10000x128xf32, #tpu.memory_space<hbm>>
      tpu.enqueue_indirect_dma source(%dma_start3A_171 : memref<10000x128xf32, #tpu.memory_space<hbm>>) target(%arg8 : memref<128x128xf32, #tpu.memory_space<vmem>>) offsets(%dma_start3A_168 : memref<128xi32, #tpu.memory_space<vmem>>) semaphore(%arg11 : memref<!tpu.dma_semaphore, #tpu.memory_space<semaphore_mem>>)
      %dma_wait3A_172 = arith.constant 0 : i32
      %dma_wait3A_173 = arith.constant 0 : i32
      %dma_wait3A_174 = tpu.memref_slice %arg6[%dma_wait3A_172, %dma_wait3A_173] : memref<40x128xi32, #tpu.memory_space<vmem>> -> memref<1x128xi32, #tpu.memory_space<vmem>>
      %dma_wait3A_175 = tpu.memref_squeeze %dma_wait3A_174 : memref<1x128xi32, #tpu.memory_space<vmem>> -> memref<128xi32, #tpu.memory_space<vmem>>
      %dma_wait3A_176 = arith.constant 0 : i32
      %dma_wait3A_177 = arith.constant 0 : i32
      %dma_wait3A_178 = tpu.memref_slice %arg2[%dma_wait3A_176, %dma_wait3A_177] : memref<10000x128xf32, #tpu.memory_space<hbm>> -> memref<10000x128xf32, #tpu.memory_space<hbm>>
      tpu.wait_indirect_dma semaphore(%arg12 : memref<!tpu.dma_semaphore, #tpu.memory_space<semaphore_mem>>) src(%dma_wait3A_178 : memref<10000x128xf32, #tpu.memory_space<hbm>>) dst(%arg9 : memref<128x128xf32, #tpu.memory_space<vmem>>)
      %sub3A = arith.constant 1 : i32
      %sub3A_179 = arith.subi %mul3A_158, %sub3A : i32
      %dma_start3A_180 = arith.constant 0 : i32
      %dma_start3A_181 = tpu.memref_slice %arg7[%sub3A_179, %dma_start3A_180] : memref<40x128xi32, #tpu.memory_space<vmem>> -> memref<1x128xi32, #tpu.memory_space<vmem>>
      %dma_start3A_182 = tpu.memref_squeeze %dma_start3A_181 : memref<1x128xi32, #tpu.memory_space<vmem>> -> memref<128xi32, #tpu.memory_space<vmem>>
      %dma_start3A_183 = arith.constant 0 : i32
      %dma_start3A_184 = arith.constant 0 : i32
      %dma_start3A_185 = tpu.memref_slice %arg10[%dma_start3A_183, %dma_start3A_184] : memref<10008x128xf32, #tpu.memory_space<vmem_shared>> -> memref<10008x128xf32, #tpu.memory_space<vmem_shared>>
      tpu.enqueue_indirect_dma source(%arg9 : memref<128x128xf32, #tpu.memory_space<vmem>>) target(%dma_start3A_185 : memref<10008x128xf32, #tpu.memory_space<vmem_shared>>) offsets(%dma_start3A_182 : memref<128xi32, #tpu.memory_space<vmem>>) semaphore(%arg14 : memref<!tpu.dma_semaphore, #tpu.memory_space<semaphore_mem>>) {add = true}
      %dma_wait3A_186 = arith.constant 0 : i32
      %dma_wait3A_187 = arith.constant 0 : i32
      %dma_wait3A_188 = tpu.memref_slice %arg7[%dma_wait3A_186, %dma_wait3A_187] : memref<40x128xi32, #tpu.memory_space<vmem>> -> memref<1x128xi32, #tpu.memory_space<vmem>>
      %dma_wait3A_189 = tpu.memref_squeeze %dma_wait3A_188 : memref<1x128xi32, #tpu.memory_space<vmem>> -> memref<128xi32, #tpu.memory_space<vmem>>
      %dma_wait3A_190 = arith.constant 0 : i32
      %dma_wait3A_191 = arith.constant 0 : i32
      %dma_wait3A_192 = tpu.memref_slice %arg10[%dma_wait3A_190, %dma_wait3A_191] : memref<10008x128xf32, #tpu.memory_space<vmem_shared>> -> memref<10008x128xf32, #tpu.memory_space<vmem_shared>>
      tpu.wait_indirect_dma semaphore(%arg14 : memref<!tpu.dma_semaphore, #tpu.memory_space<semaphore_mem>>) src(%arg9 : memref<128x128xf32, #tpu.memory_space<vmem>>) dst(%dma_wait3A_192 : memref<10008x128xf32, #tpu.memory_space<vmem_shared>>)
      %add3A_193 = arith.constant 1 : i32
      %add3A_194 = arith.addi %mul3A_158, %add3A_193 : i32
      %dma_start3A_195 = arith.constant 0 : i32
      %dma_start3A_196 = tpu.memref_slice %arg6[%add3A_194, %dma_start3A_195] : memref<40x128xi32, #tpu.memory_space<vmem>> -> memref<1x128xi32, #tpu.memory_space<vmem>>
      %dma_start3A_197 = tpu.memref_squeeze %dma_start3A_196 : memref<1x128xi32, #tpu.memory_space<vmem>> -> memref<128xi32, #tpu.memory_space<vmem>>
      %dma_start3A_198 = arith.constant 0 : i32
      %dma_start3A_199 = arith.constant 0 : i32
      %dma_start3A_200 = tpu.memref_slice %arg2[%dma_start3A_198, %dma_start3A_199] : memref<10000x128xf32, #tpu.memory_space<hbm>> -> memref<10000x128xf32, #tpu.memory_space<hbm>>
      tpu.enqueue_indirect_dma source(%dma_start3A_200 : memref<10000x128xf32, #tpu.memory_space<hbm>>) target(%arg9 : memref<128x128xf32, #tpu.memory_space<vmem>>) offsets(%dma_start3A_197 : memref<128xi32, #tpu.memory_space<vmem>>) semaphore(%arg12 : memref<!tpu.dma_semaphore, #tpu.memory_space<semaphore_mem>>)
      %dma_wait3A_201 = arith.constant 0 : i32
      %dma_wait3A_202 = arith.constant 0 : i32
      %dma_wait3A_203 = tpu.memref_slice %arg6[%dma_wait3A_201, %dma_wait3A_202] : memref<40x128xi32, #tpu.memory_space<vmem>> -> memref<1x128xi32, #tpu.memory_space<vmem>>
      %dma_wait3A_204 = tpu.memref_squeeze %dma_wait3A_203 : memref<1x128xi32, #tpu.memory_space<vmem>> -> memref<128xi32, #tpu.memory_space<vmem>>
      %dma_wait3A_205 = arith.constant 0 : i32
      %dma_wait3A_206 = arith.constant 0 : i32
      %dma_wait3A_207 = tpu.memref_slice %arg2[%dma_wait3A_205, %dma_wait3A_206] : memref<10000x128xf32, #tpu.memory_space<hbm>> -> memref<10000x128xf32, #tpu.memory_space<hbm>>
      tpu.wait_indirect_dma semaphore(%arg11 : memref<!tpu.dma_semaphore, #tpu.memory_space<semaphore_mem>>) src(%dma_wait3A_207 : memref<10000x128xf32, #tpu.memory_space<hbm>>) dst(%arg8 : memref<128x128xf32, #tpu.memory_space<vmem>>)
      %dma_start3A_208 = arith.constant 0 : i32
      %dma_start3A_209 = tpu.memref_slice %arg7[%mul3A_158, %dma_start3A_208] : memref<40x128xi32, #tpu.memory_space<vmem>> -> memref<1x128xi32, #tpu.memory_space<vmem>>
      %dma_start3A_210 = tpu.memref_squeeze %dma_start3A_209 : memref<1x128xi32, #tpu.memory_space<vmem>> -> memref<128xi32, #tpu.memory_space<vmem>>
      %dma_start3A_211 = arith.constant 0 : i32
      %dma_start3A_212 = arith.constant 0 : i32
      %dma_start3A_213 = tpu.memref_slice %arg10[%dma_start3A_211, %dma_start3A_212] : memref<10008x128xf32, #tpu.memory_space<vmem_shared>> -> memref<10008x128xf32, #tpu.memory_space<vmem_shared>>
      tpu.enqueue_indirect_dma source(%arg8 : memref<128x128xf32, #tpu.memory_space<vmem>>) target(%dma_start3A_213 : memref<10008x128xf32, #tpu.memory_space<vmem_shared>>) offsets(%dma_start3A_210 : memref<128xi32, #tpu.memory_space<vmem>>) semaphore(%arg13 : memref<!tpu.dma_semaphore, #tpu.memory_space<semaphore_mem>>) {add = true}
    }
    %scan3A_110 = arith.constant 19 : i32
    %dma_wait3A_111 = arith.constant 0 : i32
    %dma_wait3A_112 = arith.constant 0 : i32
    %dma_wait3A_113 = tpu.memref_slice %arg6[%dma_wait3A_111, %dma_wait3A_112] : memref<40x128xi32, #tpu.memory_space<vmem>> -> memref<1x128xi32, #tpu.memory_space<vmem>>
    %dma_wait3A_114 = tpu.memref_squeeze %dma_wait3A_113 : memref<1x128xi32, #tpu.memory_space<vmem>> -> memref<128xi32, #tpu.memory_space<vmem>>
    %dma_wait3A_115 = arith.constant 0 : i32
    %dma_wait3A_116 = arith.constant 0 : i32
    %dma_wait3A_117 = tpu.memref_slice %arg2[%dma_wait3A_115, %dma_wait3A_116] : memref<10000x128xf32, #tpu.memory_space<hbm>> -> memref<10000x128xf32, #tpu.memory_space<hbm>>
    tpu.wait_indirect_dma semaphore(%arg12 : memref<!tpu.dma_semaphore, #tpu.memory_space<semaphore_mem>>) src(%dma_wait3A_117 : memref<10000x128xf32, #tpu.memory_space<hbm>>) dst(%arg9 : memref<128x128xf32, #tpu.memory_space<vmem>>)
    %dma_start3A_118 = arith.constant 39 : i32
    %dma_start3A_119 = arith.constant 0 : i32
    %dma_start3A_120 = tpu.memref_slice %arg7[%dma_start3A_118, %dma_start3A_119] : memref<40x128xi32, #tpu.memory_space<vmem>> -> memref<1x128xi32, #tpu.memory_space<vmem>>
    %dma_start3A_121 = tpu.memref_squeeze %dma_start3A_120 : memref<1x128xi32, #tpu.memory_space<vmem>> -> memref<128xi32, #tpu.memory_space<vmem>>
    %dma_start3A_122 = arith.constant 0 : i32
    %dma_start3A_123 = arith.constant 0 : i32
    %dma_start3A_124 = tpu.memref_slice %arg10[%dma_start3A_122, %dma_start3A_123] : memref<10008x128xf32, #tpu.memory_space<vmem_shared>> -> memref<10008x128xf32, #tpu.memory_space<vmem_shared>>
    tpu.enqueue_indirect_dma source(%arg9 : memref<128x128xf32, #tpu.memory_space<vmem>>) target(%dma_start3A_124 : memref<10008x128xf32, #tpu.memory_space<vmem_shared>>) offsets(%dma_start3A_121 : memref<128xi32, #tpu.memory_space<vmem>>) semaphore(%arg14 : memref<!tpu.dma_semaphore, #tpu.memory_space<semaphore_mem>>) {add = true}
    %dma_wait3A_125 = arith.constant 0 : i32
    %dma_wait3A_126 = arith.constant 0 : i32
    %dma_wait3A_127 = tpu.memref_slice %arg7[%dma_wait3A_125, %dma_wait3A_126] : memref<40x128xi32, #tpu.memory_space<vmem>> -> memref<1x128xi32, #tpu.memory_space<vmem>>
    %dma_wait3A_128 = tpu.memref_squeeze %dma_wait3A_127 : memref<1x128xi32, #tpu.memory_space<vmem>> -> memref<128xi32, #tpu.memory_space<vmem>>
    %dma_wait3A_129 = arith.constant 0 : i32
    %dma_wait3A_130 = arith.constant 0 : i32
    %dma_wait3A_131 = tpu.memref_slice %arg10[%dma_wait3A_129, %dma_wait3A_130] : memref<10008x128xf32, #tpu.memory_space<vmem_shared>> -> memref<10008x128xf32, #tpu.memory_space<vmem_shared>>
    tpu.wait_indirect_dma semaphore(%arg14 : memref<!tpu.dma_semaphore, #tpu.memory_space<semaphore_mem>>) src(%arg9 : memref<128x128xf32, #tpu.memory_space<vmem>>) dst(%dma_wait3A_131 : memref<10008x128xf32, #tpu.memory_space<vmem_shared>>)
    %dma_wait3A_132 = arith.constant 0 : i32
    %dma_wait3A_133 = arith.constant 0 : i32
    %dma_wait3A_134 = tpu.memref_slice %arg7[%dma_wait3A_132, %dma_wait3A_133] : memref<40x128xi32, #tpu.memory_space<vmem>> -> memref<1x128xi32, #tpu.memory_space<vmem>>
    %dma_wait3A_135 = tpu.memref_squeeze %dma_wait3A_134 : memref<1x128xi32, #tpu.memory_space<vmem>> -> memref<128xi32, #tpu.memory_space<vmem>>
    %dma_wait3A_136 = arith.constant 0 : i32
    %dma_wait3A_137 = arith.constant 0 : i32
    %dma_wait3A_138 = tpu.memref_slice %arg10[%dma_wait3A_136, %dma_wait3A_137] : memref<10008x128xf32, #tpu.memory_space<vmem_shared>> -> memref<10008x128xf32, #tpu.memory_space<vmem_shared>>
    tpu.wait_indirect_dma semaphore(%arg13 : memref<!tpu.dma_semaphore, #tpu.memory_space<semaphore_mem>>) src(%arg8 : memref<128x128xf32, #tpu.memory_space<vmem>>) dst(%dma_wait3A_138 : memref<10008x128xf32, #tpu.memory_space<vmem_shared>>)
    %barrier3A_139 = arith.constant 0 : index
    tpu.barrier barrier_id(%barrier3A_139)
    %mul3A_140 = arith.constant 624 : i32
    %mul3A_141 = arith.muli %arg1, %mul3A_140 : i32
    %mul3A_142 = arith.constant 10000 : i32
    %mul3A_143 = arith.muli %arg0, %mul3A_142 : i32
    %mul3A_144 = arith.constant 624 : i32
    %mul3A_145 = arith.muli %arg1, %mul3A_144 : i32
    %add3A_146 = arith.addi %mul3A_143, %mul3A_145 : i32
    "tpu.region"() ({
      %run_scoped3A = tpu.sem_alloc : memref<!tpu.dma_semaphore, #tpu.memory_space<semaphore_mem>>
      %dma_start3A_152 = arith.constant 0 : i32
      %dma_start3A_153 = tpu.memref_slice %arg5[%add3A_146, %dma_start3A_152] : memref<20000x128xf32, #tpu.memory_space<hbm>> -> memref<624x128xf32, #tpu.memory_space<hbm>>
      %dma_start3A_154 = arith.constant 0 : i32
      %dma_start3A_155 = tpu.memref_slice %arg10[%mul3A_141, %dma_start3A_154] : memref<10008x128xf32, #tpu.memory_space<vmem_shared>> -> memref<624x128xf32, #tpu.memory_space<vmem_shared>>
      tpu.enqueue_dma source(%dma_start3A_155 : memref<624x128xf32, #tpu.memory_space<vmem_shared>>) target(%dma_start3A_153 : memref<624x128xf32, #tpu.memory_space<hbm>>) target_semaphore(%run_scoped3A : memref<!tpu.dma_semaphore, #tpu.memory_space<semaphore_mem>>)
      %dma_wait3A_156 = arith.constant 0 : i32
      %dma_wait3A_157 = tpu.memref_slice %arg5[%add3A_146, %dma_wait3A_156] : memref<20000x128xf32, #tpu.memory_space<hbm>> -> memref<624x128xf32, #tpu.memory_space<hbm>>
      %dma_wait3A_158 = arith.constant 0 : i32
      %dma_wait3A_159 = tpu.memref_slice %arg10[%mul3A_141, %dma_wait3A_158] : memref<10008x128xf32, #tpu.memory_space<vmem_shared>> -> memref<624x128xf32, #tpu.memory_space<vmem_shared>>
      tpu.wait_dma2 semaphore(%run_scoped3A : memref<!tpu.dma_semaphore, #tpu.memory_space<semaphore_mem>>) src(%dma_wait3A_159 : memref<624x128xf32, #tpu.memory_space<vmem_shared>>) dst(%dma_wait3A_157 : memref<624x128xf32, #tpu.memory_space<hbm>>)
      tpu.yield
    }) : () -> ()
    %eq3A_147 = arith.constant 15 : i32
    %eq3A_148 = arith.cmpi eq, %arg1, %eq3A_147 : i32
    %convert_element_type3A_149 = arith.extui %eq3A_148 : i1 to i32
    %cond3A_150 = arith.constant 0 : i32
    %cond3A_151 = arith.cmpi ne, %convert_element_type3A_149, %cond3A_150 : i32
    scf.if %cond3A_151 {
      %mul3A_152 = arith.constant 10000 : i32
      %mul3A_153 = arith.muli %arg0, %mul3A_152 : i32
      %add3A_154 = arith.constant 9984 : i32
      %add3A_155 = arith.addi %mul3A_153, %add3A_154 : i32
      "tpu.region"() ({
        %run_scoped3A = tpu.sem_alloc : memref<!tpu.dma_semaphore, #tpu.memory_space<semaphore_mem>>
        %dma_start3A_156 = arith.constant 0 : i32
        %dma_start3A_157 = tpu.memref_slice %arg5[%add3A_155, %dma_start3A_156] : memref<20000x128xf32, #tpu.memory_space<hbm>> -> memref<16x128xf32, #tpu.memory_space<hbm>>
        %dma_start3A_158 = arith.constant 9984 : i32
        %dma_start3A_159 = arith.constant 0 : i32
        %dma_start3A_160 = tpu.memref_slice %arg10[%dma_start3A_158, %dma_start3A_159] : memref<10008x128xf32, #tpu.memory_space<vmem_shared>> -> memref<16x128xf32, #tpu.memory_space<vmem_shared>>
        tpu.enqueue_dma source(%dma_start3A_160 : memref<16x128xf32, #tpu.memory_space<vmem_shared>>) target(%dma_start3A_157 : memref<16x128xf32, #tpu.memory_space<hbm>>) target_semaphore(%run_scoped3A : memref<!tpu.dma_semaphore, #tpu.memory_space<semaphore_mem>>)
        %dma_wait3A_161 = arith.constant 0 : i32
        %dma_wait3A_162 = tpu.memref_slice %arg5[%add3A_155, %dma_wait3A_161] : memref<20000x128xf32, #tpu.memory_space<hbm>> -> memref<16x128xf32, #tpu.memory_space<hbm>>
        %dma_wait3A_163 = arith.constant 9984 : i32
        %dma_wait3A_164 = arith.constant 0 : i32
        %dma_wait3A_165 = tpu.memref_slice %arg10[%dma_wait3A_163, %dma_wait3A_164] : memref<10008x128xf32, #tpu.memory_space<vmem_shared>> -> memref<16x128xf32, #tpu.memory_space<vmem_shared>>
        tpu.wait_dma2 semaphore(%run_scoped3A : memref<!tpu.dma_semaphore, #tpu.memory_space<semaphore_mem>>) src(%dma_wait3A_165 : memref<16x128xf32, #tpu.memory_space<vmem_shared>>) dst(%dma_wait3A_162 : memref<16x128xf32, #tpu.memory_space<hbm>>)
        tpu.yield
      }) : () -> ()
    } else {
    }
    return
  }
}

#map = affine_map<(d0, d1) -> (0, 0)>
#map1 = affine_map<(d0, d1) -> (0, 0, 0)>
module attributes {stable_mosaic.version = 14 : i64} {
  func.func @_sc_scatter_body(%arg0: i32, %arg1: i32, %arg2: memref<10000x128xf32, #tpu.memory_space<hbm>>, %arg3: memref<32x80x128xi32, #tpu.memory_space<hbm>>, %arg4: memref<32x80x128xi32, #tpu.memory_space<hbm>>, %arg5: memref<20000x128xf32, #tpu.memory_space<hbm>>, %arg6: memref<40x128xi32, #tpu.memory_space<vmem>>, %arg7: memref<40x128xi32, #tpu.memory_space<vmem>>, %arg8: memref<128x128xf32, #tpu.memory_space<vmem>>, %arg9: memref<128x128xf32, #tpu.memory_space<vmem>>, %arg10: memref<10008x128xf32, #tpu.memory_space<vmem_shared>>, %arg11: memref<!tpu.dma_semaphore, #tpu.memory_space<semaphore_mem>>, %arg12: memref<!tpu.dma_semaphore, #tpu.memory_space<semaphore_mem>>, %arg13: memref<!tpu.dma_semaphore, #tpu.memory_space<semaphore_mem>>, %arg14: memref<!tpu.dma_semaphore, #tpu.memory_space<semaphore_mem>>) attributes {dimension_semantics = [#tpu.dimension_semantics<core_parallel>, #tpu.dimension_semantics<subcore_parallel>], iteration_bounds = array<i64: 2, 16>, scalar_prefetch = 0 : i64, scratch_operands = 9 : i64, tpu.core_type = #tpu.core_type<sc_vector_subcore>, window_params = [{transform_indices = #map}, {transform_indices = #map1}, {transform_indices = #map1}, {transform_indices = #map}]} {
    %mul3A = arith.constant 2 : i32
    %mul3A_0 = arith.muli %arg1, %mul3A : i32
    %add3A = arith.addi %mul3A_0, %arg0 : i32
    %scan3A = arith.constant 0 : i32
    %scan3A_1 = arith.constant 128 : i32
    %scan3A_2 = arith.addi %scan3A, %scan3A_1 : i32
    %scan3A_3 = arith.constant 1 : i32
    scf.for %scan3A_152 = %scan3A to %scan3A_2 step %scan3A_3  : i32 {
      %mul3A_153 = arith.constant 1 : i32
      %mul3A_154 = arith.muli %scan3A_152, %mul3A_153 : i32
      %add3A_155 = arith.constant 0 : i32
      %add3A_156 = arith.addi %add3A_155, %mul3A_154 : i32
      %scan3A_157 = arith.constant 0 : i32
      %scan3A_158 = arith.constant 8 : i32
      %scan3A_159 = arith.addi %scan3A_157, %scan3A_158 : i32
      %scan3A_160 = arith.constant 1 : i32
      scf.for %scan3A_162 = %scan3A_157 to %scan3A_159 step %scan3A_160  : i32 {
        %mul3A_163 = arith.constant 1 : i32
        %mul3A_164 = arith.muli %scan3A_162, %mul3A_163 : i32
        %add3A_165 = arith.constant 0 : i32
        %add3A_166 = arith.addi %add3A_165, %mul3A_164 : i32
        %broadcast_in_dim3A = arith.constant 0.000000e+00 : f32
        %broadcast_in_dim3A_167 = vector.broadcast %broadcast_in_dim3A : f32 to vector<16xf32>
        %mul3A_168 = arith.constant 16 : i32
        %mul3A_169 = arith.muli %add3A_166, %mul3A_168 : i32
        %swap3A = arith.index_cast %add3A_156 : i32 to index
        %swap3A_170 = arith.index_cast %mul3A_169 : i32 to index
        %swap3A_171 = tpu.vector_load %arg8[%swap3A, %swap3A_170] {strides = array<i32>} : memref<128x128xf32, #tpu.memory_space<vmem>>, vector<1x16xf32>,
        %swap3A_172 = vector.shape_cast %swap3A_171 : vector<1x16xf32> to vector<16xf32>
        %swap3A_173 = vector.shape_cast %broadcast_in_dim3A_167 : vector<16xf32> to vector<1x16xf32>
        tpu.vector_store %arg8[%swap3A, %swap3A_170], %swap3A_173 {strides = array<i32>} : memref<128x128xf32, #tpu.memory_space<vmem>>, vector<1x16xf32>,
      }
      %scan3A_161 = arith.constant 8 : i32
    }
    %scan3A_4 = arith.constant 128 : i32
    %mul3A_5 = arith.constant 624 : i32
    %mul3A_6 = arith.muli %arg1, %mul3A_5 : i32
    %add3A_7 = arith.constant 0 : i32
    %add3A_8 = arith.addi %mul3A_6, %add3A_7 : i32
    "tpu.region"() ({
      %run_scoped3A = tpu.sem_alloc : memref<!tpu.dma_semaphore, #tpu.memory_space<semaphore_mem>>
      %dma_start3A_152 = arith.constant 0 : i32
      %dma_start3A_153 = tpu.memref_slice %arg10[%add3A_8, %dma_start3A_152] : memref<10008x128xf32, #tpu.memory_space<vmem_shared>> -> memref<128x128xf32, #tpu.memory_space<vmem_shared>>
      %dma_start3A_154 = arith.constant 0 : i32
      %dma_start3A_155 = tpu.memref_slice %arg10[%add3A_8, %dma_start3A_154] : memref<10008x128xf32, #tpu.memory_space<vmem_shared>> -> memref<128x128xf32, #tpu.memory_space<vmem_shared>>
      tpu.enqueue_dma source(%arg8 : memref<128x128xf32, #tpu.memory_space<vmem>>) target(%dma_start3A_155 : memref<128x128xf32, #tpu.memory_space<vmem_shared>>) target_semaphore(%run_scoped3A : memref<!tpu.dma_semaphore, #tpu.memory_space<semaphore_mem>>)
      %dma_wait3A_156 = arith.constant 0 : i32
      %dma_wait3A_157 = tpu.memref_slice %arg10[%add3A_8, %dma_wait3A_156] : memref<10008x128xf32, #tpu.memory_space<vmem_shared>> -> memref<128x128xf32, #tpu.memory_space<vmem_shared>>
      %dma_wait3A_158 = arith.constant 0 : i32
      %dma_wait3A_159 = tpu.memref_slice %arg10[%add3A_8, %dma_wait3A_158] : memref<10008x128xf32, #tpu.memory_space<vmem_shared>> -> memref<128x128xf32, #tpu.memory_space<vmem_shared>>
      tpu.wait_dma2 semaphore(%run_scoped3A : memref<!tpu.dma_semaphore, #tpu.memory_space<semaphore_mem>>) src(%arg8 : memref<128x128xf32, #tpu.memory_space<vmem>>) dst(%dma_wait3A_159 : memref<128x128xf32, #tpu.memory_space<vmem_shared>>)
      tpu.yield
    }) : () -> ()
    %add3A_9 = arith.constant 128 : i32
    %add3A_10 = arith.addi %mul3A_6, %add3A_9 : i32
    "tpu.region"() ({
      %run_scoped3A = tpu.sem_alloc : memref<!tpu.dma_semaphore, #tpu.memory_space<semaphore_mem>>
      %dma_start3A_152 = arith.constant 0 : i32
      %dma_start3A_153 = tpu.memref_slice %arg10[%add3A_10, %dma_start3A_152] : memref<10008x128xf32, #tpu.memory_space<vmem_shared>> -> memref<128x128xf32, #tpu.memory_space<vmem_shared>>
      %dma_start3A_154 = arith.constant 0 : i32
      %dma_start3A_155 = tpu.memref_slice %arg10[%add3A_10, %dma_start3A_154] : memref<10008x128xf32, #tpu.memory_space<vmem_shared>> -> memref<128x128xf32, #tpu.memory_space<vmem_shared>>
      tpu.enqueue_dma source(%arg8 : memref<128x128xf32, #tpu.memory_space<vmem>>) target(%dma_start3A_155 : memref<128x128xf32, #tpu.memory_space<vmem_shared>>) target_semaphore(%run_scoped3A : memref<!tpu.dma_semaphore, #tpu.memory_space<semaphore_mem>>)
      %dma_wait3A_156 = arith.constant 0 : i32
      %dma_wait3A_157 = tpu.memref_slice %arg10[%add3A_10, %dma_wait3A_156] : memref<10008x128xf32, #tpu.memory_space<vmem_shared>> -> memref<128x128xf32, #tpu.memory_space<vmem_shared>>
      %dma_wait3A_158 = arith.constant 0 : i32
      %dma_wait3A_159 = tpu.memref_slice %arg10[%add3A_10, %dma_wait3A_158] : memref<10008x128xf32, #tpu.memory_space<vmem_shared>> -> memref<128x128xf32, #tpu.memory_space<vmem_shared>>
      tpu.wait_dma2 semaphore(%run_scoped3A : memref<!tpu.dma_semaphore, #tpu.memory_space<semaphore_mem>>) src(%arg8 : memref<128x128xf32, #tpu.memory_space<vmem>>) dst(%dma_wait3A_159 : memref<128x128xf32, #tpu.memory_space<vmem_shared>>)
      tpu.yield
    }) : () -> ()
    %add3A_11 = arith.constant 256 : i32
    %add3A_12 = arith.addi %mul3A_6, %add3A_11 : i32
    "tpu.region"() ({
      %run_scoped3A = tpu.sem_alloc : memref<!tpu.dma_semaphore, #tpu.memory_space<semaphore_mem>>
      %dma_start3A_152 = arith.constant 0 : i32
      %dma_start3A_153 = tpu.memref_slice %arg10[%add3A_12, %dma_start3A_152] : memref<10008x128xf32, #tpu.memory_space<vmem_shared>> -> memref<128x128xf32, #tpu.memory_space<vmem_shared>>
      %dma_start3A_154 = arith.constant 0 : i32
      %dma_start3A_155 = tpu.memref_slice %arg10[%add3A_12, %dma_start3A_154] : memref<10008x128xf32, #tpu.memory_space<vmem_shared>> -> memref<128x128xf32, #tpu.memory_space<vmem_shared>>
      tpu.enqueue_dma source(%arg8 : memref<128x128xf32, #tpu.memory_space<vmem>>) target(%dma_start3A_155 : memref<128x128xf32, #tpu.memory_space<vmem_shared>>) target_semaphore(%run_scoped3A : memref<!tpu.dma_semaphore, #tpu.memory_space<semaphore_mem>>)
      %dma_wait3A_156 = arith.constant 0 : i32
      %dma_wait3A_157 = tpu.memref_slice %arg10[%add3A_12, %dma_wait3A_156] : memref<10008x128xf32, #tpu.memory_space<vmem_shared>> -> memref<128x128xf32, #tpu.memory_space<vmem_shared>>
      %dma_wait3A_158 = arith.constant 0 : i32
      %dma_wait3A_159 = tpu.memref_slice %arg10[%add3A_12, %dma_wait3A_158] : memref<10008x128xf32, #tpu.memory_space<vmem_shared>> -> memref<128x128xf32, #tpu.memory_space<vmem_shared>>
      tpu.wait_dma2 semaphore(%run_scoped3A : memref<!tpu.dma_semaphore, #tpu.memory_space<semaphore_mem>>) src(%arg8 : memref<128x128xf32, #tpu.memory_space<vmem>>) dst(%dma_wait3A_159 : memref<128x128xf32, #tpu.memory_space<vmem_shared>>)
      tpu.yield
    }) : () -> ()
    %add3A_13 = arith.constant 384 : i32
    %add3A_14 = arith.addi %mul3A_6, %add3A_13 : i32
    "tpu.region"() ({
      %run_scoped3A = tpu.sem_alloc : memref<!tpu.dma_semaphore, #tpu.memory_space<semaphore_mem>>
      %dma_start3A_152 = arith.constant 0 : i32
      %dma_start3A_153 = tpu.memref_slice %arg10[%add3A_14, %dma_start3A_152] : memref<10008x128xf32, #tpu.memory_space<vmem_shared>> -> memref<128x128xf32, #tpu.memory_space<vmem_shared>>
      %dma_start3A_154 = arith.constant 0 : i32
      %dma_start3A_155 = tpu.memref_slice %arg10[%add3A_14, %dma_start3A_154] : memref<10008x128xf32, #tpu.memory_space<vmem_shared>> -> memref<128x128xf32, #tpu.memory_space<vmem_shared>>
      tpu.enqueue_dma source(%arg8 : memref<128x128xf32, #tpu.memory_space<vmem>>) target(%dma_start3A_155 : memref<128x128xf32, #tpu.memory_space<vmem_shared>>) target_semaphore(%run_scoped3A : memref<!tpu.dma_semaphore, #tpu.memory_space<semaphore_mem>>)
      %dma_wait3A_156 = arith.constant 0 : i32
      %dma_wait3A_157 = tpu.memref_slice %arg10[%add3A_14, %dma_wait3A_156] : memref<10008x128xf32, #tpu.memory_space<vmem_shared>> -> memref<128x128xf32, #tpu.memory_space<vmem_shared>>
      %dma_wait3A_158 = arith.constant 0 : i32
      %dma_wait3A_159 = tpu.memref_slice %arg10[%add3A_14, %dma_wait3A_158] : memref<10008x128xf32, #tpu.memory_space<vmem_shared>> -> memref<128x128xf32, #tpu.memory_space<vmem_shared>>
      tpu.wait_dma2 semaphore(%run_scoped3A : memref<!tpu.dma_semaphore, #tpu.memory_space<semaphore_mem>>) src(%arg8 : memref<128x128xf32, #tpu.memory_space<vmem>>) dst(%dma_wait3A_159 : memref<128x128xf32, #tpu.memory_space<vmem_shared>>)
      tpu.yield
    }) : () -> ()
    %add3A_15 = arith.constant 512 : i32
    %add3A_16 = arith.addi %mul3A_6, %add3A_15 : i32
    "tpu.region"() ({
      %run_scoped3A = tpu.sem_alloc : memref<!tpu.dma_semaphore, #tpu.memory_space<semaphore_mem>>
      %dma_start3A_152 = arith.constant 0 : i32
      %dma_start3A_153 = arith.constant 0 : i32
      %dma_start3A_154 = tpu.memref_slice %arg8[%dma_start3A_152, %dma_start3A_153] : memref<128x128xf32, #tpu.memory_space<vmem>> -> memref<112x128xf32, #tpu.memory_space<vmem>>
      %dma_start3A_155 = arith.constant 0 : i32
      %dma_start3A_156 = tpu.memref_slice %arg10[%add3A_16, %dma_start3A_155] : memref<10008x128xf32, #tpu.memory_space<vmem_shared>> -> memref<112x128xf32, #tpu.memory_space<vmem_shared>>
      %dma_start3A_157 = arith.constant 0 : i32
      %dma_start3A_158 = tpu.memref_slice %arg10[%add3A_16, %dma_start3A_157] : memref<10008x128xf32, #tpu.memory_space<vmem_shared>> -> memref<112x128xf32, #tpu.memory_space<vmem_shared>>
      %dma_start3A_159 = arith.constant 0 : i32
      %dma_start3A_160 = arith.constant 0 : i32
      %dma_start3A_161 = tpu.memref_slice %arg8[%dma_start3A_159, %dma_start3A_160] : memref<128x128xf32, #tpu.memory_space<vmem>> -> memref<112x128xf32, #tpu.memory_space<vmem>>
      tpu.enqueue_dma source(%dma_start3A_161 : memref<112x128xf32, #tpu.memory_space<vmem>>) target(%dma_start3A_158 : memref<112x128xf32, #tpu.memory_space<vmem_shared>>) target_semaphore(%run_scoped3A : memref<!tpu.dma_semaphore, #tpu.memory_space<semaphore_mem>>)
      %dma_wait3A_162 = arith.constant 0 : i32
      %dma_wait3A_163 = arith.constant 0 : i32
      %dma_wait3A_164 = tpu.memref_slice %arg8[%dma_wait3A_162, %dma_wait3A_163] : memref<128x128xf32, #tpu.memory_space<vmem>> -> memref<112x128xf32, #tpu.memory_space<vmem>>
      %dma_wait3A_165 = arith.constant 0 : i32
      %dma_wait3A_166 = tpu.memref_slice %arg10[%add3A_16, %dma_wait3A_165] : memref<10008x128xf32, #tpu.memory_space<vmem_shared>> -> memref<112x128xf32, #tpu.memory_space<vmem_shared>>
      %dma_wait3A_167 = arith.constant 0 : i32
      %dma_wait3A_168 = tpu.memref_slice %arg10[%add3A_16, %dma_wait3A_167] : memref<10008x128xf32, #tpu.memory_space<vmem_shared>> -> memref<112x128xf32, #tpu.memory_space<vmem_shared>>
      %dma_wait3A_169 = arith.constant 0 : i32
      %dma_wait3A_170 = arith.constant 0 : i32
      %dma_wait3A_171 = tpu.memref_slice %arg8[%dma_wait3A_169, %dma_wait3A_170] : memref<128x128xf32, #tpu.memory_space<vmem>> -> memref<112x128xf32, #tpu.memory_space<vmem>>
      tpu.wait_dma2 semaphore(%run_scoped3A : memref<!tpu.dma_semaphore, #tpu.memory_space<semaphore_mem>>) src(%dma_wait3A_171 : memref<112x128xf32, #tpu.memory_space<vmem>>) dst(%dma_wait3A_168 : memref<112x128xf32, #tpu.memory_space<vmem_shared>>)
      tpu.yield
    }) : () -> ()
    %eq3A = arith.constant 15 : i32
    %eq3A_17 = arith.cmpi eq, %arg1, %eq3A : i32
    %convert_element_type3A = arith.extui %eq3A_17 : i1 to i32
    %cond3A = arith.constant 0 : i32
    %cond3A_18 = arith.cmpi ne, %convert_element_type3A, %cond3A : i32
    scf.if %cond3A_18 {
      "tpu.region"() ({
        %run_scoped3A = tpu.sem_alloc : memref<!tpu.dma_semaphore, #tpu.memory_space<semaphore_mem>>
        %dma_start3A_152 = arith.constant 0 : i32
        %dma_start3A_153 = arith.constant 0 : i32
        %dma_start3A_154 = tpu.memref_slice %arg8[%dma_start3A_152, %dma_start3A_153] : memref<128x128xf32, #tpu.memory_space<vmem>> -> memref<16x128xf32, #tpu.memory_space<vmem>>
        %dma_start3A_155 = arith.constant 9984 : i32
        %dma_start3A_156 = arith.constant 0 : i32
        %dma_start3A_157 = tpu.memref_slice %arg10[%dma_start3A_155, %dma_start3A_156] : memref<10008x128xf32, #tpu.memory_space<vmem_shared>> -> memref<16x128xf32, #tpu.memory_space<vmem_shared>>
        %dma_start3A_158 = arith.constant 9984 : i32
        %dma_start3A_159 = arith.constant 0 : i32
        %dma_start3A_160 = tpu.memref_slice %arg10[%dma_start3A_158, %dma_start3A_159] : memref<10008x128xf32, #tpu.memory_space<vmem_shared>> -> memref<16x128xf32, #tpu.memory_space<vmem_shared>>
        %dma_start3A_161 = arith.constant 0 : i32
        %dma_start3A_162 = arith.constant 0 : i32
        %dma_start3A_163 = tpu.memref_slice %arg8[%dma_start3A_161, %dma_start3A_162] : memref<128x128xf32, #tpu.memory_space<vmem>> -> memref<16x128xf32, #tpu.memory_space<vmem>>
        tpu.enqueue_dma source(%dma_start3A_163 : memref<16x128xf32, #tpu.memory_space<vmem>>) target(%dma_start3A_160 : memref<16x128xf32, #tpu.memory_space<vmem_shared>>) target_semaphore(%run_scoped3A : memref<!tpu.dma_semaphore, #tpu.memory_space<semaphore_mem>>)
        %dma_wait3A_164 = arith.constant 0 : i32
        %dma_wait3A_165 = arith.constant 0 : i32
        %dma_wait3A_166 = tpu.memref_slice %arg8[%dma_wait3A_164, %dma_wait3A_165] : memref<128x128xf32, #tpu.memory_space<vmem>> -> memref<16x128xf32, #tpu.memory_space<vmem>>
        %dma_wait3A_167 = arith.constant 9984 : i32
        %dma_wait3A_168 = arith.constant 0 : i32
        %dma_wait3A_169 = tpu.memref_slice %arg10[%dma_wait3A_167, %dma_wait3A_168] : memref<10008x128xf32, #tpu.memory_space<vmem_shared>> -> memref<16x128xf32, #tpu.memory_space<vmem_shared>>
        %dma_wait3A_170 = arith.constant 9984 : i32
        %dma_wait3A_171 = arith.constant 0 : i32
        %dma_wait3A_172 = tpu.memref_slice %arg10[%dma_wait3A_170, %dma_wait3A_171] : memref<10008x128xf32, #tpu.memory_space<vmem_shared>> -> memref<16x128xf32, #tpu.memory_space<vmem_shared>>
        %dma_wait3A_173 = arith.constant 0 : i32
        %dma_wait3A_174 = arith.constant 0 : i32
        %dma_wait3A_175 = tpu.memref_slice %arg8[%dma_wait3A_173, %dma_wait3A_174] : memref<128x128xf32, #tpu.memory_space<vmem>> -> memref<16x128xf32, #tpu.memory_space<vmem>>
        tpu.wait_dma2 semaphore(%run_scoped3A : memref<!tpu.dma_semaphore, #tpu.memory_space<semaphore_mem>>) src(%dma_wait3A_175 : memref<16x128xf32, #tpu.memory_space<vmem>>) dst(%dma_wait3A_172 : memref<16x128xf32, #tpu.memory_space<vmem_shared>>)
        tpu.yield
      }) : () -> ()
    } else {
    }
    %barrier3A = arith.constant 0 : index
    tpu.barrier barrier_id(%barrier3A)
    "tpu.region"() ({
      %run_scoped3A = tpu.sem_alloc : memref<!tpu.dma_semaphore, #tpu.memory_space<semaphore_mem>>
      %dma_start3A_152 = arith.constant 0 : i32
      %dma_start3A_153 = arith.constant 0 : i32
      %dma_start3A_154 = tpu.memref_slice %arg3[%add3A, %dma_start3A_152, %dma_start3A_153] : memref<32x80x128xi32, #tpu.memory_space<hbm>> -> memref<1x80x128xi32, #tpu.memory_space<hbm>>
      %dma_start3A_155 = tpu.memref_squeeze %dma_start3A_154 : memref<1x80x128xi32, #tpu.memory_space<hbm>> -> memref<80x128xi32, #tpu.memory_space<hbm>>
      %dma_start3A_156 = arith.constant 0 : i32
      %dma_start3A_157 = arith.constant 0 : i32
      %dma_start3A_158 = tpu.memref_slice %dma_start3A_155[%dma_start3A_156, %dma_start3A_157] : memref<80x128xi32, #tpu.memory_space<hbm>> -> memref<40x128xi32, #tpu.memory_space<hbm>>
      %dma_start3A_159 = arith.constant 0 : i32
      %dma_start3A_160 = arith.constant 0 : i32
      %dma_start3A_161 = tpu.memref_slice %arg3[%add3A, %dma_start3A_159, %dma_start3A_160] : memref<32x80x128xi32, #tpu.memory_space<hbm>> -> memref<1x80x128xi32, #tpu.memory_space<hbm>>
      %dma_start3A_162 = tpu.memref_squeeze %dma_start3A_161 : memref<1x80x128xi32, #tpu.memory_space<hbm>> -> memref<80x128xi32, #tpu.memory_space<hbm>>
      %dma_start3A_163 = arith.constant 0 : i32
      %dma_start3A_164 = arith.constant 0 : i32
      %dma_start3A_165 = tpu.memref_slice %dma_start3A_162[%dma_start3A_163, %dma_start3A_164] : memref<80x128xi32, #tpu.memory_space<hbm>> -> memref<40x128xi32, #tpu.memory_space<hbm>>
      tpu.enqueue_dma source(%dma_start3A_165 : memref<40x128xi32, #tpu.memory_space<hbm>>) target(%arg6 : memref<40x128xi32, #tpu.memory_space<vmem>>) target_semaphore(%run_scoped3A : memref<!tpu.dma_semaphore, #tpu.memory_space<semaphore_mem>>)
      %dma_wait3A_166 = arith.constant 0 : i32
      %dma_wait3A_167 = arith.constant 0 : i32
      %dma_wait3A_168 = tpu.memref_slice %arg3[%add3A, %dma_wait3A_166, %dma_wait3A_167] : memref<32x80x128xi32, #tpu.memory_space<hbm>> -> memref<1x80x128xi32, #tpu.memory_space<hbm>>
      %dma_wait3A_169 = tpu.memref_squeeze %dma_wait3A_168 : memref<1x80x128xi32, #tpu.memory_space<hbm>> -> memref<80x128xi32, #tpu.memory_space<hbm>>
      %dma_wait3A_170 = arith.constant 0 : i32
      %dma_wait3A_171 = arith.constant 0 : i32
      %dma_wait3A_172 = tpu.memref_slice %dma_wait3A_169[%dma_wait3A_170, %dma_wait3A_171] : memref<80x128xi32, #tpu.memory_space<hbm>> -> memref<40x128xi32, #tpu.memory_space<hbm>>
      %dma_wait3A_173 = arith.constant 0 : i32
      %dma_wait3A_174 = arith.constant 0 : i32
      %dma_wait3A_175 = tpu.memref_slice %arg3[%add3A, %dma_wait3A_173, %dma_wait3A_174] : memref<32x80x128xi32, #tpu.memory_space<hbm>> -> memref<1x80x128xi32, #tpu.memory_space<hbm>>
      %dma_wait3A_176 = tpu.memref_squeeze %dma_wait3A_175 : memref<1x80x128xi32, #tpu.memory_space<hbm>> -> memref<80x128xi32, #tpu.memory_space<hbm>>
      %dma_wait3A_177 = arith.constant 0 : i32
      %dma_wait3A_178 = arith.constant 0 : i32
      %dma_wait3A_179 = tpu.memref_slice %dma_wait3A_176[%dma_wait3A_177, %dma_wait3A_178] : memref<80x128xi32, #tpu.memory_space<hbm>> -> memref<40x128xi32, #tpu.memory_space<hbm>>
      tpu.wait_dma2 semaphore(%run_scoped3A : memref<!tpu.dma_semaphore, #tpu.memory_space<semaphore_mem>>) src(%dma_wait3A_179 : memref<40x128xi32, #tpu.memory_space<hbm>>) dst(%arg6 : memref<40x128xi32, #tpu.memory_space<vmem>>)
      tpu.yield
    }) : () -> ()
    "tpu.region"() ({
      %run_scoped3A = tpu.sem_alloc : memref<!tpu.dma_semaphore, #tpu.memory_space<semaphore_mem>>
      %dma_start3A_152 = arith.constant 0 : i32
      %dma_start3A_153 = arith.constant 0 : i32
      %dma_start3A_154 = tpu.memref_slice %arg4[%add3A, %dma_start3A_152, %dma_start3A_153] : memref<32x80x128xi32, #tpu.memory_space<hbm>> -> memref<1x80x128xi32, #tpu.memory_space<hbm>>
      %dma_start3A_155 = tpu.memref_squeeze %dma_start3A_154 : memref<1x80x128xi32, #tpu.memory_space<hbm>> -> memref<80x128xi32, #tpu.memory_space<hbm>>
      %dma_start3A_156 = arith.constant 0 : i32
      %dma_start3A_157 = arith.constant 0 : i32
      %dma_start3A_158 = tpu.memref_slice %dma_start3A_155[%dma_start3A_156, %dma_start3A_157] : memref<80x128xi32, #tpu.memory_space<hbm>> -> memref<40x128xi32, #tpu.memory_space<hbm>>
      %dma_start3A_159 = arith.constant 0 : i32
      %dma_start3A_160 = arith.constant 0 : i32
      %dma_start3A_161 = tpu.memref_slice %arg4[%add3A, %dma_start3A_159, %dma_start3A_160] : memref<32x80x128xi32, #tpu.memory_space<hbm>> -> memref<1x80x128xi32, #tpu.memory_space<hbm>>
      %dma_start3A_162 = tpu.memref_squeeze %dma_start3A_161 : memref<1x80x128xi32, #tpu.memory_space<hbm>> -> memref<80x128xi32, #tpu.memory_space<hbm>>
      %dma_start3A_163 = arith.constant 0 : i32
      %dma_start3A_164 = arith.constant 0 : i32
      %dma_start3A_165 = tpu.memref_slice %dma_start3A_162[%dma_start3A_163, %dma_start3A_164] : memref<80x128xi32, #tpu.memory_space<hbm>> -> memref<40x128xi32, #tpu.memory_space<hbm>>
      tpu.enqueue_dma source(%dma_start3A_165 : memref<40x128xi32, #tpu.memory_space<hbm>>) target(%arg7 : memref<40x128xi32, #tpu.memory_space<vmem>>) target_semaphore(%run_scoped3A : memref<!tpu.dma_semaphore, #tpu.memory_space<semaphore_mem>>)
      %dma_wait3A_166 = arith.constant 0 : i32
      %dma_wait3A_167 = arith.constant 0 : i32
      %dma_wait3A_168 = tpu.memref_slice %arg4[%add3A, %dma_wait3A_166, %dma_wait3A_167] : memref<32x80x128xi32, #tpu.memory_space<hbm>> -> memref<1x80x128xi32, #tpu.memory_space<hbm>>
      %dma_wait3A_169 = tpu.memref_squeeze %dma_wait3A_168 : memref<1x80x128xi32, #tpu.memory_space<hbm>> -> memref<80x128xi32, #tpu.memory_space<hbm>>
      %dma_wait3A_170 = arith.constant 0 : i32
      %dma_wait3A_171 = arith.constant 0 : i32
      %dma_wait3A_172 = tpu.memref_slice %dma_wait3A_169[%dma_wait3A_170, %dma_wait3A_171] : memref<80x128xi32, #tpu.memory_space<hbm>> -> memref<40x128xi32, #tpu.memory_space<hbm>>
      %dma_wait3A_173 = arith.constant 0 : i32
      %dma_wait3A_174 = arith.constant 0 : i32
      %dma_wait3A_175 = tpu.memref_slice %arg4[%add3A, %dma_wait3A_173, %dma_wait3A_174] : memref<32x80x128xi32, #tpu.memory_space<hbm>> -> memref<1x80x128xi32, #tpu.memory_space<hbm>>
      %dma_wait3A_176 = tpu.memref_squeeze %dma_wait3A_175 : memref<1x80x128xi32, #tpu.memory_space<hbm>> -> memref<80x128xi32, #tpu.memory_space<hbm>>
      %dma_wait3A_177 = arith.constant 0 : i32
      %dma_wait3A_178 = arith.constant 0 : i32
      %dma_wait3A_179 = tpu.memref_slice %dma_wait3A_176[%dma_wait3A_177, %dma_wait3A_178] : memref<80x128xi32, #tpu.memory_space<hbm>> -> memref<40x128xi32, #tpu.memory_space<hbm>>
      tpu.wait_dma2 semaphore(%run_scoped3A : memref<!tpu.dma_semaphore, #tpu.memory_space<semaphore_mem>>) src(%dma_wait3A_179 : memref<40x128xi32, #tpu.memory_space<hbm>>) dst(%arg7 : memref<40x128xi32, #tpu.memory_space<vmem>>)
      tpu.yield
    }) : () -> ()
    %dma_start3A = arith.constant 0 : i32
    %dma_start3A_19 = arith.constant 0 : i32
    %dma_start3A_20 = tpu.memref_slice %arg6[%dma_start3A, %dma_start3A_19] : memref<40x128xi32, #tpu.memory_space<vmem>> -> memref<1x128xi32, #tpu.memory_space<vmem>>
    %dma_start3A_21 = tpu.memref_squeeze %dma_start3A_20 : memref<1x128xi32, #tpu.memory_space<vmem>> -> memref<128xi32, #tpu.memory_space<vmem>>
    %dma_start3A_22 = arith.constant 0 : i32
    %dma_start3A_23 = arith.constant 0 : i32
    %dma_start3A_24 = tpu.memref_slice %arg2[%dma_start3A_22, %dma_start3A_23] : memref<10000x128xf32, #tpu.memory_space<hbm>> -> memref<10000x128xf32, #tpu.memory_space<hbm>>
    tpu.enqueue_indirect_dma source(%dma_start3A_24 : memref<10000x128xf32, #tpu.memory_space<hbm>>) target(%arg8 : memref<128x128xf32, #tpu.memory_space<vmem>>) offsets(%dma_start3A_21 : memref<128xi32, #tpu.memory_space<vmem>>) semaphore(%arg11 : memref<!tpu.dma_semaphore, #tpu.memory_space<semaphore_mem>>)
    %dma_start3A_25 = arith.constant 1 : i32
    %dma_start3A_26 = arith.constant 0 : i32
    %dma_start3A_27 = tpu.memref_slice %arg6[%dma_start3A_25, %dma_start3A_26] : memref<40x128xi32, #tpu.memory_space<vmem>> -> memref<1x128xi32, #tpu.memory_space<vmem>>
    %dma_start3A_28 = tpu.memref_squeeze %dma_start3A_27 : memref<1x128xi32, #tpu.memory_space<vmem>> -> memref<128xi32, #tpu.memory_space<vmem>>
    %dma_start3A_29 = arith.constant 0 : i32
    %dma_start3A_30 = arith.constant 0 : i32
    %dma_start3A_31 = tpu.memref_slice %arg2[%dma_start3A_29, %dma_start3A_30] : memref<10000x128xf32, #tpu.memory_space<hbm>> -> memref<10000x128xf32, #tpu.memory_space<hbm>>
    tpu.enqueue_indirect_dma source(%dma_start3A_31 : memref<10000x128xf32, #tpu.memory_space<hbm>>) target(%arg9 : memref<128x128xf32, #tpu.memory_space<vmem>>) offsets(%dma_start3A_28 : memref<128xi32, #tpu.memory_space<vmem>>) semaphore(%arg12 : memref<!tpu.dma_semaphore, #tpu.memory_space<semaphore_mem>>)
    %dma_wait3A = arith.constant 0 : i32
    %dma_wait3A_32 = arith.constant 0 : i32
    %dma_wait3A_33 = tpu.memref_slice %arg6[%dma_wait3A, %dma_wait3A_32] : memref<40x128xi32, #tpu.memory_space<vmem>> -> memref<1x128xi32, #tpu.memory_space<vmem>>
    %dma_wait3A_34 = tpu.memref_squeeze %dma_wait3A_33 : memref<1x128xi32, #tpu.memory_space<vmem>> -> memref<128xi32, #tpu.memory_space<vmem>>
    %dma_wait3A_35 = arith.constant 0 : i32
    %dma_wait3A_36 = arith.constant 0 : i32
    %dma_wait3A_37 = tpu.memref_slice %arg2[%dma_wait3A_35, %dma_wait3A_36] : memref<10000x128xf32, #tpu.memory_space<hbm>> -> memref<10000x128xf32, #tpu.memory_space<hbm>>
    tpu.wait_indirect_dma semaphore(%arg11 : memref<!tpu.dma_semaphore, #tpu.memory_space<semaphore_mem>>) src(%dma_wait3A_37 : memref<10000x128xf32, #tpu.memory_space<hbm>>) dst(%arg8 : memref<128x128xf32, #tpu.memory_space<vmem>>)
    %dma_start3A_38 = arith.constant 0 : i32
    %dma_start3A_39 = arith.constant 0 : i32
    %dma_start3A_40 = tpu.memref_slice %arg7[%dma_start3A_38, %dma_start3A_39] : memref<40x128xi32, #tpu.memory_space<vmem>> -> memref<1x128xi32, #tpu.memory_space<vmem>>
    %dma_start3A_41 = tpu.memref_squeeze %dma_start3A_40 : memref<1x128xi32, #tpu.memory_space<vmem>> -> memref<128xi32, #tpu.memory_space<vmem>>
    %dma_start3A_42 = arith.constant 0 : i32
    %dma_start3A_43 = arith.constant 0 : i32
    %dma_start3A_44 = tpu.memref_slice %arg10[%dma_start3A_42, %dma_start3A_43] : memref<10008x128xf32, #tpu.memory_space<vmem_shared>> -> memref<10008x128xf32, #tpu.memory_space<vmem_shared>>
    tpu.enqueue_indirect_dma source(%arg8 : memref<128x128xf32, #tpu.memory_space<vmem>>) target(%dma_start3A_44 : memref<10008x128xf32, #tpu.memory_space<vmem_shared>>) offsets(%dma_start3A_41 : memref<128xi32, #tpu.memory_space<vmem>>) semaphore(%arg13 : memref<!tpu.dma_semaphore, #tpu.memory_space<semaphore_mem>>) {add = true}
    %scan3A_45 = arith.constant 0 : i32
    %scan3A_46 = arith.constant 19 : i32
    %scan3A_47 = arith.addi %scan3A_45, %scan3A_46 : i32
    %scan3A_48 = arith.constant 1 : i32
    scf.for %scan3A_152 = %scan3A_45 to %scan3A_47 step %scan3A_48  : i32 {
      %mul3A_153 = arith.constant 1 : i32
      %mul3A_154 = arith.muli %scan3A_152, %mul3A_153 : i32
      %add3A_155 = arith.constant 1 : i32
      %add3A_156 = arith.addi %add3A_155, %mul3A_154 : i32
      %mul3A_157 = arith.constant 2 : i32
      %mul3A_158 = arith.muli %mul3A_157, %add3A_156 : i32
      %dma_wait3A_159 = arith.constant 0 : i32
      %dma_wait3A_160 = arith.constant 0 : i32
      %dma_wait3A_161 = tpu.memref_slice %arg7[%dma_wait3A_159, %dma_wait3A_160] : memref<40x128xi32, #tpu.memory_space<vmem>> -> memref<1x128xi32, #tpu.memory_space<vmem>>
      %dma_wait3A_162 = tpu.memref_squeeze %dma_wait3A_161 : memref<1x128xi32, #tpu.memory_space<vmem>> -> memref<128xi32, #tpu.memory_space<vmem>>
      %dma_wait3A_163 = arith.constant 0 : i32
      %dma_wait3A_164 = arith.constant 0 : i32
      %dma_wait3A_165 = tpu.memref_slice %arg10[%dma_wait3A_163, %dma_wait3A_164] : memref<10008x128xf32, #tpu.memory_space<vmem_shared>> -> memref<10008x128xf32, #tpu.memory_space<vmem_shared>>
      tpu.wait_indirect_dma semaphore(%arg13 : memref<!tpu.dma_semaphore, #tpu.memory_space<semaphore_mem>>) src(%arg8 : memref<128x128xf32, #tpu.memory_space<vmem>>) dst(%dma_wait3A_165 : memref<10008x128xf32, #tpu.memory_space<vmem_shared>>)
      %dma_start3A_166 = arith.constant 0 : i32
      %dma_start3A_167 = tpu.memref_slice %arg6[%mul3A_158, %dma_start3A_166] : memref<40x128xi32, #tpu.memory_space<vmem>> -> memref<1x128xi32, #tpu.memory_space<vmem>>
      %dma_start3A_168 = tpu.memref_squeeze %dma_start3A_167 : memref<1x128xi32, #tpu.memory_space<vmem>> -> memref<128xi32, #tpu.memory_space<vmem>>
      %dma_start3A_169 = arith.constant 0 : i32
      %dma_start3A_170 = arith.constant 0 : i32
      %dma_start3A_171 = tpu.memref_slice %arg2[%dma_start3A_169, %dma_start3A_170] : memref<10000x128xf32, #tpu.memory_space<hbm>> -> memref<10000x128xf32, #tpu.memory_space<hbm>>
      tpu.enqueue_indirect_dma source(%dma_start3A_171 : memref<10000x128xf32, #tpu.memory_space<hbm>>) target(%arg8 : memref<128x128xf32, #tpu.memory_space<vmem>>) offsets(%dma_start3A_168 : memref<128xi32, #tpu.memory_space<vmem>>) semaphore(%arg11 : memref<!tpu.dma_semaphore, #tpu.memory_space<semaphore_mem>>)
      %dma_wait3A_172 = arith.constant 0 : i32
      %dma_wait3A_173 = arith.constant 0 : i32
      %dma_wait3A_174 = tpu.memref_slice %arg6[%dma_wait3A_172, %dma_wait3A_173] : memref<40x128xi32, #tpu.memory_space<vmem>> -> memref<1x128xi32, #tpu.memory_space<vmem>>
      %dma_wait3A_175 = tpu.memref_squeeze %dma_wait3A_174 : memref<1x128xi32, #tpu.memory_space<vmem>> -> memref<128xi32, #tpu.memory_space<vmem>>
      %dma_wait3A_176 = arith.constant 0 : i32
      %dma_wait3A_177 = arith.constant 0 : i32
      %dma_wait3A_178 = tpu.memref_slice %arg2[%dma_wait3A_176, %dma_wait3A_177] : memref<10000x128xf32, #tpu.memory_space<hbm>> -> memref<10000x128xf32, #tpu.memory_space<hbm>>
      tpu.wait_indirect_dma semaphore(%arg12 : memref<!tpu.dma_semaphore, #tpu.memory_space<semaphore_mem>>) src(%dma_wait3A_178 : memref<10000x128xf32, #tpu.memory_space<hbm>>) dst(%arg9 : memref<128x128xf32, #tpu.memory_space<vmem>>)
      %sub3A = arith.constant 1 : i32
      %sub3A_179 = arith.subi %mul3A_158, %sub3A : i32
      %dma_start3A_180 = arith.constant 0 : i32
      %dma_start3A_181 = tpu.memref_slice %arg7[%sub3A_179, %dma_start3A_180] : memref<40x128xi32, #tpu.memory_space<vmem>> -> memref<1x128xi32, #tpu.memory_space<vmem>>
      %dma_start3A_182 = tpu.memref_squeeze %dma_start3A_181 : memref<1x128xi32, #tpu.memory_space<vmem>> -> memref<128xi32, #tpu.memory_space<vmem>>
      %dma_start3A_183 = arith.constant 0 : i32
      %dma_start3A_184 = arith.constant 0 : i32
      %dma_start3A_185 = tpu.memref_slice %arg10[%dma_start3A_183, %dma_start3A_184] : memref<10008x128xf32, #tpu.memory_space<vmem_shared>> -> memref<10008x128xf32, #tpu.memory_space<vmem_shared>>
      tpu.enqueue_indirect_dma source(%arg9 : memref<128x128xf32, #tpu.memory_space<vmem>>) target(%dma_start3A_185 : memref<10008x128xf32, #tpu.memory_space<vmem_shared>>) offsets(%dma_start3A_182 : memref<128xi32, #tpu.memory_space<vmem>>) semaphore(%arg14 : memref<!tpu.dma_semaphore, #tpu.memory_space<semaphore_mem>>) {add = true}
      %dma_wait3A_186 = arith.constant 0 : i32
      %dma_wait3A_187 = arith.constant 0 : i32
      %dma_wait3A_188 = tpu.memref_slice %arg7[%dma_wait3A_186, %dma_wait3A_187] : memref<40x128xi32, #tpu.memory_space<vmem>> -> memref<1x128xi32, #tpu.memory_space<vmem>>
      %dma_wait3A_189 = tpu.memref_squeeze %dma_wait3A_188 : memref<1x128xi32, #tpu.memory_space<vmem>> -> memref<128xi32, #tpu.memory_space<vmem>>
      %dma_wait3A_190 = arith.constant 0 : i32
      %dma_wait3A_191 = arith.constant 0 : i32
      %dma_wait3A_192 = tpu.memref_slice %arg10[%dma_wait3A_190, %dma_wait3A_191] : memref<10008x128xf32, #tpu.memory_space<vmem_shared>> -> memref<10008x128xf32, #tpu.memory_space<vmem_shared>>
      tpu.wait_indirect_dma semaphore(%arg14 : memref<!tpu.dma_semaphore, #tpu.memory_space<semaphore_mem>>) src(%arg9 : memref<128x128xf32, #tpu.memory_space<vmem>>) dst(%dma_wait3A_192 : memref<10008x128xf32, #tpu.memory_space<vmem_shared>>)
      %add3A_193 = arith.constant 1 : i32
      %add3A_194 = arith.addi %mul3A_158, %add3A_193 : i32
      %dma_start3A_195 = arith.constant 0 : i32
      %dma_start3A_196 = tpu.memref_slice %arg6[%add3A_194, %dma_start3A_195] : memref<40x128xi32, #tpu.memory_space<vmem>> -> memref<1x128xi32, #tpu.memory_space<vmem>>
      %dma_start3A_197 = tpu.memref_squeeze %dma_start3A_196 : memref<1x128xi32, #tpu.memory_space<vmem>> -> memref<128xi32, #tpu.memory_space<vmem>>
      %dma_start3A_198 = arith.constant 0 : i32
      %dma_start3A_199 = arith.constant 0 : i32
      %dma_start3A_200 = tpu.memref_slice %arg2[%dma_start3A_198, %dma_start3A_199] : memref<10000x128xf32, #tpu.memory_space<hbm>> -> memref<10000x128xf32, #tpu.memory_space<hbm>>
      tpu.enqueue_indirect_dma source(%dma_start3A_200 : memref<10000x128xf32, #tpu.memory_space<hbm>>) target(%arg9 : memref<128x128xf32, #tpu.memory_space<vmem>>) offsets(%dma_start3A_197 : memref<128xi32, #tpu.memory_space<vmem>>) semaphore(%arg12 : memref<!tpu.dma_semaphore, #tpu.memory_space<semaphore_mem>>)
      %dma_wait3A_201 = arith.constant 0 : i32
      %dma_wait3A_202 = arith.constant 0 : i32
      %dma_wait3A_203 = tpu.memref_slice %arg6[%dma_wait3A_201, %dma_wait3A_202] : memref<40x128xi32, #tpu.memory_space<vmem>> -> memref<1x128xi32, #tpu.memory_space<vmem>>
      %dma_wait3A_204 = tpu.memref_squeeze %dma_wait3A_203 : memref<1x128xi32, #tpu.memory_space<vmem>> -> memref<128xi32, #tpu.memory_space<vmem>>
      %dma_wait3A_205 = arith.constant 0 : i32
      %dma_wait3A_206 = arith.constant 0 : i32
      %dma_wait3A_207 = tpu.memref_slice %arg2[%dma_wait3A_205, %dma_wait3A_206] : memref<10000x128xf32, #tpu.memory_space<hbm>> -> memref<10000x128xf32, #tpu.memory_space<hbm>>
      tpu.wait_indirect_dma semaphore(%arg11 : memref<!tpu.dma_semaphore, #tpu.memory_space<semaphore_mem>>) src(%dma_wait3A_207 : memref<10000x128xf32, #tpu.memory_space<hbm>>) dst(%arg8 : memref<128x128xf32, #tpu.memory_space<vmem>>)
      %dma_start3A_208 = arith.constant 0 : i32
      %dma_start3A_209 = tpu.memref_slice %arg7[%mul3A_158, %dma_start3A_208] : memref<40x128xi32, #tpu.memory_space<vmem>> -> memref<1x128xi32, #tpu.memory_space<vmem>>
      %dma_start3A_210 = tpu.memref_squeeze %dma_start3A_209 : memref<1x128xi32, #tpu.memory_space<vmem>> -> memref<128xi32, #tpu.memory_space<vmem>>
      %dma_start3A_211 = arith.constant 0 : i32
      %dma_start3A_212 = arith.constant 0 : i32
      %dma_start3A_213 = tpu.memref_slice %arg10[%dma_start3A_211, %dma_start3A_212] : memref<10008x128xf32, #tpu.memory_space<vmem_shared>> -> memref<10008x128xf32, #tpu.memory_space<vmem_shared>>
      tpu.enqueue_indirect_dma source(%arg8 : memref<128x128xf32, #tpu.memory_space<vmem>>) target(%dma_start3A_213 : memref<10008x128xf32, #tpu.memory_space<vmem_shared>>) offsets(%dma_start3A_210 : memref<128xi32, #tpu.memory_space<vmem>>) semaphore(%arg13 : memref<!tpu.dma_semaphore, #tpu.memory_space<semaphore_mem>>) {add = true}
    }
    %scan3A_49 = arith.constant 19 : i32
    %dma_wait3A_50 = arith.constant 0 : i32
    %dma_wait3A_51 = arith.constant 0 : i32
    %dma_wait3A_52 = tpu.memref_slice %arg6[%dma_wait3A_50, %dma_wait3A_51] : memref<40x128xi32, #tpu.memory_space<vmem>> -> memref<1x128xi32, #tpu.memory_space<vmem>>
    %dma_wait3A_53 = tpu.memref_squeeze %dma_wait3A_52 : memref<1x128xi32, #tpu.memory_space<vmem>> -> memref<128xi32, #tpu.memory_space<vmem>>
    %dma_wait3A_54 = arith.constant 0 : i32
    %dma_wait3A_55 = arith.constant 0 : i32
    %dma_wait3A_56 = tpu.memref_slice %arg2[%dma_wait3A_54, %dma_wait3A_55] : memref<10000x128xf32, #tpu.memory_space<hbm>> -> memref<10000x128xf32, #tpu.memory_space<hbm>>
    tpu.wait_indirect_dma semaphore(%arg12 : memref<!tpu.dma_semaphore, #tpu.memory_space<semaphore_mem>>) src(%dma_wait3A_56 : memref<10000x128xf32, #tpu.memory_space<hbm>>) dst(%arg9 : memref<128x128xf32, #tpu.memory_space<vmem>>)
    %dma_start3A_57 = arith.constant 39 : i32
    %dma_start3A_58 = arith.constant 0 : i32
    %dma_start3A_59 = tpu.memref_slice %arg7[%dma_start3A_57, %dma_start3A_58] : memref<40x128xi32, #tpu.memory_space<vmem>> -> memref<1x128xi32, #tpu.memory_space<vmem>>
    %dma_start3A_60 = tpu.memref_squeeze %dma_start3A_59 : memref<1x128xi32, #tpu.memory_space<vmem>> -> memref<128xi32, #tpu.memory_space<vmem>>
    %dma_start3A_61 = arith.constant 0 : i32
    %dma_start3A_62 = arith.constant 0 : i32
    %dma_start3A_63 = tpu.memref_slice %arg10[%dma_start3A_61, %dma_start3A_62] : memref<10008x128xf32, #tpu.memory_space<vmem_shared>> -> memref<10008x128xf32, #tpu.memory_space<vmem_shared>>
    tpu.enqueue_indirect_dma source(%arg9 : memref<128x128xf32, #tpu.memory_space<vmem>>) target(%dma_start3A_63 : memref<10008x128xf32, #tpu.memory_space<vmem_shared>>) offsets(%dma_start3A_60 : memref<128xi32, #tpu.memory_space<vmem>>) semaphore(%arg14 : memref<!tpu.dma_semaphore, #tpu.memory_space<semaphore_mem>>) {add = true}
    %dma_wait3A_64 = arith.constant 0 : i32
    %dma_wait3A_65 = arith.constant 0 : i32
    %dma_wait3A_66 = tpu.memref_slice %arg7[%dma_wait3A_64, %dma_wait3A_65] : memref<40x128xi32, #tpu.memory_space<vmem>> -> memref<1x128xi32, #tpu.memory_space<vmem>>
    %dma_wait3A_67 = tpu.memref_squeeze %dma_wait3A_66 : memref<1x128xi32, #tpu.memory_space<vmem>> -> memref<128xi32, #tpu.memory_space<vmem>>
    %dma_wait3A_68 = arith.constant 0 : i32
    %dma_wait3A_69 = arith.constant 0 : i32
    %dma_wait3A_70 = tpu.memref_slice %arg10[%dma_wait3A_68, %dma_wait3A_69] : memref<10008x128xf32, #tpu.memory_space<vmem_shared>> -> memref<10008x128xf32, #tpu.memory_space<vmem_shared>>
    tpu.wait_indirect_dma semaphore(%arg14 : memref<!tpu.dma_semaphore, #tpu.memory_space<semaphore_mem>>) src(%arg9 : memref<128x128xf32, #tpu.memory_space<vmem>>) dst(%dma_wait3A_70 : memref<10008x128xf32, #tpu.memory_space<vmem_shared>>)
    %dma_wait3A_71 = arith.constant 0 : i32
    %dma_wait3A_72 = arith.constant 0 : i32
    %dma_wait3A_73 = tpu.memref_slice %arg7[%dma_wait3A_71, %dma_wait3A_72] : memref<40x128xi32, #tpu.memory_space<vmem>> -> memref<1x128xi32, #tpu.memory_space<vmem>>
    %dma_wait3A_74 = tpu.memref_squeeze %dma_wait3A_73 : memref<1x128xi32, #tpu.memory_space<vmem>> -> memref<128xi32, #tpu.memory_space<vmem>>
    %dma_wait3A_75 = arith.constant 0 : i32
    %dma_wait3A_76 = arith.constant 0 : i32
    %dma_wait3A_77 = tpu.memref_slice %arg10[%dma_wait3A_75, %dma_wait3A_76] : memref<10008x128xf32, #tpu.memory_space<vmem_shared>> -> memref<10008x128xf32, #tpu.memory_space<vmem_shared>>
    tpu.wait_indirect_dma semaphore(%arg13 : memref<!tpu.dma_semaphore, #tpu.memory_space<semaphore_mem>>) src(%arg8 : memref<128x128xf32, #tpu.memory_space<vmem>>) dst(%dma_wait3A_77 : memref<10008x128xf32, #tpu.memory_space<vmem_shared>>)
    "tpu.region"() ({
      %run_scoped3A = tpu.sem_alloc : memref<!tpu.dma_semaphore, #tpu.memory_space<semaphore_mem>>
      %dma_start3A_152 = arith.constant 0 : i32
      %dma_start3A_153 = arith.constant 0 : i32
      %dma_start3A_154 = tpu.memref_slice %arg3[%add3A, %dma_start3A_152, %dma_start3A_153] : memref<32x80x128xi32, #tpu.memory_space<hbm>> -> memref<1x80x128xi32, #tpu.memory_space<hbm>>
      %dma_start3A_155 = tpu.memref_squeeze %dma_start3A_154 : memref<1x80x128xi32, #tpu.memory_space<hbm>> -> memref<80x128xi32, #tpu.memory_space<hbm>>
      %dma_start3A_156 = arith.constant 40 : i32
      %dma_start3A_157 = arith.constant 0 : i32
      %dma_start3A_158 = tpu.memref_slice %dma_start3A_155[%dma_start3A_156, %dma_start3A_157] : memref<80x128xi32, #tpu.memory_space<hbm>> -> memref<40x128xi32, #tpu.memory_space<hbm>>
      %dma_start3A_159 = arith.constant 0 : i32
      %dma_start3A_160 = arith.constant 0 : i32
      %dma_start3A_161 = tpu.memref_slice %arg3[%add3A, %dma_start3A_159, %dma_start3A_160] : memref<32x80x128xi32, #tpu.memory_space<hbm>> -> memref<1x80x128xi32, #tpu.memory_space<hbm>>
      %dma_start3A_162 = tpu.memref_squeeze %dma_start3A_161 : memref<1x80x128xi32, #tpu.memory_space<hbm>> -> memref<80x128xi32, #tpu.memory_space<hbm>>
      %dma_start3A_163 = arith.constant 40 : i32
      %dma_start3A_164 = arith.constant 0 : i32
      %dma_start3A_165 = tpu.memref_slice %dma_start3A_162[%dma_start3A_163, %dma_start3A_164] : memref<80x128xi32, #tpu.memory_space<hbm>> -> memref<40x128xi32, #tpu.memory_space<hbm>>
      tpu.enqueue_dma source(%dma_start3A_165 : memref<40x128xi32, #tpu.memory_space<hbm>>) target(%arg6 : memref<40x128xi32, #tpu.memory_space<vmem>>) target_semaphore(%run_scoped3A : memref<!tpu.dma_semaphore, #tpu.memory_space<semaphore_mem>>)
      %dma_wait3A_166 = arith.constant 0 : i32
      %dma_wait3A_167 = arith.constant 0 : i32
      %dma_wait3A_168 = tpu.memref_slice %arg3[%add3A, %dma_wait3A_166, %dma_wait3A_167] : memref<32x80x128xi32, #tpu.memory_space<hbm>> -> memref<1x80x128xi32, #tpu.memory_space<hbm>>
      %dma_wait3A_169 = tpu.memref_squeeze %dma_wait3A_168 : memref<1x80x128xi32, #tpu.memory_space<hbm>> -> memref<80x128xi32, #tpu.memory_space<hbm>>
      %dma_wait3A_170 = arith.constant 40 : i32
      %dma_wait3A_171 = arith.constant 0 : i32
      %dma_wait3A_172 = tpu.memref_slice %dma_wait3A_169[%dma_wait3A_170, %dma_wait3A_171] : memref<80x128xi32, #tpu.memory_space<hbm>> -> memref<40x128xi32, #tpu.memory_space<hbm>>
      %dma_wait3A_173 = arith.constant 0 : i32
      %dma_wait3A_174 = arith.constant 0 : i32
      %dma_wait3A_175 = tpu.memref_slice %arg3[%add3A, %dma_wait3A_173, %dma_wait3A_174] : memref<32x80x128xi32, #tpu.memory_space<hbm>> -> memref<1x80x128xi32, #tpu.memory_space<hbm>>
      %dma_wait3A_176 = tpu.memref_squeeze %dma_wait3A_175 : memref<1x80x128xi32, #tpu.memory_space<hbm>> -> memref<80x128xi32, #tpu.memory_space<hbm>>
      %dma_wait3A_177 = arith.constant 40 : i32
      %dma_wait3A_178 = arith.constant 0 : i32
      %dma_wait3A_179 = tpu.memref_slice %dma_wait3A_176[%dma_wait3A_177, %dma_wait3A_178] : memref<80x128xi32, #tpu.memory_space<hbm>> -> memref<40x128xi32, #tpu.memory_space<hbm>>
      tpu.wait_dma2 semaphore(%run_scoped3A : memref<!tpu.dma_semaphore, #tpu.memory_space<semaphore_mem>>) src(%dma_wait3A_179 : memref<40x128xi32, #tpu.memory_space<hbm>>) dst(%arg6 : memref<40x128xi32, #tpu.memory_space<vmem>>)
      tpu.yield
    }) : () -> ()
    "tpu.region"() ({
      %run_scoped3A = tpu.sem_alloc : memref<!tpu.dma_semaphore, #tpu.memory_space<semaphore_mem>>
      %dma_start3A_152 = arith.constant 0 : i32
      %dma_start3A_153 = arith.constant 0 : i32
      %dma_start3A_154 = tpu.memref_slice %arg4[%add3A, %dma_start3A_152, %dma_start3A_153] : memref<32x80x128xi32, #tpu.memory_space<hbm>> -> memref<1x80x128xi32, #tpu.memory_space<hbm>>
      %dma_start3A_155 = tpu.memref_squeeze %dma_start3A_154 : memref<1x80x128xi32, #tpu.memory_space<hbm>> -> memref<80x128xi32, #tpu.memory_space<hbm>>
      %dma_start3A_156 = arith.constant 40 : i32
      %dma_start3A_157 = arith.constant 0 : i32
      %dma_start3A_158 = tpu.memref_slice %dma_start3A_155[%dma_start3A_156, %dma_start3A_157] : memref<80x128xi32, #tpu.memory_space<hbm>> -> memref<40x128xi32, #tpu.memory_space<hbm>>
      %dma_start3A_159 = arith.constant 0 : i32
      %dma_start3A_160 = arith.constant 0 : i32
      %dma_start3A_161 = tpu.memref_slice %arg4[%add3A, %dma_start3A_159, %dma_start3A_160] : memref<32x80x128xi32, #tpu.memory_space<hbm>> -> memref<1x80x128xi32, #tpu.memory_space<hbm>>
      %dma_start3A_162 = tpu.memref_squeeze %dma_start3A_161 : memref<1x80x128xi32, #tpu.memory_space<hbm>> -> memref<80x128xi32, #tpu.memory_space<hbm>>
      %dma_start3A_163 = arith.constant 40 : i32
      %dma_start3A_164 = arith.constant 0 : i32
      %dma_start3A_165 = tpu.memref_slice %dma_start3A_162[%dma_start3A_163, %dma_start3A_164] : memref<80x128xi32, #tpu.memory_space<hbm>> -> memref<40x128xi32, #tpu.memory_space<hbm>>
      tpu.enqueue_dma source(%dma_start3A_165 : memref<40x128xi32, #tpu.memory_space<hbm>>) target(%arg7 : memref<40x128xi32, #tpu.memory_space<vmem>>) target_semaphore(%run_scoped3A : memref<!tpu.dma_semaphore, #tpu.memory_space<semaphore_mem>>)
      %dma_wait3A_166 = arith.constant 0 : i32
      %dma_wait3A_167 = arith.constant 0 : i32
      %dma_wait3A_168 = tpu.memref_slice %arg4[%add3A, %dma_wait3A_166, %dma_wait3A_167] : memref<32x80x128xi32, #tpu.memory_space<hbm>> -> memref<1x80x128xi32, #tpu.memory_space<hbm>>
      %dma_wait3A_169 = tpu.memref_squeeze %dma_wait3A_168 : memref<1x80x128xi32, #tpu.memory_space<hbm>> -> memref<80x128xi32, #tpu.memory_space<hbm>>
      %dma_wait3A_170 = arith.constant 40 : i32
      %dma_wait3A_171 = arith.constant 0 : i32
      %dma_wait3A_172 = tpu.memref_slice %dma_wait3A_169[%dma_wait3A_170, %dma_wait3A_171] : memref<80x128xi32, #tpu.memory_space<hbm>> -> memref<40x128xi32, #tpu.memory_space<hbm>>
      %dma_wait3A_173 = arith.constant 0 : i32
      %dma_wait3A_174 = arith.constant 0 : i32
      %dma_wait3A_175 = tpu.memref_slice %arg4[%add3A, %dma_wait3A_173, %dma_wait3A_174] : memref<32x80x128xi32, #tpu.memory_space<hbm>> -> memref<1x80x128xi32, #tpu.memory_space<hbm>>
      %dma_wait3A_176 = tpu.memref_squeeze %dma_wait3A_175 : memref<1x80x128xi32, #tpu.memory_space<hbm>> -> memref<80x128xi32, #tpu.memory_space<hbm>>
      %dma_wait3A_177 = arith.constant 40 : i32
      %dma_wait3A_178 = arith.constant 0 : i32
      %dma_wait3A_179 = tpu.memref_slice %dma_wait3A_176[%dma_wait3A_177, %dma_wait3A_178] : memref<80x128xi32, #tpu.memory_space<hbm>> -> memref<40x128xi32, #tpu.memory_space<hbm>>
      tpu.wait_dma2 semaphore(%run_scoped3A : memref<!tpu.dma_semaphore, #tpu.memory_space<semaphore_mem>>) src(%dma_wait3A_179 : memref<40x128xi32, #tpu.memory_space<hbm>>) dst(%arg7 : memref<40x128xi32, #tpu.memory_space<vmem>>)
      tpu.yield
    }) : () -> ()
    %dma_start3A_78 = arith.constant 0 : i32
    %dma_start3A_79 = arith.constant 0 : i32
    %dma_start3A_80 = tpu.memref_slice %arg6[%dma_start3A_78, %dma_start3A_79] : memref<40x128xi32, #tpu.memory_space<vmem>> -> memref<1x128xi32, #tpu.memory_space<vmem>>
    %dma_start3A_81 = tpu.memref_squeeze %dma_start3A_80 : memref<1x128xi32, #tpu.memory_space<vmem>> -> memref<128xi32, #tpu.memory_space<vmem>>
    %dma_start3A_82 = arith.constant 0 : i32
    %dma_start3A_83 = arith.constant 0 : i32
    %dma_start3A_84 = tpu.memref_slice %arg2[%dma_start3A_82, %dma_start3A_83] : memref<10000x128xf32, #tpu.memory_space<hbm>> -> memref<10000x128xf32, #tpu.memory_space<hbm>>
    tpu.enqueue_indirect_dma source(%dma_start3A_84 : memref<10000x128xf32, #tpu.memory_space<hbm>>) target(%arg8 : memref<128x128xf32, #tpu.memory_space<vmem>>) offsets(%dma_start3A_81 : memref<128xi32, #tpu.memory_space<vmem>>) semaphore(%arg11 : memref<!tpu.dma_semaphore, #tpu.memory_space<semaphore_mem>>)
    %dma_start3A_85 = arith.constant 1 : i32
    %dma_start3A_86 = arith.constant 0 : i32
    %dma_start3A_87 = tpu.memref_slice %arg6[%dma_start3A_85, %dma_start3A_86] : memref<40x128xi32, #tpu.memory_space<vmem>> -> memref<1x128xi32, #tpu.memory_space<vmem>>
    %dma_start3A_88 = tpu.memref_squeeze %dma_start3A_87 : memref<1x128xi32, #tpu.memory_space<vmem>> -> memref<128xi32, #tpu.memory_space<vmem>>
    %dma_start3A_89 = arith.constant 0 : i32
    %dma_start3A_90 = arith.constant 0 : i32
    %dma_start3A_91 = tpu.memref_slice %arg2[%dma_start3A_89, %dma_start3A_90] : memref<10000x128xf32, #tpu.memory_space<hbm>> -> memref<10000x128xf32, #tpu.memory_space<hbm>>
    tpu.enqueue_indirect_dma source(%dma_start3A_91 : memref<10000x128xf32, #tpu.memory_space<hbm>>) target(%arg9 : memref<128x128xf32, #tpu.memory_space<vmem>>) offsets(%dma_start3A_88 : memref<128xi32, #tpu.memory_space<vmem>>) semaphore(%arg12 : memref<!tpu.dma_semaphore, #tpu.memory_space<semaphore_mem>>)
    %dma_wait3A_92 = arith.constant 0 : i32
    %dma_wait3A_93 = arith.constant 0 : i32
    %dma_wait3A_94 = tpu.memref_slice %arg6[%dma_wait3A_92, %dma_wait3A_93] : memref<40x128xi32, #tpu.memory_space<vmem>> -> memref<1x128xi32, #tpu.memory_space<vmem>>
    %dma_wait3A_95 = tpu.memref_squeeze %dma_wait3A_94 : memref<1x128xi32, #tpu.memory_space<vmem>> -> memref<128xi32, #tpu.memory_space<vmem>>
    %dma_wait3A_96 = arith.constant 0 : i32
    %dma_wait3A_97 = arith.constant 0 : i32
    %dma_wait3A_98 = tpu.memref_slice %arg2[%dma_wait3A_96, %dma_wait3A_97] : memref<10000x128xf32, #tpu.memory_space<hbm>> -> memref<10000x128xf32, #tpu.memory_space<hbm>>
    tpu.wait_indirect_dma semaphore(%arg11 : memref<!tpu.dma_semaphore, #tpu.memory_space<semaphore_mem>>) src(%dma_wait3A_98 : memref<10000x128xf32, #tpu.memory_space<hbm>>) dst(%arg8 : memref<128x128xf32, #tpu.memory_space<vmem>>)
    %dma_start3A_99 = arith.constant 0 : i32
    %dma_start3A_100 = arith.constant 0 : i32
    %dma_start3A_101 = tpu.memref_slice %arg7[%dma_start3A_99, %dma_start3A_100] : memref<40x128xi32, #tpu.memory_space<vmem>> -> memref<1x128xi32, #tpu.memory_space<vmem>>
    %dma_start3A_102 = tpu.memref_squeeze %dma_start3A_101 : memref<1x128xi32, #tpu.memory_space<vmem>> -> memref<128xi32, #tpu.memory_space<vmem>>
    %dma_start3A_103 = arith.constant 0 : i32
    %dma_start3A_104 = arith.constant 0 : i32
    %dma_start3A_105 = tpu.memref_slice %arg10[%dma_start3A_103, %dma_start3A_104] : memref<10008x128xf32, #tpu.memory_space<vmem_shared>> -> memref<10008x128xf32, #tpu.memory_space<vmem_shared>>
    tpu.enqueue_indirect_dma source(%arg8 : memref<128x128xf32, #tpu.memory_space<vmem>>) target(%dma_start3A_105 : memref<10008x128xf32, #tpu.memory_space<vmem_shared>>) offsets(%dma_start3A_102 : memref<128xi32, #tpu.memory_space<vmem>>) semaphore(%arg13 : memref<!tpu.dma_semaphore, #tpu.memory_space<semaphore_mem>>) {add = true}
    %scan3A_106 = arith.constant 0 : i32
    %scan3A_107 = arith.constant 19 : i32
    %scan3A_108 = arith.addi %scan3A_106, %scan3A_107 : i32
    %scan3A_109 = arith.constant 1 : i32
    scf.for %scan3A_152 = %scan3A_106 to %scan3A_108 step %scan3A_109  : i32 {
      %mul3A_153 = arith.constant 1 : i32
      %mul3A_154 = arith.muli %scan3A_152, %mul3A_153 : i32
      %add3A_155 = arith.constant 1 : i32
      %add3A_156 = arith.addi %add3A_155, %mul3A_154 : i32
      %mul3A_157 = arith.constant 2 : i32
      %mul3A_158 = arith.muli %mul3A_157, %add3A_156 : i32
      %dma_wait3A_159 = arith.constant 0 : i32
      %dma_wait3A_160 = arith.constant 0 : i32
      %dma_wait3A_161 = tpu.memref_slice %arg7[%dma_wait3A_159, %dma_wait3A_160] : memref<40x128xi32, #tpu.memory_space<vmem>> -> memref<1x128xi32, #tpu.memory_space<vmem>>
      %dma_wait3A_162 = tpu.memref_squeeze %dma_wait3A_161 : memref<1x128xi32, #tpu.memory_space<vmem>> -> memref<128xi32, #tpu.memory_space<vmem>>
      %dma_wait3A_163 = arith.constant 0 : i32
      %dma_wait3A_164 = arith.constant 0 : i32
      %dma_wait3A_165 = tpu.memref_slice %arg10[%dma_wait3A_163, %dma_wait3A_164] : memref<10008x128xf32, #tpu.memory_space<vmem_shared>> -> memref<10008x128xf32, #tpu.memory_space<vmem_shared>>
      tpu.wait_indirect_dma semaphore(%arg13 : memref<!tpu.dma_semaphore, #tpu.memory_space<semaphore_mem>>) src(%arg8 : memref<128x128xf32, #tpu.memory_space<vmem>>) dst(%dma_wait3A_165 : memref<10008x128xf32, #tpu.memory_space<vmem_shared>>)
      %dma_start3A_166 = arith.constant 0 : i32
      %dma_start3A_167 = tpu.memref_slice %arg6[%mul3A_158, %dma_start3A_166] : memref<40x128xi32, #tpu.memory_space<vmem>> -> memref<1x128xi32, #tpu.memory_space<vmem>>
      %dma_start3A_168 = tpu.memref_squeeze %dma_start3A_167 : memref<1x128xi32, #tpu.memory_space<vmem>> -> memref<128xi32, #tpu.memory_space<vmem>>
      %dma_start3A_169 = arith.constant 0 : i32
      %dma_start3A_170 = arith.constant 0 : i32
      %dma_start3A_171 = tpu.memref_slice %arg2[%dma_start3A_169, %dma_start3A_170] : memref<10000x128xf32, #tpu.memory_space<hbm>> -> memref<10000x128xf32, #tpu.memory_space<hbm>>
      tpu.enqueue_indirect_dma source(%dma_start3A_171 : memref<10000x128xf32, #tpu.memory_space<hbm>>) target(%arg8 : memref<128x128xf32, #tpu.memory_space<vmem>>) offsets(%dma_start3A_168 : memref<128xi32, #tpu.memory_space<vmem>>) semaphore(%arg11 : memref<!tpu.dma_semaphore, #tpu.memory_space<semaphore_mem>>)
      %dma_wait3A_172 = arith.constant 0 : i32
      %dma_wait3A_173 = arith.constant 0 : i32
      %dma_wait3A_174 = tpu.memref_slice %arg6[%dma_wait3A_172, %dma_wait3A_173] : memref<40x128xi32, #tpu.memory_space<vmem>> -> memref<1x128xi32, #tpu.memory_space<vmem>>
      %dma_wait3A_175 = tpu.memref_squeeze %dma_wait3A_174 : memref<1x128xi32, #tpu.memory_space<vmem>> -> memref<128xi32, #tpu.memory_space<vmem>>
      %dma_wait3A_176 = arith.constant 0 : i32
      %dma_wait3A_177 = arith.constant 0 : i32
      %dma_wait3A_178 = tpu.memref_slice %arg2[%dma_wait3A_176, %dma_wait3A_177] : memref<10000x128xf32, #tpu.memory_space<hbm>> -> memref<10000x128xf32, #tpu.memory_space<hbm>>
      tpu.wait_indirect_dma semaphore(%arg12 : memref<!tpu.dma_semaphore, #tpu.memory_space<semaphore_mem>>) src(%dma_wait3A_178 : memref<10000x128xf32, #tpu.memory_space<hbm>>) dst(%arg9 : memref<128x128xf32, #tpu.memory_space<vmem>>)
      %sub3A = arith.constant 1 : i32
      %sub3A_179 = arith.subi %mul3A_158, %sub3A : i32
      %dma_start3A_180 = arith.constant 0 : i32
      %dma_start3A_181 = tpu.memref_slice %arg7[%sub3A_179, %dma_start3A_180] : memref<40x128xi32, #tpu.memory_space<vmem>> -> memref<1x128xi32, #tpu.memory_space<vmem>>
      %dma_start3A_182 = tpu.memref_squeeze %dma_start3A_181 : memref<1x128xi32, #tpu.memory_space<vmem>> -> memref<128xi32, #tpu.memory_space<vmem>>
      %dma_start3A_183 = arith.constant 0 : i32
      %dma_start3A_184 = arith.constant 0 : i32
      %dma_start3A_185 = tpu.memref_slice %arg10[%dma_start3A_183, %dma_start3A_184] : memref<10008x128xf32, #tpu.memory_space<vmem_shared>> -> memref<10008x128xf32, #tpu.memory_space<vmem_shared>>
      tpu.enqueue_indirect_dma source(%arg9 : memref<128x128xf32, #tpu.memory_space<vmem>>) target(%dma_start3A_185 : memref<10008x128xf32, #tpu.memory_space<vmem_shared>>) offsets(%dma_start3A_182 : memref<128xi32, #tpu.memory_space<vmem>>) semaphore(%arg14 : memref<!tpu.dma_semaphore, #tpu.memory_space<semaphore_mem>>) {add = true}
      %dma_wait3A_186 = arith.constant 0 : i32
      %dma_wait3A_187 = arith.constant 0 : i32
      %dma_wait3A_188 = tpu.memref_slice %arg7[%dma_wait3A_186, %dma_wait3A_187] : memref<40x128xi32, #tpu.memory_space<vmem>> -> memref<1x128xi32, #tpu.memory_space<vmem>>
      %dma_wait3A_189 = tpu.memref_squeeze %dma_wait3A_188 : memref<1x128xi32, #tpu.memory_space<vmem>> -> memref<128xi32, #tpu.memory_space<vmem>>
      %dma_wait3A_190 = arith.constant 0 : i32
      %dma_wait3A_191 = arith.constant 0 : i32
      %dma_wait3A_192 = tpu.memref_slice %arg10[%dma_wait3A_190, %dma_wait3A_191] : memref<10008x128xf32, #tpu.memory_space<vmem_shared>> -> memref<10008x128xf32, #tpu.memory_space<vmem_shared>>
      tpu.wait_indirect_dma semaphore(%arg14 : memref<!tpu.dma_semaphore, #tpu.memory_space<semaphore_mem>>) src(%arg9 : memref<128x128xf32, #tpu.memory_space<vmem>>) dst(%dma_wait3A_192 : memref<10008x128xf32, #tpu.memory_space<vmem_shared>>)
      %add3A_193 = arith.constant 1 : i32
      %add3A_194 = arith.addi %mul3A_158, %add3A_193 : i32
      %dma_start3A_195 = arith.constant 0 : i32
      %dma_start3A_196 = tpu.memref_slice %arg6[%add3A_194, %dma_start3A_195] : memref<40x128xi32, #tpu.memory_space<vmem>> -> memref<1x128xi32, #tpu.memory_space<vmem>>
      %dma_start3A_197 = tpu.memref_squeeze %dma_start3A_196 : memref<1x128xi32, #tpu.memory_space<vmem>> -> memref<128xi32, #tpu.memory_space<vmem>>
      %dma_start3A_198 = arith.constant 0 : i32
      %dma_start3A_199 = arith.constant 0 : i32
      %dma_start3A_200 = tpu.memref_slice %arg2[%dma_start3A_198, %dma_start3A_199] : memref<10000x128xf32, #tpu.memory_space<hbm>> -> memref<10000x128xf32, #tpu.memory_space<hbm>>
      tpu.enqueue_indirect_dma source(%dma_start3A_200 : memref<10000x128xf32, #tpu.memory_space<hbm>>) target(%arg9 : memref<128x128xf32, #tpu.memory_space<vmem>>) offsets(%dma_start3A_197 : memref<128xi32, #tpu.memory_space<vmem>>) semaphore(%arg12 : memref<!tpu.dma_semaphore, #tpu.memory_space<semaphore_mem>>)
      %dma_wait3A_201 = arith.constant 0 : i32
      %dma_wait3A_202 = arith.constant 0 : i32
      %dma_wait3A_203 = tpu.memref_slice %arg6[%dma_wait3A_201, %dma_wait3A_202] : memref<40x128xi32, #tpu.memory_space<vmem>> -> memref<1x128xi32, #tpu.memory_space<vmem>>
      %dma_wait3A_204 = tpu.memref_squeeze %dma_wait3A_203 : memref<1x128xi32, #tpu.memory_space<vmem>> -> memref<128xi32, #tpu.memory_space<vmem>>
      %dma_wait3A_205 = arith.constant 0 : i32
      %dma_wait3A_206 = arith.constant 0 : i32
      %dma_wait3A_207 = tpu.memref_slice %arg2[%dma_wait3A_205, %dma_wait3A_206] : memref<10000x128xf32, #tpu.memory_space<hbm>> -> memref<10000x128xf32, #tpu.memory_space<hbm>>
      tpu.wait_indirect_dma semaphore(%arg11 : memref<!tpu.dma_semaphore, #tpu.memory_space<semaphore_mem>>) src(%dma_wait3A_207 : memref<10000x128xf32, #tpu.memory_space<hbm>>) dst(%arg8 : memref<128x128xf32, #tpu.memory_space<vmem>>)
      %dma_start3A_208 = arith.constant 0 : i32
      %dma_start3A_209 = tpu.memref_slice %arg7[%mul3A_158, %dma_start3A_208] : memref<40x128xi32, #tpu.memory_space<vmem>> -> memref<1x128xi32, #tpu.memory_space<vmem>>
      %dma_start3A_210 = tpu.memref_squeeze %dma_start3A_209 : memref<1x128xi32, #tpu.memory_space<vmem>> -> memref<128xi32, #tpu.memory_space<vmem>>
      %dma_start3A_211 = arith.constant 0 : i32
      %dma_start3A_212 = arith.constant 0 : i32
      %dma_start3A_213 = tpu.memref_slice %arg10[%dma_start3A_211, %dma_start3A_212] : memref<10008x128xf32, #tpu.memory_space<vmem_shared>> -> memref<10008x128xf32, #tpu.memory_space<vmem_shared>>
      tpu.enqueue_indirect_dma source(%arg8 : memref<128x128xf32, #tpu.memory_space<vmem>>) target(%dma_start3A_213 : memref<10008x128xf32, #tpu.memory_space<vmem_shared>>) offsets(%dma_start3A_210 : memref<128xi32, #tpu.memory_space<vmem>>) semaphore(%arg13 : memref<!tpu.dma_semaphore, #tpu.memory_space<semaphore_mem>>) {add = true}
    }
    %scan3A_110 = arith.constant 19 : i32
    %dma_wait3A_111 = arith.constant 0 : i32
    %dma_wait3A_112 = arith.constant 0 : i32
    %dma_wait3A_113 = tpu.memref_slice %arg6[%dma_wait3A_111, %dma_wait3A_112] : memref<40x128xi32, #tpu.memory_space<vmem>> -> memref<1x128xi32, #tpu.memory_space<vmem>>
    %dma_wait3A_114 = tpu.memref_squeeze %dma_wait3A_113 : memref<1x128xi32, #tpu.memory_space<vmem>> -> memref<128xi32, #tpu.memory_space<vmem>>
    %dma_wait3A_115 = arith.constant 0 : i32
    %dma_wait3A_116 = arith.constant 0 : i32
    %dma_wait3A_117 = tpu.memref_slice %arg2[%dma_wait3A_115, %dma_wait3A_116] : memref<10000x128xf32, #tpu.memory_space<hbm>> -> memref<10000x128xf32, #tpu.memory_space<hbm>>
    tpu.wait_indirect_dma semaphore(%arg12 : memref<!tpu.dma_semaphore, #tpu.memory_space<semaphore_mem>>) src(%dma_wait3A_117 : memref<10000x128xf32, #tpu.memory_space<hbm>>) dst(%arg9 : memref<128x128xf32, #tpu.memory_space<vmem>>)
    %dma_start3A_118 = arith.constant 39 : i32
    %dma_start3A_119 = arith.constant 0 : i32
    %dma_start3A_120 = tpu.memref_slice %arg7[%dma_start3A_118, %dma_start3A_119] : memref<40x128xi32, #tpu.memory_space<vmem>> -> memref<1x128xi32, #tpu.memory_space<vmem>>
    %dma_start3A_121 = tpu.memref_squeeze %dma_start3A_120 : memref<1x128xi32, #tpu.memory_space<vmem>> -> memref<128xi32, #tpu.memory_space<vmem>>
    %dma_start3A_122 = arith.constant 0 : i32
    %dma_start3A_123 = arith.constant 0 : i32
    %dma_start3A_124 = tpu.memref_slice %arg10[%dma_start3A_122, %dma_start3A_123] : memref<10008x128xf32, #tpu.memory_space<vmem_shared>> -> memref<10008x128xf32, #tpu.memory_space<vmem_shared>>
    tpu.enqueue_indirect_dma source(%arg9 : memref<128x128xf32, #tpu.memory_space<vmem>>) target(%dma_start3A_124 : memref<10008x128xf32, #tpu.memory_space<vmem_shared>>) offsets(%dma_start3A_121 : memref<128xi32, #tpu.memory_space<vmem>>) semaphore(%arg14 : memref<!tpu.dma_semaphore, #tpu.memory_space<semaphore_mem>>) {add = true}
    %dma_wait3A_125 = arith.constant 0 : i32
    %dma_wait3A_126 = arith.constant 0 : i32
    %dma_wait3A_127 = tpu.memref_slice %arg7[%dma_wait3A_125, %dma_wait3A_126] : memref<40x128xi32, #tpu.memory_space<vmem>> -> memref<1x128xi32, #tpu.memory_space<vmem>>
    %dma_wait3A_128 = tpu.memref_squeeze %dma_wait3A_127 : memref<1x128xi32, #tpu.memory_space<vmem>> -> memref<128xi32, #tpu.memory_space<vmem>>
    %dma_wait3A_129 = arith.constant 0 : i32
    %dma_wait3A_130 = arith.constant 0 : i32
    %dma_wait3A_131 = tpu.memref_slice %arg10[%dma_wait3A_129, %dma_wait3A_130] : memref<10008x128xf32, #tpu.memory_space<vmem_shared>> -> memref<10008x128xf32, #tpu.memory_space<vmem_shared>>
    tpu.wait_indirect_dma semaphore(%arg14 : memref<!tpu.dma_semaphore, #tpu.memory_space<semaphore_mem>>) src(%arg9 : memref<128x128xf32, #tpu.memory_space<vmem>>) dst(%dma_wait3A_131 : memref<10008x128xf32, #tpu.memory_space<vmem_shared>>)
    %dma_wait3A_132 = arith.constant 0 : i32
    %dma_wait3A_133 = arith.constant 0 : i32
    %dma_wait3A_134 = tpu.memref_slice %arg7[%dma_wait3A_132, %dma_wait3A_133] : memref<40x128xi32, #tpu.memory_space<vmem>> -> memref<1x128xi32, #tpu.memory_space<vmem>>
    %dma_wait3A_135 = tpu.memref_squeeze %dma_wait3A_134 : memref<1x128xi32, #tpu.memory_space<vmem>> -> memref<128xi32, #tpu.memory_space<vmem>>
    %dma_wait3A_136 = arith.constant 0 : i32
    %dma_wait3A_137 = arith.constant 0 : i32
    %dma_wait3A_138 = tpu.memref_slice %arg10[%dma_wait3A_136, %dma_wait3A_137] : memref<10008x128xf32, #tpu.memory_space<vmem_shared>> -> memref<10008x128xf32, #tpu.memory_space<vmem_shared>>
    tpu.wait_indirect_dma semaphore(%arg13 : memref<!tpu.dma_semaphore, #tpu.memory_space<semaphore_mem>>) src(%arg8 : memref<128x128xf32, #tpu.memory_space<vmem>>) dst(%dma_wait3A_138 : memref<10008x128xf32, #tpu.memory_space<vmem_shared>>)
    %barrier3A_139 = arith.constant 0 : index
    tpu.barrier barrier_id(%barrier3A_139)
    %mul3A_140 = arith.constant 624 : i32
    %mul3A_141 = arith.muli %arg1, %mul3A_140 : i32
    %mul3A_142 = arith.constant 10000 : i32
    %mul3A_143 = arith.muli %arg0, %mul3A_142 : i32
    %mul3A_144 = arith.constant 624 : i32
    %mul3A_145 = arith.muli %arg1, %mul3A_144 : i32
    %add3A_146 = arith.addi %mul3A_143, %mul3A_145 : i32
    "tpu.region"() ({
      %run_scoped3A = tpu.sem_alloc : memref<!tpu.dma_semaphore, #tpu.memory_space<semaphore_mem>>
      %dma_start3A_152 = arith.constant 0 : i32
      %dma_start3A_153 = tpu.memref_slice %arg5[%add3A_146, %dma_start3A_152] : memref<20000x128xf32, #tpu.memory_space<hbm>> -> memref<624x128xf32, #tpu.memory_space<hbm>>
      %dma_start3A_154 = arith.constant 0 : i32
      %dma_start3A_155 = tpu.memref_slice %arg10[%mul3A_141, %dma_start3A_154] : memref<10008x128xf32, #tpu.memory_space<vmem_shared>> -> memref<624x128xf32, #tpu.memory_space<vmem_shared>>
      tpu.enqueue_dma source(%dma_start3A_155 : memref<624x128xf32, #tpu.memory_space<vmem_shared>>) target(%dma_start3A_153 : memref<624x128xf32, #tpu.memory_space<hbm>>) target_semaphore(%run_scoped3A : memref<!tpu.dma_semaphore, #tpu.memory_space<semaphore_mem>>)
      %dma_wait3A_156 = arith.constant 0 : i32
      %dma_wait3A_157 = tpu.memref_slice %arg5[%add3A_146, %dma_wait3A_156] : memref<20000x128xf32, #tpu.memory_space<hbm>> -> memref<624x128xf32, #tpu.memory_space<hbm>>
      %dma_wait3A_158 = arith.constant 0 : i32
      %dma_wait3A_159 = tpu.memref_slice %arg10[%mul3A_141, %dma_wait3A_158] : memref<10008x128xf32, #tpu.memory_space<vmem_shared>> -> memref<624x128xf32, #tpu.memory_space<vmem_shared>>
      tpu.wait_dma2 semaphore(%run_scoped3A : memref<!tpu.dma_semaphore, #tpu.memory_space<semaphore_mem>>) src(%dma_wait3A_159 : memref<624x128xf32, #tpu.memory_space<vmem_shared>>) dst(%dma_wait3A_157 : memref<624x128xf32, #tpu.memory_space<hbm>>)
      tpu.yield
    }) : () -> ()
    %eq3A_147 = arith.constant 15 : i32
    %eq3A_148 = arith.cmpi eq, %arg1, %eq3A_147 : i32
    %convert_element_type3A_149 = arith.extui %eq3A_148 : i1 to i32
    %cond3A_150 = arith.constant 0 : i32
    %cond3A_151 = arith.cmpi ne, %convert_element_type3A_149, %cond3A_150 : i32
    scf.if %cond3A_151 {
      %mul3A_152 = arith.constant 10000 : i32
      %mul3A_153 = arith.muli %arg0, %mul3A_152 : i32
      %add3A_154 = arith.constant 9984 : i32
      %add3A_155 = arith.addi %mul3A_153, %add3A_154 : i32
      "tpu.region"() ({
        %run_scoped3A = tpu.sem_alloc : memref<!tpu.dma_semaphore, #tpu.memory_space<semaphore_mem>>
        %dma_start3A_156 = arith.constant 0 : i32
        %dma_start3A_157 = tpu.memref_slice %arg5[%add3A_155, %dma_start3A_156] : memref<20000x128xf32, #tpu.memory_space<hbm>> -> memref<16x128xf32, #tpu.memory_space<hbm>>
        %dma_start3A_158 = arith.constant 9984 : i32
        %dma_start3A_159 = arith.constant 0 : i32
        %dma_start3A_160 = tpu.memref_slice %arg10[%dma_start3A_158, %dma_start3A_159] : memref<10008x128xf32, #tpu.memory_space<vmem_shared>> -> memref<16x128xf32, #tpu.memory_space<vmem_shared>>
        tpu.enqueue_dma source(%dma_start3A_160 : memref<16x128xf32, #tpu.memory_space<vmem_shared>>) target(%dma_start3A_157 : memref<16x128xf32, #tpu.memory_space<hbm>>) target_semaphore(%run_scoped3A : memref<!tpu.dma_semaphore, #tpu.memory_space<semaphore_mem>>)
        %dma_wait3A_161 = arith.constant 0 : i32
        %dma_wait3A_162 = tpu.memref_slice %arg5[%add3A_155, %dma_wait3A_161] : memref<20000x128xf32, #tpu.memory_space<hbm>> -> memref<16x128xf32, #tpu.memory_space<hbm>>
        %dma_wait3A_163 = arith.constant 9984 : i32
        %dma_wait3A_164 = arith.constant 0 : i32
        %dma_wait3A_165 = tpu.memref_slice %arg10[%dma_wait3A_163, %dma_wait3A_164] : memref<10008x128xf32, #tpu.memory_space<vmem_shared>> -> memref<16x128xf32, #tpu.memory_space<vmem_shared>>
        tpu.wait_dma2 semaphore(%run_scoped3A : memref<!tpu.dma_semaphore, #tpu.memory_space<semaphore_mem>>) src(%dma_wait3A_165 : memref<16x128xf32, #tpu.memory_space<vmem_shared>>) dst(%dma_wait3A_162 : memref<16x128xf32, #tpu.memory_space<hbm>>)
        tpu.yield
      }) : () -> ()
    } else {
    }
    return
  }
}

module attributes {stable_mosaic.version = 14 : i64} {
  func.func @_mm_body(%arg0: i32, %arg1: memref<1000x128xf32, #tpu.memory_space<vmem>>, %arg2: memref<128x128xf32, #tpu.memory_space<vmem>>, %arg3: memref<1000x128xf32, #tpu.memory_space<vmem>>) attributes {dimension_semantics = [#tpu.dimension_semantics<arbitrary>], iteration_bounds = array<i64: 10>, scalar_prefetch = 0 : i64, scratch_operands = 0 : i64, tpu.core_type = #tpu.core_type<tc>, window_params = [{transform_indices = @transform_0, window_bounds = array<i64: 1000, 128>}, {pipeline_mode = #tpu.pipeline_mode<synchronous>, transform_indices = @transform_1, window_bounds = array<i64: 128, 128>}, {transform_indices = @transform_2, window_bounds = array<i64: 1000, 128>}]} {
    %get3A = arith.constant 0 : index
    %get3A_0 = arith.constant 0 : index
    %get3A_1 = vector.load %arg1[%get3A, %get3A_0] : memref<1000x128xf32, #tpu.memory_space<vmem>>, vector<1000x128xf32>
    %get3A_2 = arith.constant 0 : index
    %get3A_3 = arith.constant 0 : index
    %get3A_4 = vector.load %arg2[%get3A_2, %get3A_3] : memref<128x128xf32, #tpu.memory_space<vmem>>, vector<128x128xf32>
    %dot_general3A = arith.constant dense<0.000000e+00> : vector<1000x128xf32>
    %dot_general3A_5 = tpu.matmul %get3A_1, %get3A_4, %dot_general3A {dimension_numbers = #tpu.dot_dimension_numbers<[1], [0], [0], [1], [0, 0, 1, 1], [], []>, precision = #tpu.contract_precision<fp32>, transpose_lhs_hint = false} : vector<1000x128xf32>, vector<128x128xf32>, vector<1000x128xf32> -> vector<1000x128xf32>
    %swap3A = arith.constant 0 : index
    %swap3A_6 = arith.constant 0 : index
    %swap3A_7 = vector.load %arg3[%swap3A, %swap3A_6] : memref<1000x128xf32, #tpu.memory_space<vmem>>, vector<1000x128xf32>
    tpu.vector_store %arg3[%swap3A, %swap3A_6], %dot_general3A_5 {strides = array<i32>} : memref<1000x128xf32, #tpu.memory_space<vmem>>, vector<1000x128xf32>,
    return
  }
  func.func @transform_0(%arg0: i32) -> (i32, i32) {
    %c0_i32 = arith.constant 0 : i32
    %c0_i32_0 = arith.constant 0 : i32
    return %arg0, %c0_i32 : i32, i32
  }
  func.func @transform_1(%arg0: i32) -> (i32, i32) {
    %c0_i32 = arith.constant 0 : i32
    %c0_i32_0 = arith.constant 0 : i32
    %c0_i32_1 = arith.constant 0 : i32
    return %c0_i32, %c0_i32_0 : i32, i32
  }
  func.func @transform_2(%arg0: i32) -> (i32, i32) {
    %c0_i32 = arith.constant 0 : i32
    %c0_i32_0 = arith.constant 0 : i32
    return %arg0, %c0_i32 : i32, i32
  }
}

module attributes {stable_mosaic.version = 14 : i64} {
  func.func @_norm_body(%arg0: i32, %arg1: memref<2x1000x16xf32, #tpu.memory_space<vmem>>, %arg2: memref<1000x128xf32, #tpu.memory_space<vmem>>, %arg3: memref<1000x128xf32, #tpu.memory_space<vmem>>) attributes {dimension_semantics = [#tpu.dimension_semantics<arbitrary>], iteration_bounds = array<i64: 10>, scalar_prefetch = 0 : i64, scratch_operands = 0 : i64, tpu.core_type = #tpu.core_type<tc>, window_params = [{transform_indices = @transform_0, window_bounds = array<i64: 2, 1000, 16>}, {transform_indices = @transform_1, window_bounds = array<i64: 1000, 128>}, {transform_indices = @transform_2, window_bounds = array<i64: 1000, 128>}]} {
    %get3A = arith.constant 0 : index
    %get3A_0 = arith.constant 0 : index
    %get3A_1 = vector.load %arg2[%get3A, %get3A_0] : memref<1000x128xf32, #tpu.memory_space<vmem>>, vector<1000x128xf32>
    %get3A_2 = arith.constant 0 : index
    %get3A_3 = arith.constant 0 : index
    %get3A_4 = arith.constant 0 : index
    %get3A_5 = vector.load %arg1[%get3A_2, %get3A_3, %get3A_4] : memref<2x1000x16xf32, #tpu.memory_space<vmem>>, vector<1x1000x1xf32>
    %get3A_6 = vector.shape_cast %get3A_5 : vector<1x1000x1xf32> to vector<1000x1xf32>
    %get3A_7 = arith.constant 1 : index
    %get3A_8 = arith.constant 0 : index
    %get3A_9 = arith.constant 0 : index
    %get3A_10 = vector.load %arg1[%get3A_7, %get3A_8, %get3A_9] : memref<2x1000x16xf32, #tpu.memory_space<vmem>>, vector<1x1000x1xf32>
    %get3A_11 = vector.shape_cast %get3A_10 : vector<1x1000x1xf32> to vector<1000x1xf32>
    %add3A = arith.addf %get3A_6, %get3A_11 : vector<1000x1xf32>
    %add3A_12 = arith.constant 1.000000e+00 : f32
    %add3A_13 = vector.broadcast %add3A_12 : f32 to vector<1000x1xf32>
    %add3A_14 = arith.addf %add3A, %add3A_13 : vector<1000x1xf32>
    %rsqrt3A = math.rsqrt %add3A_14 : vector<1000x1xf32>
    %mul3A = vector.broadcast %rsqrt3A : vector<1000x1xf32> to vector<1000x128xf32>
    %mul3A_15 = arith.mulf %get3A_1, %mul3A : vector<1000x128xf32>
    %swap3A = arith.constant 0 : index
    %swap3A_16 = arith.constant 0 : index
    %swap3A_17 = vector.load %arg3[%swap3A, %swap3A_16] : memref<1000x128xf32, #tpu.memory_space<vmem>>, vector<1000x128xf32>
    tpu.vector_store %arg3[%swap3A, %swap3A_16], %mul3A_15 {strides = array<i32>} : memref<1000x128xf32, #tpu.memory_space<vmem>>, vector<1000x128xf32>,
    return
  }
  func.func @transform_0(%arg0: i32) -> (i32, i32, i32) {
    %c0_i32 = arith.constant 0 : i32
    %c0_i32_0 = arith.constant 0 : i32
    %c0_i32_1 = arith.constant 0 : i32
    return %c0_i32, %arg0, %c0_i32_0 : i32, i32, i32
  }
  func.func @transform_1(%arg0: i32) -> (i32, i32) {
    %c0_i32 = arith.constant 0 : i32
    %c0_i32_0 = arith.constant 0 : i32
    return %arg0, %c0_i32 : i32, i32
  }
  func.func @transform_2(%arg0: i32) -> (i32, i32) {
    %c0_i32 = arith.constant 0 : i32
    %c0_i32_0 = arith.constant 0 : i32
    return %arg0, %c0_i32 : i32, i32
  }
}

module attributes {stable_mosaic.version = 14 : i64} {
  func.func @_l1_body(%arg0: i32, %arg1: memref<1000x128xf32, #tpu.memory_space<vmem>>, %arg2: memref<2x1000x16xf32, #tpu.memory_space<vmem>>, %arg3: memref<2x1000x128xf32, #tpu.memory_space<vmem>>, %arg4: memref<1000x128xf32, #tpu.memory_space<vmem>>, %arg5: memref<1x128xf32, #tpu.memory_space<vmem>>, %arg6: memref<128x128xf32, #tpu.memory_space<vmem>>, %arg7: memref<1000x128xf32, #tpu.memory_space<vmem>>, %arg8: memref<1000x128xf32, #tpu.memory_space<vmem>>) attributes {dimension_semantics = [#tpu.dimension_semantics<arbitrary>], iteration_bounds = array<i64: 10>, scalar_prefetch = 0 : i64, scratch_operands = 0 : i64, tpu.core_type = #tpu.core_type<tc>, window_params = [{transform_indices = @transform_0, window_bounds = array<i64: 1000, 128>}, {transform_indices = @transform_1, window_bounds = array<i64: 2, 1000, 16>}, {transform_indices = @transform_2, window_bounds = array<i64: 2, 1000, 128>}, {transform_indices = @transform_3, window_bounds = array<i64: 1000, 128>}, {pipeline_mode = #tpu.pipeline_mode<synchronous>, transform_indices = @transform_4, window_bounds = array<i64: 1, 128>}, {pipeline_mode = #tpu.pipeline_mode<synchronous>, transform_indices = @transform_5, window_bounds = array<i64: 128, 128>}, {transform_indices = @transform_6, window_bounds = array<i64: 1000, 128>}, {transform_indices = @transform_7, window_bounds = array<i64: 1000, 128>}]} {
    %get3A = arith.constant 0 : index
    %get3A_0 = arith.constant 0 : index
    %get3A_1 = arith.constant 0 : index
    %get3A_2 = vector.load %arg2[%get3A, %get3A_0, %get3A_1] : memref<2x1000x16xf32, #tpu.memory_space<vmem>>, vector<1x1000x1xf32>
    %get3A_3 = vector.shape_cast %get3A_2 : vector<1x1000x1xf32> to vector<1000x1xf32>
    %get3A_4 = arith.constant 1 : index
    %get3A_5 = arith.constant 0 : index
    %get3A_6 = arith.constant 0 : index
    %get3A_7 = vector.load %arg2[%get3A_4, %get3A_5, %get3A_6] : memref<2x1000x16xf32, #tpu.memory_space<vmem>>, vector<1x1000x1xf32>
    %get3A_8 = vector.shape_cast %get3A_7 : vector<1x1000x1xf32> to vector<1000x1xf32>
    %add3A = arith.addf %get3A_3, %get3A_8 : vector<1000x1xf32>
    %add3A_9 = arith.constant 1.000000e+00 : f32
    %add3A_10 = vector.broadcast %add3A_9 : f32 to vector<1000x1xf32>
    %add3A_11 = arith.addf %add3A, %add3A_10 : vector<1000x1xf32>
    %rsqrt3A = math.rsqrt %add3A_11 : vector<1000x1xf32>
    %get3A_12 = arith.constant 0 : index
    %get3A_13 = arith.constant 0 : index
    %get3A_14 = arith.constant 0 : index
    %get3A_15 = vector.load %arg3[%get3A_12, %get3A_13, %get3A_14] : memref<2x1000x128xf32, #tpu.memory_space<vmem>>, vector<1x1000x128xf32>
    %get3A_16 = vector.shape_cast %get3A_15 : vector<1x1000x128xf32> to vector<1000x128xf32>
    %get3A_17 = arith.constant 1 : index
    %get3A_18 = arith.constant 0 : index
    %get3A_19 = arith.constant 0 : index
    %get3A_20 = vector.load %arg3[%get3A_17, %get3A_18, %get3A_19] : memref<2x1000x128xf32, #tpu.memory_space<vmem>>, vector<1x1000x128xf32>
    %get3A_21 = vector.shape_cast %get3A_20 : vector<1x1000x128xf32> to vector<1000x128xf32>
    %add3A_22 = arith.addf %get3A_16, %get3A_21 : vector<1000x128xf32>
    %get3A_23 = arith.constant 0 : index
    %get3A_24 = arith.constant 0 : index
    %get3A_25 = vector.load %arg4[%get3A_23, %get3A_24] : memref<1000x128xf32, #tpu.memory_space<vmem>>, vector<1000x128xf32>
    %add3A_26 = arith.addf %add3A_22, %get3A_25 : vector<1000x128xf32>
    %get3A_27 = arith.constant 0 : index
    %get3A_28 = arith.constant 0 : index
    %get3A_29 = vector.load %arg1[%get3A_27, %get3A_28] : memref<1000x128xf32, #tpu.memory_space<vmem>>, vector<1000x128xf32>
    %mul3A = vector.broadcast %rsqrt3A : vector<1000x1xf32> to vector<1000x128xf32>
    %mul3A_30 = arith.mulf %mul3A, %add3A_26 : vector<1000x128xf32>
    %add3A_31 = arith.addf %get3A_29, %mul3A_30 : vector<1000x128xf32>
    %get3A_32 = arith.constant 0 : index
    %get3A_33 = arith.constant 0 : index
    %get3A_34 = vector.load %arg5[%get3A_32, %get3A_33] : memref<1x128xf32, #tpu.memory_space<vmem>>, vector<1x128xf32>
    %add3A_35 = vector.broadcast %get3A_34 : vector<1x128xf32> to vector<1000x128xf32>
    %add3A_36 = arith.addf %add3A_31, %add3A_35 : vector<1000x128xf32>
    %max3A = arith.constant 0.000000e+00 : f32
    %max3A_37 = vector.broadcast %max3A : f32 to vector<1000x128xf32>
    %max3A_38 = arith.maximumf %add3A_36, %max3A_37 : vector<1000x128xf32>
    %swap3A = arith.constant 0 : index
    %swap3A_39 = arith.constant 0 : index
    %swap3A_40 = vector.load %arg7[%swap3A, %swap3A_39] : memref<1000x128xf32, #tpu.memory_space<vmem>>, vector<1000x128xf32>
    tpu.vector_store %arg7[%swap3A, %swap3A_39], %max3A_38 {strides = array<i32>} : memref<1000x128xf32, #tpu.memory_space<vmem>>, vector<1000x128xf32>,
    %get3A_41 = arith.constant 0 : index
    %get3A_42 = arith.constant 0 : index
    %get3A_43 = vector.load %arg6[%get3A_41, %get3A_42] : memref<128x128xf32, #tpu.memory_space<vmem>>, vector<128x128xf32>
    %dot_general3A = arith.constant dense<0.000000e+00> : vector<1000x128xf32>
    %dot_general3A_44 = tpu.matmul %max3A_38, %get3A_43, %dot_general3A {dimension_numbers = #tpu.dot_dimension_numbers<[1], [0], [0], [1], [0, 0, 1, 1], [], []>, precision = #tpu.contract_precision<fp32>, transpose_lhs_hint = false} : vector<1000x128xf32>, vector<128x128xf32>, vector<1000x128xf32> -> vector<1000x128xf32>
    %mul3A_45 = vector.broadcast %rsqrt3A : vector<1000x1xf32> to vector<1000x128xf32>
    %mul3A_46 = arith.mulf %dot_general3A_44, %mul3A_45 : vector<1000x128xf32>
    %swap3A_47 = arith.constant 0 : index
    %swap3A_48 = arith.constant 0 : index
    %swap3A_49 = vector.load %arg8[%swap3A_47, %swap3A_48] : memref<1000x128xf32, #tpu.memory_space<vmem>>, vector<1000x128xf32>
    tpu.vector_store %arg8[%swap3A_47, %swap3A_48], %mul3A_46 {strides = array<i32>} : memref<1000x128xf32, #tpu.memory_space<vmem>>, vector<1000x128xf32>,
    return
  }
  func.func @transform_0(%arg0: i32) -> (i32, i32) {
    %c0_i32 = arith.constant 0 : i32
    %c0_i32_0 = arith.constant 0 : i32
    return %arg0, %c0_i32 : i32, i32
  }
  func.func @transform_1(%arg0: i32) -> (i32, i32, i32) {
    %c0_i32 = arith.constant 0 : i32
    %c0_i32_0 = arith.constant 0 : i32
    %c0_i32_1 = arith.constant 0 : i32
    return %c0_i32, %arg0, %c0_i32_0 : i32, i32, i32
  }
  func.func @transform_2(%arg0: i32) -> (i32, i32, i32) {
    %c0_i32 = arith.constant 0 : i32
    %c0_i32_0 = arith.constant 0 : i32
    %c0_i32_1 = arith.constant 0 : i32
    return %c0_i32, %arg0, %c0_i32_0 : i32, i32, i32
  }
  func.func @transform_3(%arg0: i32) -> (i32, i32) {
    %c0_i32 = arith.constant 0 : i32
    %c0_i32_0 = arith.constant 0 : i32
    return %arg0, %c0_i32 : i32, i32
  }
  func.func @transform_4(%arg0: i32) -> (i32, i32) {
    %c0_i32 = arith.constant 0 : i32
    %c0_i32_0 = arith.constant 0 : i32
    %c0_i32_1 = arith.constant 0 : i32
    return %c0_i32, %c0_i32_0 : i32, i32
  }
  func.func @transform_5(%arg0: i32) -> (i32, i32) {
    %c0_i32 = arith.constant 0 : i32
    %c0_i32_0 = arith.constant 0 : i32
    %c0_i32_1 = arith.constant 0 : i32
    return %c0_i32, %c0_i32_0 : i32, i32
  }
  func.func @transform_6(%arg0: i32) -> (i32, i32) {
    %c0_i32 = arith.constant 0 : i32
    %c0_i32_0 = arith.constant 0 : i32
    return %arg0, %c0_i32 : i32, i32
  }
  func.func @transform_7(%arg0: i32) -> (i32, i32) {
    %c0_i32 = arith.constant 0 : i32
    %c0_i32_0 = arith.constant 0 : i32
    return %arg0, %c0_i32 : i32, i32
  }
}

module attributes {stable_mosaic.version = 14 : i64} {
  func.func @_l2_body(%arg0: i32, %arg1: memref<1000x128xf32, #tpu.memory_space<vmem>>, %arg2: memref<2x1000x16xf32, #tpu.memory_space<vmem>>, %arg3: memref<2x1000x128xf32, #tpu.memory_space<vmem>>, %arg4: memref<1000x128xf32, #tpu.memory_space<vmem>>, %arg5: memref<1x128xf32, #tpu.memory_space<vmem>>, %arg6: memref<1000x128xf32, #tpu.memory_space<vmem>>) attributes {dimension_semantics = [#tpu.dimension_semantics<arbitrary>], iteration_bounds = array<i64: 10>, scalar_prefetch = 0 : i64, scratch_operands = 0 : i64, tpu.core_type = #tpu.core_type<tc>, window_params = [{transform_indices = @transform_0, window_bounds = array<i64: 1000, 128>}, {transform_indices = @transform_1, window_bounds = array<i64: 2, 1000, 16>}, {transform_indices = @transform_2, window_bounds = array<i64: 2, 1000, 128>}, {transform_indices = @transform_3, window_bounds = array<i64: 1000, 128>}, {pipeline_mode = #tpu.pipeline_mode<synchronous>, transform_indices = @transform_4, window_bounds = array<i64: 1, 128>}, {transform_indices = @transform_5, window_bounds = array<i64: 1000, 128>}]} {
    %get3A = arith.constant 0 : index
    %get3A_0 = arith.constant 0 : index
    %get3A_1 = arith.constant 0 : index
    %get3A_2 = vector.load %arg2[%get3A, %get3A_0, %get3A_1] : memref<2x1000x16xf32, #tpu.memory_space<vmem>>, vector<1x1000x1xf32>
    %get3A_3 = vector.shape_cast %get3A_2 : vector<1x1000x1xf32> to vector<1000x1xf32>
    %get3A_4 = arith.constant 1 : index
    %get3A_5 = arith.constant 0 : index
    %get3A_6 = arith.constant 0 : index
    %get3A_7 = vector.load %arg2[%get3A_4, %get3A_5, %get3A_6] : memref<2x1000x16xf32, #tpu.memory_space<vmem>>, vector<1x1000x1xf32>
    %get3A_8 = vector.shape_cast %get3A_7 : vector<1x1000x1xf32> to vector<1000x1xf32>
    %add3A = arith.addf %get3A_3, %get3A_8 : vector<1000x1xf32>
    %add3A_9 = arith.constant 1.000000e+00 : f32
    %add3A_10 = vector.broadcast %add3A_9 : f32 to vector<1000x1xf32>
    %add3A_11 = arith.addf %add3A, %add3A_10 : vector<1000x1xf32>
    %rsqrt3A = math.rsqrt %add3A_11 : vector<1000x1xf32>
    %get3A_12 = arith.constant 0 : index
    %get3A_13 = arith.constant 0 : index
    %get3A_14 = arith.constant 0 : index
    %get3A_15 = vector.load %arg3[%get3A_12, %get3A_13, %get3A_14] : memref<2x1000x128xf32, #tpu.memory_space<vmem>>, vector<1x1000x128xf32>
    %get3A_16 = vector.shape_cast %get3A_15 : vector<1x1000x128xf32> to vector<1000x128xf32>
    %get3A_17 = arith.constant 1 : index
    %get3A_18 = arith.constant 0 : index
    %get3A_19 = arith.constant 0 : index
    %get3A_20 = vector.load %arg3[%get3A_17, %get3A_18, %get3A_19] : memref<2x1000x128xf32, #tpu.memory_space<vmem>>, vector<1x1000x128xf32>
    %get3A_21 = vector.shape_cast %get3A_20 : vector<1x1000x128xf32> to vector<1000x128xf32>
    %add3A_22 = arith.addf %get3A_16, %get3A_21 : vector<1000x128xf32>
    %get3A_23 = arith.constant 0 : index
    %get3A_24 = arith.constant 0 : index
    %get3A_25 = vector.load %arg4[%get3A_23, %get3A_24] : memref<1000x128xf32, #tpu.memory_space<vmem>>, vector<1000x128xf32>
    %add3A_26 = arith.addf %add3A_22, %get3A_25 : vector<1000x128xf32>
    %get3A_27 = arith.constant 0 : index
    %get3A_28 = arith.constant 0 : index
    %get3A_29 = vector.load %arg1[%get3A_27, %get3A_28] : memref<1000x128xf32, #tpu.memory_space<vmem>>, vector<1000x128xf32>
    %mul3A = vector.broadcast %rsqrt3A : vector<1000x1xf32> to vector<1000x128xf32>
    %mul3A_30 = arith.mulf %mul3A, %add3A_26 : vector<1000x128xf32>
    %add3A_31 = arith.addf %get3A_29, %mul3A_30 : vector<1000x128xf32>
    %get3A_32 = arith.constant 0 : index
    %get3A_33 = arith.constant 0 : index
    %get3A_34 = vector.load %arg5[%get3A_32, %get3A_33] : memref<1x128xf32, #tpu.memory_space<vmem>>, vector<1x128xf32>
    %add3A_35 = vector.broadcast %get3A_34 : vector<1x128xf32> to vector<1000x128xf32>
    %add3A_36 = arith.addf %add3A_31, %add3A_35 : vector<1000x128xf32>
    %swap3A = arith.constant 0 : index
    %swap3A_37 = arith.constant 0 : index
    %swap3A_38 = vector.load %arg6[%swap3A, %swap3A_37] : memref<1000x128xf32, #tpu.memory_space<vmem>>, vector<1000x128xf32>
    tpu.vector_store %arg6[%swap3A, %swap3A_37], %add3A_36 {strides = array<i32>} : memref<1000x128xf32, #tpu.memory_space<vmem>>, vector<1000x128xf32>,
    return
  }
  func.func @transform_0(%arg0: i32) -> (i32, i32) {
    %c0_i32 = arith.constant 0 : i32
    %c0_i32_0 = arith.constant 0 : i32
    return %arg0, %c0_i32 : i32, i32
  }
  func.func @transform_1(%arg0: i32) -> (i32, i32, i32) {
    %c0_i32 = arith.constant 0 : i32
    %c0_i32_0 = arith.constant 0 : i32
    %c0_i32_1 = arith.constant 0 : i32
    return %c0_i32, %arg0, %c0_i32_0 : i32, i32, i32
  }
  func.func @transform_2(%arg0: i32) -> (i32, i32, i32) {
    %c0_i32 = arith.constant 0 : i32
    %c0_i32_0 = arith.constant 0 : i32
    %c0_i32_1 = arith.constant 0 : i32
    return %c0_i32, %arg0, %c0_i32_0 : i32, i32, i32
  }
  func.func @transform_3(%arg0: i32) -> (i32, i32) {
    %c0_i32 = arith.constant 0 : i32
    %c0_i32_0 = arith.constant 0 : i32
    return %arg0, %c0_i32 : i32, i32
  }
  func.func @transform_4(%arg0: i32) -> (i32, i32) {
    %c0_i32 = arith.constant 0 : i32
    %c0_i32_0 = arith.constant 0 : i32
    %c0_i32_1 = arith.constant 0 : i32
    return %c0_i32, %c0_i32_0 : i32, i32
  }
  func.func @transform_5(%arg0: i32) -> (i32, i32) {
    %c0_i32 = arith.constant 0 : i32
    %c0_i32_0 = arith.constant 0 : i32
    return %arg0, %c0_i32 : i32, i32
  }
}

</mosaic_0001>

<sc_bundles>
// kernel: kernel.12.cloned.1.call-start
scs
__scs_entry_jumppad:
0x0: {  	(pc) =	sbr.rel $0x88, $3  }
0x1: {  	(tag) =	ssettag $0x0;
	lr =	simm.s32 $0x1  }
0x2: {  	[smem:$0x3F9B] =	sst lr;
	_ =	strace $0xD0000000  }
0x3: {  	_ = 	snop  }
0x4: {  	_ = 	snop  }
0x5: {  	_ = 	snop  }
0x6: {  	_ = 	snop  }
0x7: {  	_ = 	snop  }
__scs_overlays_trampoline_lowered:
0x8: {  	[smem:$0x3FAA] =	sst s0  }
0x9: {  	[smem:$0x3FAB] =	sst s1  }
0xa: {  	[smem:$0x3FAC] =	sst s2  }
0xb: {  	[smem:$0x3FAD] =	sst s3  }
0xc: {  	[smem:$0x3FAE] =	sst s4  }
0xd: {  	[smem:$0x3FAF] =	sst s5  }
0xe: {  	[smem:$0x3FB0] =	sst s6  }
0xf: {  	[smem:$0x3FB1] =	sst s7  }
0x10: {  	[smem:$0x3FB2] =	sst s8  }
0x11: {  	[smem:$0x3FB3] =	sst s9;
	s0 =	simm.s32 @!p0 $0x0  }
0x12: {  	s1 =	sld [smem:$0x3F99];
	s0 =	simm.s32 @p0 $0x1  }
0x13: {  	[smem:$0x3FB4] =	sst s0;
	s0 =	simm.s32 @!p1 $0x0  }
0x14: {  	s2 =	sld [smem:$0x3F98];
	s0 =	simm.s32 @p1 $0x1  }
0x15: {  	[smem:$0x3FB5] =	sst s0;
	s0 =	simm.s32 @!p2 $0x0  }
0x16: {  	s3 =	sld [smem:$0x3FDB];
	s0 =	simm.s32 @p2 $0x1  }
0x17: {  	s4 =	simm.s32 $0x1BF5;
	[smem:$0x3FB7] =	sst s0  }
0x18: {  	s0 =	sld [smem:$0x3F9A];
	_ =	swait.ge [sflag:s4], $0x0  }
0x19: {  	s7 =	sld [smem:$0x3F9B]  }
0x1a: {  	s8 =	sadd.s32 $0xFFFFE003, lr  }
0x1b: {  	s9 =	sadd.s32 $0xFFFFFEF7, lr;
	s5 =	simm.s32 $0xFFFFFFFF;
	p2 =	slt.u32 s8, $0xFFFFF086  }
0x1c: {  	p1 =	slt.u32 s9, $0xF7A;
	s5 =	simm.s32 @!p2 $0x0  }
0x1d: {  	s5 =	simm.s32 @p1 $0x1;
	p0 =	seq.s32 s7, s2  }
0x1e: {  	s7 =	smul.u32 @!p0 $0xF7A, s2;
	p2 =	seq.s32 @!p0 s5, $0x0  }
0x1f: {  	s9 =	smul.u32 $0xF7A, s1;
	s8 =	simm.s32 @!p0 $0x1BF5;
	p2 =	por !p2, p0  }
0x20: {  	[sflag:s8] =	ssyncset.s32 @!p0 $0xFFFFF086;
	s6 =	sadd.s32 @!p0 s3, s7;
	s7 =	simm.s32 @!p0 $0x108  }
0x21: {  	s3 =	sadd.s32 s3, s9;
	s6 =	sadd.s32 @!p0 $0x88, s6;
	s7 =	simm.s32 @p2 $0x1082  }
0x22: {  	[simem:s7], [sflag:s8] =	dma.local @!p0 [hbm:s6], $0xF7A  }
0x23: {  	s9 =	sor.u32 $0xD0000000, s2;
	s6 =	simm.s32 $0x108;
	_ =	swait.ge @!p0 [sflag:s8], $0x0  }
0x24: {  	s3 =	sadd.s32 $0x88, s3;
	s6 =	simm.s32 @!p1 $0x1082;
	[sflag:s4] =	ssyncset.s32 $0xFFFFF086  }
0x25: {  	[simem:s6], [sflag:s4] =	dma.local [hbm:s3], $0xF7A  }
0x26: {  	[smem:$0x3F9B] =	sst s1;
	(tag) =	ssettag s2;
	_ =	strace s9  }
0x27: {  	s1 =	sld [smem:$0x3FAB]  }
0x28: {  	s2 =	sld [smem:$0x3FAC]  }
0x29: {  	s4 =	sld [smem:$0x3FAE]  }
0x2a: {  	p0 =	seq.s32 s5, $0x0;
	s5 =	sld [smem:$0x3FAF]  }
0x2b: {  	s6 =	sld [smem:$0x3FB0]  }
0x2c: {  	s7 =	sld [smem:$0x3FB1]  }
0x2d: {  	s3 =	simm.s32 $0x108;
	s8 =	sld [smem:$0x3FB2]  }
0x2e: {  	s3 =	simm.s32 @!p0 $0x1082;
	s9 =	sld [smem:$0x3FB3]  }
0x2f: {  	lr =	sadd.s32 s0, s3;
	s0 =	sld [smem:$0x3FAA]  }
0x30: {  	s3 =	sld [smem:$0x3FAD]  }
0x31: {  	[smem:$0x3FB6] =	sst s10  }
0x32: {  	s10 =	sld [smem:$0x3FB4];
	_ =	sdelay $0x3  }
0x33: {  	p0 =	seq.s32 s10, $0x1;
	s10 =	sld [smem:$0x3FB6];
	_ =	sdelay $0x3  }
0x34: {  	[smem:$0x3FB6] =	sst s10  }
0x35: {  	s10 =	sld [smem:$0x3FB5];
	_ =	sdelay $0x3  }
0x36: {  	p1 =	seq.s32 s10, $0x1;
	s10 =	sld [smem:$0x3FB6];
	_ =	sdelay $0x3  }
0x37: {  	[smem:$0x3FB6] =	sst s10  }
0x38: {  	s10 =	sld [smem:$0x3FB7]  }
0x39: {  	_ = 	snop;
	(pc) =	sbr.ind lr, $3  }
0x3a: {  	_ = 	snop  }
0x3b: {  	_ = 	snop  }
0x3c: {  	p2 =	seq.s32 s10, $0x1;
	s10 =	sld [smem:$0x3FB6]  }
0x3d: {  	_ =	shalt  }
0x3e: {  	_ =	shalt  }
0x3f: {  	_ =	shalt  }
0x40: {  	_ =	shalt  }
0x41: {  	_ =	shalt  }
0x42: {  	_ =	shalt  }
0x43: {  	_ =	shalt  }
0x44: {  	_ =	shalt  }
0x45: {  	_ =	shalt  }
0x46: {  	_ =	shalt  }
0x47: {  	_ =	shalt  }
0x48: {  	_ =	shalt  }
0x49: {  	_ =	shalt  }
0x4a: {  	_ =	shalt  }
0x4b: {  	_ =	shalt  }
0x4c: {  	_ =	shalt  }
0x4d: {  	_ =	shalt  }
0x4e: {  	_ =	shalt  }
0x4f: {  	_ =	shalt  }
0x50: {  	_ =	shalt  }
0x51: {  	_ =	shalt  }
0x52: {  	_ =	shalt  }
0x53: {  	_ =	shalt  }
0x54: {  	_ =	shalt  }
0x55: {  	_ =	shalt  }
0x56: {  	_ =	shalt  }
0x57: {  	_ =	shalt  }
0x58: {  	_ =	shalt  }
0x59: {  	_ =	shalt  }
0x5a: {  	_ =	shalt  }
0x5b: {  	_ =	shalt  }
0x5c: {  	_ =	shalt  }
0x5d: {  	_ =	shalt  }
0x5e: {  	_ =	shalt  }
0x5f: {  	_ =	shalt  }
0x60: {  	_ =	shalt  }
0x61: {  	_ =	shalt  }
0x62: {  	_ =	shalt  }
0x63: {  	_ =	shalt  }
0x64: {  	_ =	shalt  }
0x65: {  	_ =	shalt  }
0x66: {  	_ =	shalt  }
0x67: {  	_ =	shalt  }
0x68: {  	_ =	shalt  }
0x69: {  	_ =	shalt  }
0x6a: {  	_ =	shalt  }
0x6b: {  	_ =	shalt  }
0x6c: {  	_ =	shalt  }
0x6d: {  	_ =	shalt  }
0x6e: {  	_ =	shalt  }
0x6f: {  	_ =	shalt  }
0x70: {  	_ =	shalt  }
0x71: {  	_ =	shalt  }
0x72: {  	_ =	shalt  }
0x73: {  	_ =	shalt  }
0x74: {  	_ =	shalt  }
0x75: {  	_ =	shalt  }
0x76: {  	_ =	shalt  }
0x77: {  	_ =	shalt  }
0x78: {  	_ =	shalt  }
0x79: {  	_ =	shalt  }
0x7a: {  	_ =	shalt  }
0x7b: {  	_ =	shalt  }
0x7c: {  	_ =	shalt  }
0x7d: {  	_ =	shalt  }
0x7e: {  	_ =	shalt  }
0x7f: {  	_ =	shalt  }
0x80: {  	_ =	shalt  }
0x81: {  	_ =	shalt  }
0x82: {  	_ =	shalt  }
0x83: {  	_ =	shalt  }
0x84: {  	_ =	shalt  }
0x85: {  	_ =	shalt  }
0x86: {  	_ =	shalt  }
0x87: {  	_ =	shalt  }
.Lfunc_end0:
.L_simem_size_0:
called_computation.1_lowered:
.L_overlay_start_0:
0x88: {  	s2 =	sld [smem:$0x3FD9]  }
0x89: {  	s3 =	sld [smem:$0x3FFE];
	_ =	sdelay $0x1  }
0x8a: {  	s1 =	srdreg.scid  }
0x8b: {  	s0 =	sand.u32 $0x1, s1  }
0x8c: {  	s17 =	sshll.u32 s0, $0xA;
	s2 =	sadd.s32 s3, s2  }
0x8d: {  	s2 =	sadd.s32 s2, s17  }
0x8e: {  	[smem:$0x3FC2] =	sst s2  }
0x8f: {  	_ = 	snop  }
0x90: {  	s2 =	sld [smem:$0x3FD0];
	(tm) =	ssettm $0x1  }
0x91: {  	s18 =	sld [smem:$0x3FFB];
	_ =	sdelay $0x3  }
0x92: {  	_ =	strace s18  }
0x93: {  	s3 =	sld [smem:$0x3FFC];
	_ =	sdelay $0x3  }
0x94: {  	_ =	strace s3  }
0x95: {  	s3 =	sld [smem:$0x3FFD];
	_ =	sdelay $0x3  }
0x96: {  	_ =	strace s3  }
0x97: {  	_ =	strace $0x8FFFFFFF  }
0x98: {  	s19 =	sld [smem:$0x3FDB];
	_ =	sdelay $0x1  }
0x99: {  	s4 =	simm.s32 $_scs_section_size  }
0x9a: {  	s5 =	simm.s32 $_size__tile_overlayer_lowered;
	s6 =	simm.s32 $_tile_overlayer_lowered  }
0x9b: {  	s22 =	simm.s32 $0x1BFF;
	s21 =	sshll.u32 s6, $0x1;
	s3 =	sadd.s32 s4, s19  }
0x9c: {  	s7 =	simm.s32 $0x0;
	s20 =	sshll.u32 s5, $0x1;
	s5 =	sadd.s32 s21, s3  }
0x9d: {  	[timem:s7], [sflag:s22] =	dma.local [hbm:s5], s20  }
0x9e: {  	_ =	swait.ge [sflag:s22], s20  }
0x9f: {  	s4 =	ssub.s32 $0x0, s20;
	[sflag:s22] =	ssyncset.done $0x0  }
0xa0: {  	[sflag:s22] =	ssyncadd.s32 s4;
	_ =	sdelay $0x1  }
0xa1: {  	s23 =	simm.s32 $0x1B8B  }
0xa2: {  	_ =	swait.ge [sflag:s23], $0x1  }
0xa3: {  	[sflag:s23] =	ssyncset.done $0x0  }
0xa4: {  	s25 =	simm.s32 $0x1B8E;
	s24 =	sld [smem:$0x3FFE];
	[sflag:s23] =	ssyncadd.s32 $0xFFFFFFFF  }
0xa5: {  	s26 =	simm.s32 $execute0_lowered;
	[smem:$0x3FD2] =	sst s25  }
0xa6: {  	s5 =	sshll.u32 s26, $0x1;
	_ =	strace $0x80000049;
	[dreg:$0x1] =	wrdreg $0xFFFFFFFF  }
0xa7: {  	s28 =	simm.s32 $_size_execute0_lowered;
	s3 =	sadd.s32 s3, s5;
	[dreg:$0x0] =	wrdreg $0x0  }
0xa8: {  	s5 =	sshll.u32 s28, $0x1;
	[dreg:$0x2] =	wrdreg s3  }
0xa9: {  	[dreg:$0x3] =	wrdreg s5  }
0xaa: {  	[dreg:$0x4] =	wrdreg $0xC0  }
0xab: {  	_ =	task [dreg:s7], $0x5FFFF  }
0xac: {  	[dreg:$0x1] =	wrdreg $0xFFFFFFFF  }
0xad: {  	[dreg:$0x0] =	wrdreg $0x60  }
0xae: {  	[dreg:$0x2] =	wrdreg s2  }
0xaf: {  	[dreg:$0x3] =	wrdreg s24  }
0xb0: {  	[dreg:$0x4] =	wrdreg $0xA8000  }
0xb1: {  	[dreg:$0x5] =	wrdreg $0x9  }
0xb2: {  	_ =	task.clear_ibuf [dreg:s7], $0x6FFFF;
	_ =	strace $0x90000049  }
0xb3: {  	s29 =	simm.s32 $0x9;
	_ =	strace $0x8000004B  }
0xb4: {  	_ =	swait.ge [sflag:s29], $0x1  }
0xb5: {  	[sflag:s29] =	ssyncadd.s32 $0xFFFFFFFF  }
0xb6: {  	_ =	strace $0x9000004B  }
0xb7: {  	_ =	sfence  }
0xb8: {  	s30 =	sld [smem:$0x0];
	_ =	sdelay $0x2  }
0xb9: {  	s31 =	sshll.u32 s1, $0xD;
	s1 =	sshrl.u32 s1, $0x2  }
0xba: {  	s3 =	sand.u32 $0x4000, s31;
	s1 =	sadd.s32 s1, s30  }
0xbb: {  	s0 =	sor.u32 s3, s0;
	s1 =	sshll.u32 s1, $0x11  }
0xbc: {  	s0 =	sor.u32 s1, s0  }
0xbd: {  	s0 =	sadd.s32 $0x8F2B, s0  }
0xbe: {  	[sflag:s0] =	ssyncadd.remote.s32 $0x1  }
0xbf: {  	_ =	sfence.sel $0xFFFF  }
0xc0: {  	[dreg:$0x0] =	wrdreg $0xFFFFFFFF;
	(pc) =	sbr.abs _section_cstart, $3  }
0xc1: {  	[dreg:$0x1] =	wrdreg $0xFFFFFFFF  }
0xc2: {  	_ =	task.clear_ibuf [dreg:s7], $0x2FFFF;
	_ =	strace $0x9FFFFFFF  }
0xc3: {  	(tm) =	ssettm $0x7FFFFFFF  }
tec
execute0_lowered:
.L_overlay_start_1:
0x0: {  	(tag) =	ssettag $0x1  }
0x1: {  	s1 =	rddreg [dreg:$0x0];
	s2 =	srdreg.scid  }
0x2: {  	s0 =	stileid.u32;
	s5 =	rddreg [dreg:$0x1]  }
0x3: {  	s3 =	rddreg [dreg:$0x2];
	s4 =	simm.s32 $0x0;
	s18 =	simm.s32 $0x1400  }
0x4: {  	s19 =	simm.s32 $0x80;
	s20 =	simm.s32 $0x6800;
	s21 =	simm.s32 $0x1  }
0x5: {  	s22 =	simm.s32 $0x3;
	s23 =	simm.s32 $0x2;
	s24 =	simm.s32 $0x4  }
0x6: {  	s25 =	simm.s32 $0x2780;
	s26 =	simm.s32 $0x0;
	s10 =	sand.u32 $0x1, s2  }
0x7: {  	s29 =	sshll.u32 s0, $0x1;
	s2 =	rddreg [dreg:$0x3];
	s7 =	smul.u32 $0x4E000, s0  }
0x8: {  	[smem:$0x7FF] =	sst s4;
	s13 =	sadd.s32 $0x65A00, s5;
	s14 =	smul.u32 $0x2700, s0  }
0x9: {  	p0 =	sne.s32 s0, $0xF;
	s6 =	sor.u32 s10, s29;
	s16 =	smul.u32 $0x138800, s10  }
0xa: {  	_ =	strace $0x8000004A;
	s30 =	ssub.s32 $0x2, s10;
	s17 =	smul.u32 $0x27100, s10  }
0xb: {  	s10 =	sadd.s32 $0x138000, s3;
	s6 =	smul.u32 $0x500, s6;
	s31 =	sshrl.u32 s30, $0x1  }
0xc: {  	s7 =	sshrl.u32 s7, $0x2;
	s15 =	ssub.s32 s30, s31;
	s16 =	sshrl.u32 s16, $0x3  }
0xd: {  	s14 =	sadd.s32 s14, s17;
	s17 =	simm.s32 $0x5;
	s12 =	sadd.s32 s6, s5  }
0xe: {  	s5 =	sadd.s32 s7, s3;
	s16 =	sadd.s32 s13, s16;
	s13 =	sadd.s32 s13, s14  }
0xf: {  	s15 =	smax.u32 s15, $0x1;
	s6 =	sadd.s32 $0x4000, s5;
	s7 =	sadd.s32 $0x8000, s5  }
0x10: {  	s8 =	sadd.s32 $0xC000, s5;
	s9 =	sadd.s32 $0x10000, s5;
	s11 =	sadd.s32 $0x5BA00, s12  }
0x11: {  	v0 =	vimm.f32 $0.0e+00;
	s12 =	sadd.s32 $0x3800, s12;
	s14 =	sadd.s32 $0x27000, s16;
	s16 =	simm.s32 $0x2800  }
.LBB2_1:
0x12: {  	s28 =	simm.s32 $0x0;
	s29 =	simm.s32 $0x200  }
.LBB2_2:
0x13: {  	p1 =	sne.s32 s29, $0xFE00;
	[tilespmem:s28+$0x2870] =	vst v0  }
0x14: {  	[tilespmem:s28+$0x2800] =	vst v0  }
0x15: {  	[tilespmem:s28+$0x2810] =	vst v0  }
.Ltmp0:
0x16: {  	[tilespmem:s28+$0x2820] =	vst v0;
	(pc) =	sbr.rel @p1 .LBB2_2-.Ltmp0, $4  }
0x17: {  	[tilespmem:s28+$0x2830] =	vst v0  }
0x18: {  	[tilespmem:s28+$0x2840] =	vst v0  }
0x19: {  	[tilespmem:s28+$0x2850] =	vst v0  }
0x1a: {  	[tilespmem:s28+$0x2860] =	vst v0;
	s28 =	sshra.s32 s29, $0x2;
	s29 =	sadd.s32 $0x200, s29  }
0x1b: {  	[tilespmem:s28+$0x2870] =	vst v0  }
0x1c: {  	[tilespmem:s28+$0x2800] =	vst v0  }
0x1d: {  	[tilespmem:s28+$0x2810] =	vst v0  }
0x1e: {  	[tilespmem:s28+$0x2820] =	vst v0  }
0x1f: {  	[tilespmem:s28+$0x2830] =	vst v0  }
0x20: {  	[tilespmem:s28+$0x2840] =	vst v0  }
0x21: {  	[tilespmem:s28+$0x2850] =	vst v0  }
0x22: {  	[tilespmem:s28+$0x2860] =	vst v0  }
0x23: {  	[spmem:s5] =	stream.linear.scatter [tilespmem:s16], [sflag:$0x5], $0x4000, $0x38;
	[tilespmem:$0x1E0C0] =	vst v63  }
0x24: {  	_ =	swait.ge [sflag:s17], $0x4000  }
0x25: {  	[sflag:s17] =	ssyncset.done $0x0  }
0x26: {  	[sflag:s17] =	ssyncadd.s32 $0xFFFFC000  }
0x27: {  	[spmem:s6] =	stream.linear.scatter [tilespmem:s16], [sflag:$0x5], $0x4000, $0x38;
	[tilespmem:$0x1E0C0] =	vst v63  }
0x28: {  	_ =	swait.ge [sflag:s17], $0x4000  }
0x29: {  	[sflag:s17] =	ssyncset.done $0x0  }
0x2a: {  	[sflag:s17] =	ssyncadd.s32 $0xFFFFC000  }
0x2b: {  	[spmem:s7] =	stream.linear.scatter [tilespmem:s16], [sflag:$0x5], $0x4000, $0x38;
	[tilespmem:$0x1E0C0] =	vst v63  }
0x2c: {  	_ =	swait.ge [sflag:s17], $0x4000  }
0x2d: {  	[sflag:s17] =	ssyncset.done $0x0  }
0x2e: {  	[sflag:s17] =	ssyncadd.s32 $0xFFFFC000  }
0x2f: {  	[spmem:s8] =	stream.linear.scatter [tilespmem:s16], [sflag:$0x5], $0x4000, $0x38;
	[tilespmem:$0x1E0C0] =	vst v63  }
0x30: {  	_ =	swait.ge [sflag:s17], $0x4000  }
0x31: {  	[sflag:s17] =	ssyncset.done $0x0  }
0x32: {  	[sflag:s17] =	ssyncadd.s32 $0xFFFFC000  }
0x33: {  	[spmem:s9] =	stream.linear.scatter [tilespmem:s16], [sflag:$0x5], $0x3800, $0x38;
	[tilespmem:$0x1E0C0] =	vst v63  }
0x34: {  	_ =	swait.ge [sflag:s17], $0x3800  }
0x35: {  	[sflag:s17] =	ssyncset.done $0x0  }
0x36: {  	s28 =	simm.s32 @!p0 $0x2800;
	[sflag:s17] =	ssyncadd.s32 $0xFFFFC800  }
0x37: {  	[spmem:s10] =	stream.linear.scatter @!p0 [tilespmem:s28], [sflag:$0x5], $0x800, $0x38;
	[tilespmem:$0x1E0C0] =	vst v63  }
0x38: {  	s28 =	simm.s32 @!p0 $0x5  }
0x39: {  	_ =	swait.ge @!p0 [sflag:s28], $0x800  }
0x3a: {  	[sflag:s28] =	ssyncset.done @!p0 $0x0  }
0x3b: {  	[sflag:s28] =	ssyncadd.s32 @!p0 $0xFFFFF800  }
0x3c: {  	[bflag:$0x0] =	sbarrier.arrive $0xFFFF  }
0x3d: {  	[tilespmem:s4], [sflag:$0x5] =	stream.linear.gather [hbm4b:s11+s4], $0x1400, $0x38;
	[tilespmem:$0x1E0C0] =	vst v63  }
0x3e: {  	_ =	swait.ge [sflag:s17], $0x1400  }
0x3f: {  	[sflag:s17] =	ssyncset.done $0x0  }
0x40: {  	[sflag:s17] =	ssyncadd.s32 $0xFFFFEC00  }
0x41: {  	[tilespmem:s18], [sflag:$0x5] =	stream.linear.gather [hbm4b:s12+s4], $0x1400, $0x38;
	[tilespmem:$0x1E0C0] =	vst v63  }
0x42: {  	_ =	swait.ge [sflag:s17], $0x1400  }
0x43: {  	[sflag:s17] =	ssyncset.done $0x0  }
0x44: {  	[sflag:s17] =	ssyncadd.s32 $0xFFFFEC00  }
0x45: {  	[tilespmem:s16], [sflag:$0x1] =	stream.indirect.gather [hbm4b:s1+s19], $0x80, s4, s19, $0xb8;
	[tilespmem:$0x1E0C0] =	vst v63  }
0x46: {  	_ = 	snop  }
0x47: {  	[tilespmem:s20], [sflag:$0x2] =	stream.indirect.gather [hbm4b:s1+s19], $0x80, s19, s19, $0xb8;
	[tilespmem:$0x1E0C0] =	vst v63  }
0x48: {  	_ =	swait.ge [sflag:s21], $0x4000  }
0x49: {  	[sflag:s21] =	ssyncset.done $0x0  }
0x4a: {  	[sflag:s21] =	ssyncadd.s32 $0xFFFFC000  }
0x4b: {  	[spmem:s3] =	stream.indirect.scatter.add.f32 [tilespmem:s16], [sflag:$0x3], $0x80, s18, s19, $0xb8;
	[tilespmem:$0x1E0C0] =	vst v63  }
0x4c: {  	_ =	swait.ge [sflag:s22], $0x4000  }
0x4d: {  	[sflag:s22] =	ssyncset.done $0x0  }
0x4e: {  	s28 =	simm.s32 $0x100;
	[sflag:s22] =	ssyncadd.s32 $0xFFFFC000  }
0x4f: {  	[tilespmem:s16], [sflag:$0x1] =	stream.indirect.gather [hbm4b:s1+s19], $0x80, s28, s19, $0xb8;
	[tilespmem:$0x1E0C0] =	vst v63  }
0x50: {  	_ =	swait.ge [sflag:s23], $0x4000  }
0x51: {  	[sflag:s23] =	ssyncset.done $0x0  }
0x52: {  	s28 =	simm.s32 $0x1480;
	[sflag:s23] =	ssyncadd.s32 $0xFFFFC000  }
0x53: {  	[spmem:s3] =	stream.indirect.scatter.add.f32 [tilespmem:s20], [sflag:$0x4], $0x80, s28, s19, $0xb8;
	[tilespmem:$0x1E0C0] =	vst v63  }
0x54: {  	_ =	swait.ge [sflag:s24], $0x4000  }
0x55: {  	[sflag:s24] =	ssyncset.done $0x0  }
0x56: {  	s28 =	simm.s32 $0x180;
	[sflag:s24] =	ssyncadd.s32 $0xFFFFC000  }
0x57: {  	[tilespmem:s20], [sflag:$0x2] =	stream.indirect.gather [hbm4b:s1+s19], $0x80, s28, s19, $0xb8;
	[tilespmem:$0x1E0C0] =	vst v63  }
0x58: {  	_ =	swait.ge [sflag:s21], $0x4000  }
0x59: {  	[sflag:s21] =	ssyncset.done $0x0  }
0x5a: {  	s29 =	simm.s32 $0x1500;
	s28 =	simm.s32 $0xFFFFB800;
	[sflag:s21] =	ssyncadd.s32 $0xFFFFC000  }
.LBB2_4:
0x5b: {  	[spmem:s3] =	stream.indirect.scatter.add.f32 [tilespmem:s16], [sflag:$0x3], $0x80, s29, s19, $0xb8;
	[tilespmem:$0x1E0C0] =	vst v63  }
0x5c: {  	s29 =	smov.u32 s28  }
0x5d: {  	p1 =	sne.s32 s28, $0xFFFFFC00;
	s28 =	sadd.s32 $0x400, s28;
	_ =	swait.ge [sflag:s22], $0x4000  }
0x5e: {  	s29 =	sshra.s32 s29, $0x2;
	[sflag:s22] =	ssyncset.done $0x0  }
0x5f: {  	s30 =	sadd.s32 $0x1400, s29;
	[sflag:s22] =	ssyncadd.s32 $0xFFFFC000  }
0x60: {  	[tilespmem:s16], [sflag:$0x1] =	stream.indirect.gather [hbm4b:s1+s19], $0x80, s30, s19, $0xb8;
	[tilespmem:$0x1E0C0] =	vst v63  }
0x61: {  	_ =	swait.ge [sflag:s23], $0x4000  }
0x62: {  	[sflag:s23] =	ssyncset.done $0x0  }
0x63: {  	s30 =	sadd.s32 $0x2780, s29;
	[sflag:s23] =	ssyncadd.s32 $0xFFFFC000  }
0x64: {  	[spmem:s3] =	stream.indirect.scatter.add.f32 [tilespmem:s20], [sflag:$0x4], $0x80, s30, s19, $0xb8;
	[tilespmem:$0x1E0C0] =	vst v63  }
0x65: {  	_ =	swait.ge [sflag:s24], $0x4000  }
0x66: {  	[sflag:s24] =	ssyncset.done $0x0  }
.Ltmp1:
0x67: {  	s30 =	sadd.s32 $0x1480, s29;
	[sflag:s24] =	ssyncadd.s32 $0xFFFFC000;
	(pc) =	sbr.rel @p1 .LBB2_4-.Ltmp1, $4  }
0x68: {  	[tilespmem:s20], [sflag:$0x2] =	stream.indirect.gather [hbm4b:s1+s19], $0x80, s30, s19, $0xb8;
	[tilespmem:$0x1E0C0] =	vst v63  }
0x69: {  	_ =	swait.ge [sflag:s21], $0x4000  }
0x6a: {  	[sflag:s21] =	ssyncset.done $0x0  }
0x6b: {  	s29 =	sadd.s32 $0x2800, s29;
	[sflag:s21] =	ssyncadd.s32 $0xFFFFC000  }
0x6c: {  	[spmem:s3] =	stream.indirect.scatter.add.f32 [tilespmem:s16], [sflag:$0x3], $0x80, s29, s19, $0xb8;
	[tilespmem:$0x1E0C0] =	vst v63  }
0x6d: {  	_ =	swait.ge [sflag:s23], $0x4000  }
0x6e: {  	[sflag:s23] =	ssyncset.done $0x0  }
0x6f: {  	[sflag:s23] =	ssyncadd.s32 $0xFFFFC000  }
0x70: {  	[spmem:s3] =	stream.indirect.scatter.add.f32 [tilespmem:s20], [sflag:$0x4], $0x80, s25, s19, $0xb8;
	[tilespmem:$0x1E0C0] =	vst v63  }
0x71: {  	_ =	swait.ge [sflag:s24], $0x4000  }
0x72: {  	[sflag:s24] =	ssyncset.done $0x0  }
0x73: {  	[sflag:s24] =	ssyncadd.s32 $0xFFFFC000  }
0x74: {  	_ =	swait.ge [sflag:s22], $0x4000  }
0x75: {  	[sflag:s22] =	ssyncset.done $0x0  }
0x76: {  	s28 =	sadd.s32 $0x280, s11;
	[sflag:s22] =	ssyncadd.s32 $0xFFFFC000  }
0x77: {  	[tilespmem:s4], [sflag:$0x5] =	stream.linear.gather [hbm4b:s28+s4], $0x1400, $0x38;
	[tilespmem:$0x1E0C0] =	vst v63  }
0x78: {  	_ =	swait.ge [sflag:s17], $0x1400  }
0x79: {  	[sflag:s17] =	ssyncset.done $0x0  }
0x7a: {  	s28 =	sadd.s32 $0x280, s12;
	[sflag:s17] =	ssyncadd.s32 $0xFFFFEC00  }
0x7b: {  	[tilespmem:s18], [sflag:$0x5] =	stream.linear.gather [hbm4b:s28+s4], $0x1400, $0x38;
	[tilespmem:$0x1E0C0] =	vst v63  }
0x7c: {  	_ =	swait.ge [sflag:s17], $0x1400  }
0x7d: {  	[sflag:s17] =	ssyncset.done $0x0  }
0x7e: {  	[sflag:s17] =	ssyncadd.s32 $0xFFFFEC00  }
0x7f: {  	[tilespmem:s16], [sflag:$0x1] =	stream.indirect.gather [hbm4b:s1+s19], $0x80, s4, s19, $0xb8;
	[tilespmem:$0x1E0C0] =	vst v63  }
0x80: {  	_ = 	snop  }
0x81: {  	[tilespmem:s20], [sflag:$0x2] =	stream.indirect.gather [hbm4b:s1+s19], $0x80, s19, s19, $0xb8;
	[tilespmem:$0x1E0C0] =	vst v63  }
0x82: {  	_ =	swait.ge [sflag:s21], $0x4000  }
0x83: {  	[sflag:s21] =	ssyncset.done $0x0  }
0x84: {  	[sflag:s21] =	ssyncadd.s32 $0xFFFFC000  }
0x85: {  	[spmem:s3] =	stream.indirect.scatter.add.f32 [tilespmem:s16], [sflag:$0x3], $0x80, s18, s19, $0xb8;
	[tilespmem:$0x1E0C0] =	vst v63  }
0x86: {  	_ =	swait.ge [sflag:s22], $0x4000  }
0x87: {  	[sflag:s22] =	ssyncset.done $0x0  }
0x88: {  	s28 =	simm.s32 $0x100;
	[sflag:s22] =	ssyncadd.s32 $0xFFFFC000  }
0x89: {  	[tilespmem:s16], [sflag:$0x1] =	stream.indirect.gather [hbm4b:s1+s19], $0x80, s28, s19, $0xb8;
	[tilespmem:$0x1E0C0] =	vst v63  }
0x8a: {  	_ =	swait.ge [sflag:s23], $0x4000  }
0x8b: {  	[sflag:s23] =	ssyncset.done $0x0  }
0x8c: {  	s28 =	simm.s32 $0x1480;
	[sflag:s23] =	ssyncadd.s32 $0xFFFFC000  }
0x8d: {  	[spmem:s3] =	stream.indirect.scatter.add.f32 [tilespmem:s20], [sflag:$0x4], $0x80, s28, s19, $0xb8;
	[tilespmem:$0x1E0C0] =	vst v63  }
0x8e: {  	_ =	swait.ge [sflag:s24], $0x4000  }
0x8f: {  	[sflag:s24] =	ssyncset.done $0x0  }
0x90: {  	s28 =	simm.s32 $0x180;
	[sflag:s24] =	ssyncadd.s32 $0xFFFFC000  }
0x91: {  	[tilespmem:s20], [sflag:$0x2] =	stream.indirect.gather [hbm4b:s1+s19], $0x80, s28, s19, $0xb8;
	[tilespmem:$0x1E0C0] =	vst v63  }
0x92: {  	_ =	swait.ge [sflag:s21], $0x4000  }
0x93: {  	[sflag:s21] =	ssyncset.done $0x0  }
0x94: {  	s29 =	simm.s32 $0x1500;
	s28 =	simm.s32 $0xFFFFB800;
	[sflag:s21] =	ssyncadd.s32 $0xFFFFC000  }
.LBB2_6:
0x95: {  	[spmem:s3] =	stream.indirect.scatter.add.f32 [tilespmem:s16], [sflag:$0x3], $0x80, s29, s19, $0xb8;
	[tilespmem:$0x1E0C0] =	vst v63  }
0x96: {  	s29 =	smov.u32 s28  }
0x97: {  	p1 =	sne.s32 s28, $0xFFFFFC00;
	s28 =	sadd.s32 $0x400, s28;
	_ =	swait.ge [sflag:s22], $0x4000  }
0x98: {  	s29 =	sshra.s32 s29, $0x2;
	[sflag:s22] =	ssyncset.done $0x0  }
0x99: {  	s30 =	sadd.s32 $0x1400, s29;
	[sflag:s22] =	ssyncadd.s32 $0xFFFFC000  }
0x9a: {  	[tilespmem:s16], [sflag:$0x1] =	stream.indirect.gather [hbm4b:s1+s19], $0x80, s30, s19, $0xb8;
	[tilespmem:$0x1E0C0] =	vst v63  }
0x9b: {  	_ =	swait.ge [sflag:s23], $0x4000  }
0x9c: {  	[sflag:s23] =	ssyncset.done $0x0  }
0x9d: {  	s30 =	sadd.s32 $0x2780, s29;
	[sflag:s23] =	ssyncadd.s32 $0xFFFFC000  }
0x9e: {  	[spmem:s3] =	stream.indirect.scatter.add.f32 [tilespmem:s20], [sflag:$0x4], $0x80, s30, s19, $0xb8;
	[tilespmem:$0x1E0C0] =	vst v63  }
0x9f: {  	_ =	swait.ge [sflag:s24], $0x4000  }
0xa0: {  	[sflag:s24] =	ssyncset.done $0x0  }
.Ltmp2:
0xa1: {  	s30 =	sadd.s32 $0x1480, s29;
	[sflag:s24] =	ssyncadd.s32 $0xFFFFC000;
	(pc) =	sbr.rel @p1 .LBB2_6-.Ltmp2, $4  }
0xa2: {  	[tilespmem:s20], [sflag:$0x2] =	stream.indirect.gather [hbm4b:s1+s19], $0x80, s30, s19, $0xb8;
	[tilespmem:$0x1E0C0] =	vst v63  }
0xa3: {  	_ =	swait.ge [sflag:s21], $0x4000  }
0xa4: {  	[sflag:s21] =	ssyncset.done $0x0  }
0xa5: {  	s29 =	sadd.s32 $0x2800, s29;
	[sflag:s21] =	ssyncadd.s32 $0xFFFFC000  }
0xa6: {  	[spmem:s3] =	stream.indirect.scatter.add.f32 [tilespmem:s16], [sflag:$0x3], $0x80, s29, s19, $0xb8;
	[tilespmem:$0x1E0C0] =	vst v63  }
0xa7: {  	_ =	swait.ge [sflag:s23], $0x4000  }
0xa8: {  	[sflag:s23] =	ssyncset.done $0x0  }
0xa9: {  	[sflag:s23] =	ssyncadd.s32 $0xFFFFC000  }
0xaa: {  	[spmem:s3] =	stream.indirect.scatter.add.f32 [tilespmem:s20], [sflag:$0x4], $0x80, s25, s19, $0xb8;
	[tilespmem:$0x1E0C0] =	vst v63  }
0xab: {  	_ =	swait.ge [sflag:s24], $0x4000  }
0xac: {  	[sflag:s24] =	ssyncset.done $0x0  }
0xad: {  	[sflag:s24] =	ssyncadd.s32 $0xFFFFC000  }
0xae: {  	_ =	swait.ge [sflag:s22], $0x4000  }
0xaf: {  	[sflag:s22] =	ssyncset.done $0x0  }
0xb0: {  	s28 =	sshll.u32 s0, $0x6;
	[sflag:s22] =	ssyncadd.s32 $0xFFFFC000  }
0xb1: {  	s31 =	sshrl.u32 s5, $0x3;
	s28 =	sor.u32 $0x1C05, s28;
	[bflag:$0x0] =	sbarrier.arrive $0xFFFF  }
0xb2: {  	[hbm:s13], [sflag:s28] =	dma.local [spmem:s31], $0x2700  }
0xb3: {  	_ =	swait.ge [sflag:s17], $0x2700  }
0xb4: {  	s26 =	sadd.s32 $0x1, s26;
	[sflag:s17] =	ssyncset.done $0x0  }
0xb5: {  	s29 =	sshrl.u32 @!p0 s10, $0x3;
	p1 =	sne.s32 s26, s15;
	[sflag:s17] =	ssyncadd.s32 $0xFFFFD900  }
0xb6: {  	[hbm:s14], [sflag:s28] =	dma.local @!p0 [spmem:s29], $0x100  }
.Ltmp3:
0xb7: {  	_ = 	snop;
	(pc) =	sbr.rel @p1 .LBB2_1-.Ltmp3, $4  }
0xb8: {  	s28 =	simm.s32 @!p0 $0x5  }
0xb9: {  	_ =	swait.ge @!p0 [sflag:s28], $0x100  }
0xba: {  	[sflag:s28] =	ssyncset.done @!p0 $0x0  }
0xbb: {  	[sflag:s28] =	ssyncadd.s32 @!p0 $0xFFFFFF00  }
0xbc: {  	_ =	sfence.sel $0x180000  }
0xbd: {  	[bflag:$0x0] =	sbarrier.arrive $0xFFFF  }
0xbe: {  	p0 =	sne.s32 s0, $0x0;
	_ =	strace $0x9000004A  }
0xbf: {  	s0 =	sadd.s32 @!p0 $0x100000, s2;
	[bflag:$0x2] =	sbarrier.arrive $0xFFFF  }
0xc0: {  	[sflag:s0] =	ssyncadd.tile.s32 @!p0 $0x1;
	_ =	shalt  }
.Lfunc_end2:
_tile_overlayer_lowered:
.L_overlay_start_2:
0xc1: {  	(tag) =	ssettag $0x2  }
0xc2: {  	s0 =	rddreg [dreg:$0x0];
	s2 =	stileid.u32  }
0xc3: {  	s1 =	rddreg [dreg:$0x1];
	p0 =	sne.s32 s2, $0x0  }
0xc4: {  	s3 =	rddreg [dreg:$0x2];
	[bflag:$0x3] =	sbarrier.arrive $0xFFFF;
	s2 =	simm.s32 @!p0 $0x1C05  }
0xc5: {  	[timem:s3], [sflag:s2] =	dma.local @!p0 [hbm:s0], s1  }
0xc6: {  	s0 =	simm.s32 @!p0 $0x5  }
0xc7: {  	_ =	swait.ge @!p0 [sflag:s0], s1  }
0xc8: {  	s1 =	ssub.s32 @!p0 $0x0, s1;
	[sflag:s0] =	ssyncset.done @!p0 $0x0  }
0xc9: {  	[sflag:s0] =	ssyncadd.s32 @!p0 s1  }
0xca: {  	[bflag:$0x3] =	sbarrier.arrive $0xFFFF  }
0xcb: {  	_ =	shalt  }

// kernel: kernel.15.cloned.1.call-start
scs
__scs_entry_jumppad:
0x0: {  	(pc) =	sbr.rel $0x88, $3  }
0x1: {  	(tag) =	ssettag $0x0;
	lr =	simm.s32 $0x1  }
0x2: {  	[smem:$0x3F9B] =	sst lr;
	_ =	strace $0xD0000000  }
0x3: {  	_ = 	snop  }
0x4: {  	_ = 	snop  }
0x5: {  	_ = 	snop  }
0x6: {  	_ = 	snop  }
0x7: {  	_ = 	snop  }
__scs_overlays_trampoline_lowered:
0x8: {  	[smem:$0x3FAA] =	sst s0  }
0x9: {  	[smem:$0x3FAB] =	sst s1  }
0xa: {  	[smem:$0x3FAC] =	sst s2  }
0xb: {  	[smem:$0x3FAD] =	sst s3  }
0xc: {  	[smem:$0x3FAE] =	sst s4  }
0xd: {  	[smem:$0x3FAF] =	sst s5  }
0xe: {  	[smem:$0x3FB0] =	sst s6  }
0xf: {  	[smem:$0x3FB1] =	sst s7  }
0x10: {  	[smem:$0x3FB2] =	sst s8  }
0x11: {  	[smem:$0x3FB3] =	sst s9;
	s0 =	simm.s32 @!p0 $0x0  }
0x12: {  	s1 =	sld [smem:$0x3F99];
	s0 =	simm.s32 @p0 $0x1  }
0x13: {  	[smem:$0x3FB4] =	sst s0;
	s0 =	simm.s32 @!p1 $0x0  }
0x14: {  	s2 =	sld [smem:$0x3F98];
	s0 =	simm.s32 @p1 $0x1  }
0x15: {  	[smem:$0x3FB5] =	sst s0;
	s0 =	simm.s32 @!p2 $0x0  }
0x16: {  	s3 =	sld [smem:$0x3FDB];
	s0 =	simm.s32 @p2 $0x1  }
0x17: {  	s4 =	simm.s32 $0x1BF5;
	[smem:$0x3FB7] =	sst s0  }
0x18: {  	s0 =	sld [smem:$0x3F9A];
	_ =	swait.ge [sflag:s4], $0x0  }
0x19: {  	s7 =	sld [smem:$0x3F9B]  }
0x1a: {  	s8 =	sadd.s32 $0xFFFFE003, lr  }
0x1b: {  	s9 =	sadd.s32 $0xFFFFFEF7, lr;
	s5 =	simm.s32 $0xFFFFFFFF;
	p2 =	slt.u32 s8, $0xFFFFF086  }
0x1c: {  	p1 =	slt.u32 s9, $0xF7A;
	s5 =	simm.s32 @!p2 $0x0  }
0x1d: {  	s5 =	simm.s32 @p1 $0x1;
	p0 =	seq.s32 s7, s2  }
0x1e: {  	s7 =	smul.u32 @!p0 $0xF7A, s2;
	p2 =	seq.s32 @!p0 s5, $0x0  }
0x1f: {  	s9 =	smul.u32 $0xF7A, s1;
	s8 =	simm.s32 @!p0 $0x1BF5;
	p2 =	por !p2, p0  }
0x20: {  	[sflag:s8] =	ssyncset.s32 @!p0 $0xFFFFF086;
	s6 =	sadd.s32 @!p0 s3, s7;
	s7 =	simm.s32 @!p0 $0x108  }
0x21: {  	s3 =	sadd.s32 s3, s9;
	s6 =	sadd.s32 @!p0 $0x88, s6;
	s7 =	simm.s32 @p2 $0x1082  }
0x22: {  	[simem:s7], [sflag:s8] =	dma.local @!p0 [hbm:s6], $0xF7A  }
0x23: {  	s9 =	sor.u32 $0xD0000000, s2;
	s6 =	simm.s32 $0x108;
	_ =	swait.ge @!p0 [sflag:s8], $0x0  }
0x24: {  	s3 =	sadd.s32 $0x88, s3;
	s6 =	simm.s32 @!p1 $0x1082;
	[sflag:s4] =	ssyncset.s32 $0xFFFFF086  }
0x25: {  	[simem:s6], [sflag:s4] =	dma.local [hbm:s3], $0xF7A  }
0x26: {  	[smem:$0x3F9B] =	sst s1;
	(tag) =	ssettag s2;
	_ =	strace s9  }
0x27: {  	s1 =	sld [smem:$0x3FAB]  }
0x28: {  	s2 =	sld [smem:$0x3FAC]  }
0x29: {  	s4 =	sld [smem:$0x3FAE]  }
0x2a: {  	p0 =	seq.s32 s5, $0x0;
	s5 =	sld [smem:$0x3FAF]  }
0x2b: {  	s6 =	sld [smem:$0x3FB0]  }
0x2c: {  	s7 =	sld [smem:$0x3FB1]  }
0x2d: {  	s3 =	simm.s32 $0x108;
	s8 =	sld [smem:$0x3FB2]  }
0x2e: {  	s3 =	simm.s32 @!p0 $0x1082;
	s9 =	sld [smem:$0x3FB3]  }
0x2f: {  	lr =	sadd.s32 s0, s3;
	s0 =	sld [smem:$0x3FAA]  }
0x30: {  	s3 =	sld [smem:$0x3FAD]  }
0x31: {  	[smem:$0x3FB6] =	sst s10  }
0x32: {  	s10 =	sld [smem:$0x3FB4];
	_ =	sdelay $0x3  }
0x33: {  	p0 =	seq.s32 s10, $0x1;
	s10 =	sld [smem:$0x3FB6];
	_ =	sdelay $0x3  }
0x34: {  	[smem:$0x3FB6] =	sst s10  }
0x35: {  	s10 =	sld [smem:$0x3FB5];
	_ =	sdelay $0x3  }
0x36: {  	p1 =	seq.s32 s10, $0x1;
	s10 =	sld [smem:$0x3FB6];
	_ =	sdelay $0x3  }
0x37: {  	[smem:$0x3FB6] =	sst s10  }
0x38: {  	s10 =	sld [smem:$0x3FB7]  }
0x39: {  	_ = 	snop;
	(pc) =	sbr.ind lr, $3  }
0x3a: {  	_ = 	snop  }
0x3b: {  	_ = 	snop  }
0x3c: {  	p2 =	seq.s32 s10, $0x1;
	s10 =	sld [smem:$0x3FB6]  }
0x3d: {  	_ =	shalt  }
0x3e: {  	_ =	shalt  }
0x3f: {  	_ =	shalt  }
0x40: {  	_ =	shalt  }
0x41: {  	_ =	shalt  }
0x42: {  	_ =	shalt  }
0x43: {  	_ =	shalt  }
0x44: {  	_ =	shalt  }
0x45: {  	_ =	shalt  }
0x46: {  	_ =	shalt  }
0x47: {  	_ =	shalt  }
0x48: {  	_ =	shalt  }
0x49: {  	_ =	shalt  }
0x4a: {  	_ =	shalt  }
0x4b: {  	_ =	shalt  }
0x4c: {  	_ =	shalt  }
0x4d: {  	_ =	shalt  }
0x4e: {  	_ =	shalt  }
0x4f: {  	_ =	shalt  }
0x50: {  	_ =	shalt  }
0x51: {  	_ =	shalt  }
0x52: {  	_ =	shalt  }
0x53: {  	_ =	shalt  }
0x54: {  	_ =	shalt  }
0x55: {  	_ =	shalt  }
0x56: {  	_ =	shalt  }
0x57: {  	_ =	shalt  }
0x58: {  	_ =	shalt  }
0x59: {  	_ =	shalt  }
0x5a: {  	_ =	shalt  }
0x5b: {  	_ =	shalt  }
0x5c: {  	_ =	shalt  }
0x5d: {  	_ =	shalt  }
0x5e: {  	_ =	shalt  }
0x5f: {  	_ =	shalt  }
0x60: {  	_ =	shalt  }
0x61: {  	_ =	shalt  }
0x62: {  	_ =	shalt  }
0x63: {  	_ =	shalt  }
0x64: {  	_ =	shalt  }
0x65: {  	_ =	shalt  }
0x66: {  	_ =	shalt  }
0x67: {  	_ =	shalt  }
0x68: {  	_ =	shalt  }
0x69: {  	_ =	shalt  }
0x6a: {  	_ =	shalt  }
0x6b: {  	_ =	shalt  }
0x6c: {  	_ =	shalt  }
0x6d: {  	_ =	shalt  }
0x6e: {  	_ =	shalt  }
0x6f: {  	_ =	shalt  }
0x70: {  	_ =	shalt  }
0x71: {  	_ =	shalt  }
0x72: {  	_ =	shalt  }
0x73: {  	_ =	shalt  }
0x74: {  	_ =	shalt  }
0x75: {  	_ =	shalt  }
0x76: {  	_ =	shalt  }
0x77: {  	_ =	shalt  }
0x78: {  	_ =	shalt  }
0x79: {  	_ =	shalt  }
0x7a: {  	_ =	shalt  }
0x7b: {  	_ =	shalt  }
0x7c: {  	_ =	shalt  }
0x7d: {  	_ =	shalt  }
0x7e: {  	_ =	shalt  }
0x7f: {  	_ =	shalt  }
0x80: {  	_ =	shalt  }
0x81: {  	_ =	shalt  }
0x82: {  	_ =	shalt  }
0x83: {  	_ =	shalt  }
0x84: {  	_ =	shalt  }
0x85: {  	_ =	shalt  }
0x86: {  	_ =	shalt  }
0x87: {  	_ =	shalt  }
.Lfunc_end0:
.L_simem_size_0:
called_computation.2_lowered:
.L_overlay_start_0:
0x88: {  	s2 =	sld [smem:$0x3FD9]  }
0x89: {  	s3 =	sld [smem:$0x3FFE];
	_ =	sdelay $0x1  }
0x8a: {  	s1 =	srdreg.scid  }
0x8b: {  	s0 =	sand.u32 $0x1, s1  }
0x8c: {  	s17 =	sshll.u32 s0, $0xA;
	s2 =	sadd.s32 s3, s2  }
0x8d: {  	s2 =	sadd.s32 s2, s17  }
0x8e: {  	[smem:$0x3FC2] =	sst s2  }
0x8f: {  	_ = 	snop  }
0x90: {  	s2 =	sld [smem:$0x3FD0];
	(tm) =	ssettm $0x1  }
0x91: {  	s18 =	sld [smem:$0x3FFB];
	_ =	sdelay $0x3  }
0x92: {  	_ =	strace s18  }
0x93: {  	s3 =	sld [smem:$0x3FFC];
	_ =	sdelay $0x3  }
0x94: {  	_ =	strace s3  }
0x95: {  	s3 =	sld [smem:$0x3FFD];
	_ =	sdelay $0x3  }
0x96: {  	_ =	strace s3  }
0x97: {  	_ =	strace $0x8FFFFFFF  }
0x98: {  	s19 =	sld [smem:$0x3FDB];
	_ =	sdelay $0x1  }
0x99: {  	s4 =	simm.s32 $_scs_section_size  }
0x9a: {  	s5 =	simm.s32 $_size__tile_overlayer_lowered;
	s6 =	simm.s32 $_tile_overlayer_lowered  }
0x9b: {  	s22 =	simm.s32 $0x1BFF;
	s21 =	sshll.u32 s6, $0x1;
	s3 =	sadd.s32 s4, s19  }
0x9c: {  	s7 =	simm.s32 $0x0;
	s20 =	sshll.u32 s5, $0x1;
	s5 =	sadd.s32 s21, s3  }
0x9d: {  	[timem:s7], [sflag:s22] =	dma.local [hbm:s5], s20  }
0x9e: {  	_ =	swait.ge [sflag:s22], s20  }
0x9f: {  	s4 =	ssub.s32 $0x0, s20;
	[sflag:s22] =	ssyncset.done $0x0  }
0xa0: {  	[sflag:s22] =	ssyncadd.s32 s4;
	_ =	sdelay $0x1  }
0xa1: {  	s23 =	simm.s32 $0x1B8B  }
0xa2: {  	_ =	swait.ge [sflag:s23], $0x1  }
0xa3: {  	[sflag:s23] =	ssyncset.done $0x0  }
0xa4: {  	s25 =	simm.s32 $0x1B8E;
	s24 =	sld [smem:$0x3FFE];
	[sflag:s23] =	ssyncadd.s32 $0xFFFFFFFF  }
0xa5: {  	s26 =	simm.s32 $execute0_lowered;
	[smem:$0x3FD2] =	sst s25  }
0xa6: {  	s5 =	sshll.u32 s26, $0x1;
	_ =	strace $0x8000004C;
	[dreg:$0x1] =	wrdreg $0xFFFFFFFF  }
0xa7: {  	s28 =	simm.s32 $_size_execute0_lowered;
	s3 =	sadd.s32 s3, s5;
	[dreg:$0x0] =	wrdreg $0x0  }
0xa8: {  	s5 =	sshll.u32 s28, $0x1;
	[dreg:$0x2] =	wrdreg s3  }
0xa9: {  	[dreg:$0x3] =	wrdreg s5  }
0xaa: {  	[dreg:$0x4] =	wrdreg $0xC0  }
0xab: {  	_ =	task [dreg:s7], $0x5FFFF  }
0xac: {  	[dreg:$0x1] =	wrdreg $0xFFFFFFFF  }
0xad: {  	[dreg:$0x0] =	wrdreg $0x60  }
0xae: {  	[dreg:$0x2] =	wrdreg s2  }
0xaf: {  	[dreg:$0x3] =	wrdreg s24  }
0xb0: {  	[dreg:$0x4] =	wrdreg $0xA8000  }
0xb1: {  	[dreg:$0x5] =	wrdreg $0x9  }
0xb2: {  	_ =	task.clear_ibuf [dreg:s7], $0x6FFFF;
	_ =	strace $0x9000004C  }
0xb3: {  	s29 =	simm.s32 $0x9;
	_ =	strace $0x8000004E  }
0xb4: {  	_ =	swait.ge [sflag:s29], $0x1  }
0xb5: {  	[sflag:s29] =	ssyncadd.s32 $0xFFFFFFFF  }
0xb6: {  	_ =	strace $0x9000004E  }
0xb7: {  	_ =	sfence  }
0xb8: {  	s30 =	sld [smem:$0x0];
	_ =	sdelay $0x2  }
0xb9: {  	s31 =	sshll.u32 s1, $0xD;
	s1 =	sshrl.u32 s1, $0x2  }
0xba: {  	s3 =	sand.u32 $0x4000, s31;
	s1 =	sadd.s32 s1, s30  }
0xbb: {  	s0 =	sor.u32 s3, s0;
	s1 =	sshll.u32 s1, $0x11  }
0xbc: {  	s0 =	sor.u32 s1, s0  }
0xbd: {  	s0 =	sadd.s32 $0x8F2B, s0  }
0xbe: {  	[sflag:s0] =	ssyncadd.remote.s32 $0x1  }
0xbf: {  	_ =	sfence.sel $0xFFFF  }
0xc0: {  	[dreg:$0x0] =	wrdreg $0xFFFFFFFF;
	(pc) =	sbr.abs _section_cstart, $3  }
0xc1: {  	[dreg:$0x1] =	wrdreg $0xFFFFFFFF  }
0xc2: {  	_ =	task.clear_ibuf [dreg:s7], $0x2FFFF;
	_ =	strace $0x9FFFFFFF  }
0xc3: {  	(tm) =	ssettm $0x7FFFFFFF  }
tec
execute0_lowered:
.L_overlay_start_1:
0x0: {  	(tag) =	ssettag $0x1  }
0x1: {  	s1 =	rddreg [dreg:$0x0];
	s2 =	srdreg.scid  }
0x2: {  	s0 =	stileid.u32;
	s5 =	rddreg [dreg:$0x1]  }
0x3: {  	s3 =	rddreg [dreg:$0x2];
	s4 =	simm.s32 $0x0;
	s18 =	simm.s32 $0x1400  }
0x4: {  	s19 =	simm.s32 $0x80;
	s20 =	simm.s32 $0x6800;
	s21 =	simm.s32 $0x1  }
0x5: {  	s22 =	simm.s32 $0x3;
	s23 =	simm.s32 $0x2;
	s24 =	simm.s32 $0x4  }
0x6: {  	s25 =	simm.s32 $0x2780;
	s26 =	simm.s32 $0x0;
	s10 =	sand.u32 $0x1, s2  }
0x7: {  	s29 =	sshll.u32 s0, $0x1;
	s2 =	rddreg [dreg:$0x3];
	s7 =	smul.u32 $0x4E000, s0  }
0x8: {  	[smem:$0x7FF] =	sst s4;
	s13 =	sadd.s32 $0x65A00, s5;
	s14 =	smul.u32 $0x2700, s0  }
0x9: {  	p0 =	sne.s32 s0, $0xF;
	s6 =	sor.u32 s10, s29;
	s16 =	smul.u32 $0x138800, s10  }
0xa: {  	_ =	strace $0x8000004D;
	s30 =	ssub.s32 $0x2, s10;
	s17 =	smul.u32 $0x27100, s10  }
0xb: {  	s10 =	sadd.s32 $0x138000, s3;
	s6 =	smul.u32 $0x500, s6;
	s31 =	sshrl.u32 s30, $0x1  }
0xc: {  	s7 =	sshrl.u32 s7, $0x2;
	s15 =	ssub.s32 s30, s31;
	s16 =	sshrl.u32 s16, $0x3  }
0xd: {  	s14 =	sadd.s32 s14, s17;
	s17 =	simm.s32 $0x5;
	s12 =	sadd.s32 s6, s5  }
0xe: {  	s5 =	sadd.s32 s7, s3;
	s16 =	sadd.s32 s13, s16;
	s13 =	sadd.s32 s13, s14  }
0xf: {  	s15 =	smax.u32 s15, $0x1;
	s6 =	sadd.s32 $0x4000, s5;
	s7 =	sadd.s32 $0x8000, s5  }
0x10: {  	s8 =	sadd.s32 $0xC000, s5;
	s9 =	sadd.s32 $0x10000, s5;
	s11 =	sadd.s32 $0x5BA00, s12  }
0x11: {  	v0 =	vimm.f32 $0.0e+00;
	s12 =	sadd.s32 $0x3800, s12;
	s14 =	sadd.s32 $0x27000, s16;
	s16 =	simm.s32 $0x2800  }
.LBB2_1:
0x12: {  	s28 =	simm.s32 $0x0;
	s29 =	simm.s32 $0x200  }
.LBB2_2:
0x13: {  	p1 =	sne.s32 s29, $0xFE00;
	[tilespmem:s28+$0x2870] =	vst v0  }
0x14: {  	[tilespmem:s28+$0x2800] =	vst v0  }
0x15: {  	[tilespmem:s28+$0x2810] =	vst v0  }
.Ltmp0:
0x16: {  	[tilespmem:s28+$0x2820] =	vst v0;
	(pc) =	sbr.rel @p1 .LBB2_2-.Ltmp0, $4  }
0x17: {  	[tilespmem:s28+$0x2830] =	vst v0  }
0x18: {  	[tilespmem:s28+$0x2840] =	vst v0  }
0x19: {  	[tilespmem:s28+$0x2850] =	vst v0  }
0x1a: {  	[tilespmem:s28+$0x2860] =	vst v0;
	s28 =	sshra.s32 s29, $0x2;
	s29 =	sadd.s32 $0x200, s29  }
0x1b: {  	[tilespmem:s28+$0x2870] =	vst v0  }
0x1c: {  	[tilespmem:s28+$0x2800] =	vst v0  }
0x1d: {  	[tilespmem:s28+$0x2810] =	vst v0  }
0x1e: {  	[tilespmem:s28+$0x2820] =	vst v0  }
0x1f: {  	[tilespmem:s28+$0x2830] =	vst v0  }
0x20: {  	[tilespmem:s28+$0x2840] =	vst v0  }
0x21: {  	[tilespmem:s28+$0x2850] =	vst v0  }
0x22: {  	[tilespmem:s28+$0x2860] =	vst v0  }
0x23: {  	[spmem:s5] =	stream.linear.scatter [tilespmem:s16], [sflag:$0x5], $0x4000, $0x38;
	[tilespmem:$0x1E0C0] =	vst v63  }
0x24: {  	_ =	swait.ge [sflag:s17], $0x4000  }
0x25: {  	[sflag:s17] =	ssyncset.done $0x0  }
0x26: {  	[sflag:s17] =	ssyncadd.s32 $0xFFFFC000  }
0x27: {  	[spmem:s6] =	stream.linear.scatter [tilespmem:s16], [sflag:$0x5], $0x4000, $0x38;
	[tilespmem:$0x1E0C0] =	vst v63  }
0x28: {  	_ =	swait.ge [sflag:s17], $0x4000  }
0x29: {  	[sflag:s17] =	ssyncset.done $0x0  }
0x2a: {  	[sflag:s17] =	ssyncadd.s32 $0xFFFFC000  }
0x2b: {  	[spmem:s7] =	stream.linear.scatter [tilespmem:s16], [sflag:$0x5], $0x4000, $0x38;
	[tilespmem:$0x1E0C0] =	vst v63  }
0x2c: {  	_ =	swait.ge [sflag:s17], $0x4000  }
0x2d: {  	[sflag:s17] =	ssyncset.done $0x0  }
0x2e: {  	[sflag:s17] =	ssyncadd.s32 $0xFFFFC000  }
0x2f: {  	[spmem:s8] =	stream.linear.scatter [tilespmem:s16], [sflag:$0x5], $0x4000, $0x38;
	[tilespmem:$0x1E0C0] =	vst v63  }
0x30: {  	_ =	swait.ge [sflag:s17], $0x4000  }
0x31: {  	[sflag:s17] =	ssyncset.done $0x0  }
0x32: {  	[sflag:s17] =	ssyncadd.s32 $0xFFFFC000  }
0x33: {  	[spmem:s9] =	stream.linear.scatter [tilespmem:s16], [sflag:$0x5], $0x3800, $0x38;
	[tilespmem:$0x1E0C0] =	vst v63  }
0x34: {  	_ =	swait.ge [sflag:s17], $0x3800  }
0x35: {  	[sflag:s17] =	ssyncset.done $0x0  }
0x36: {  	s28 =	simm.s32 @!p0 $0x2800;
	[sflag:s17] =	ssyncadd.s32 $0xFFFFC800  }
0x37: {  	[spmem:s10] =	stream.linear.scatter @!p0 [tilespmem:s28], [sflag:$0x5], $0x800, $0x38;
	[tilespmem:$0x1E0C0] =	vst v63  }
0x38: {  	s28 =	simm.s32 @!p0 $0x5  }
0x39: {  	_ =	swait.ge @!p0 [sflag:s28], $0x800  }
0x3a: {  	[sflag:s28] =	ssyncset.done @!p0 $0x0  }
0x3b: {  	[sflag:s28] =	ssyncadd.s32 @!p0 $0xFFFFF800  }
0x3c: {  	[bflag:$0x0] =	sbarrier.arrive $0xFFFF  }
0x3d: {  	[tilespmem:s4], [sflag:$0x5] =	stream.linear.gather [hbm4b:s11+s4], $0x1400, $0x38;
	[tilespmem:$0x1E0C0] =	vst v63  }
0x3e: {  	_ =	swait.ge [sflag:s17], $0x1400  }
0x3f: {  	[sflag:s17] =	ssyncset.done $0x0  }
0x40: {  	[sflag:s17] =	ssyncadd.s32 $0xFFFFEC00  }
0x41: {  	[tilespmem:s18], [sflag:$0x5] =	stream.linear.gather [hbm4b:s12+s4], $0x1400, $0x38;
	[tilespmem:$0x1E0C0] =	vst v63  }
0x42: {  	_ =	swait.ge [sflag:s17], $0x1400  }
0x43: {  	[sflag:s17] =	ssyncset.done $0x0  }
0x44: {  	[sflag:s17] =	ssyncadd.s32 $0xFFFFEC00  }
0x45: {  	[tilespmem:s16], [sflag:$0x1] =	stream.indirect.gather [hbm4b:s1+s19], $0x80, s4, s19, $0xb8;
	[tilespmem:$0x1E0C0] =	vst v63  }
0x46: {  	_ = 	snop  }
0x47: {  	[tilespmem:s20], [sflag:$0x2] =	stream.indirect.gather [hbm4b:s1+s19], $0x80, s19, s19, $0xb8;
	[tilespmem:$0x1E0C0] =	vst v63  }
0x48: {  	_ =	swait.ge [sflag:s21], $0x4000  }
0x49: {  	[sflag:s21] =	ssyncset.done $0x0  }
0x4a: {  	[sflag:s21] =	ssyncadd.s32 $0xFFFFC000  }
0x4b: {  	[spmem:s3] =	stream.indirect.scatter.add.f32 [tilespmem:s16], [sflag:$0x3], $0x80, s18, s19, $0xb8;
	[tilespmem:$0x1E0C0] =	vst v63  }
0x4c: {  	_ =	swait.ge [sflag:s22], $0x4000  }
0x4d: {  	[sflag:s22] =	ssyncset.done $0x0  }
0x4e: {  	s28 =	simm.s32 $0x100;
	[sflag:s22] =	ssyncadd.s32 $0xFFFFC000  }
0x4f: {  	[tilespmem:s16], [sflag:$0x1] =	stream.indirect.gather [hbm4b:s1+s19], $0x80, s28, s19, $0xb8;
	[tilespmem:$0x1E0C0] =	vst v63  }
0x50: {  	_ =	swait.ge [sflag:s23], $0x4000  }
0x51: {  	[sflag:s23] =	ssyncset.done $0x0  }
0x52: {  	s28 =	simm.s32 $0x1480;
	[sflag:s23] =	ssyncadd.s32 $0xFFFFC000  }
0x53: {  	[spmem:s3] =	stream.indirect.scatter.add.f32 [tilespmem:s20], [sflag:$0x4], $0x80, s28, s19, $0xb8;
	[tilespmem:$0x1E0C0] =	vst v63  }
0x54: {  	_ =	swait.ge [sflag:s24], $0x4000  }
0x55: {  	[sflag:s24] =	ssyncset.done $0x0  }
0x56: {  	s28 =	simm.s32 $0x180;
	[sflag:s24] =	ssyncadd.s32 $0xFFFFC000  }
0x57: {  	[tilespmem:s20], [sflag:$0x2] =	stream.indirect.gather [hbm4b:s1+s19], $0x80, s28, s19, $0xb8;
	[tilespmem:$0x1E0C0] =	vst v63  }
0x58: {  	_ =	swait.ge [sflag:s21], $0x4000  }
0x59: {  	[sflag:s21] =	ssyncset.done $0x0  }
0x5a: {  	s29 =	simm.s32 $0x1500;
	s28 =	simm.s32 $0xFFFFB800;
	[sflag:s21] =	ssyncadd.s32 $0xFFFFC000  }
.LBB2_4:
0x5b: {  	[spmem:s3] =	stream.indirect.scatter.add.f32 [tilespmem:s16], [sflag:$0x3], $0x80, s29, s19, $0xb8;
	[tilespmem:$0x1E0C0] =	vst v63  }
0x5c: {  	s29 =	smov.u32 s28  }
0x5d: {  	p1 =	sne.s32 s28, $0xFFFFFC00;
	s28 =	sadd.s32 $0x400, s28;
	_ =	swait.ge [sflag:s22], $0x4000  }
0x5e: {  	s29 =	sshra.s32 s29, $0x2;
	[sflag:s22] =	ssyncset.done $0x0  }
0x5f: {  	s30 =	sadd.s32 $0x1400, s29;
	[sflag:s22] =	ssyncadd.s32 $0xFFFFC000  }
0x60: {  	[tilespmem:s16], [sflag:$0x1] =	stream.indirect.gather [hbm4b:s1+s19], $0x80, s30, s19, $0xb8;
	[tilespmem:$0x1E0C0] =	vst v63  }
0x61: {  	_ =	swait.ge [sflag:s23], $0x4000  }
0x62: {  	[sflag:s23] =	ssyncset.done $0x0  }
0x63: {  	s30 =	sadd.s32 $0x2780, s29;
	[sflag:s23] =	ssyncadd.s32 $0xFFFFC000  }
0x64: {  	[spmem:s3] =	stream.indirect.scatter.add.f32 [tilespmem:s20], [sflag:$0x4], $0x80, s30, s19, $0xb8;
	[tilespmem:$0x1E0C0] =	vst v63  }
0x65: {  	_ =	swait.ge [sflag:s24], $0x4000  }
0x66: {  	[sflag:s24] =	ssyncset.done $0x0  }
.Ltmp1:
0x67: {  	s30 =	sadd.s32 $0x1480, s29;
	[sflag:s24] =	ssyncadd.s32 $0xFFFFC000;
	(pc) =	sbr.rel @p1 .LBB2_4-.Ltmp1, $4  }
0x68: {  	[tilespmem:s20], [sflag:$0x2] =	stream.indirect.gather [hbm4b:s1+s19], $0x80, s30, s19, $0xb8;
	[tilespmem:$0x1E0C0] =	vst v63  }
0x69: {  	_ =	swait.ge [sflag:s21], $0x4000  }
0x6a: {  	[sflag:s21] =	ssyncset.done $0x0  }
0x6b: {  	s29 =	sadd.s32 $0x2800, s29;
	[sflag:s21] =	ssyncadd.s32 $0xFFFFC000  }
0x6c: {  	[spmem:s3] =	stream.indirect.scatter.add.f32 [tilespmem:s16], [sflag:$0x3], $0x80, s29, s19, $0xb8;
	[tilespmem:$0x1E0C0] =	vst v63  }
0x6d: {  	_ =	swait.ge [sflag:s23], $0x4000  }
0x6e: {  	[sflag:s23] =	ssyncset.done $0x0  }
0x6f: {  	[sflag:s23] =	ssyncadd.s32 $0xFFFFC000  }
0x70: {  	[spmem:s3] =	stream.indirect.scatter.add.f32 [tilespmem:s20], [sflag:$0x4], $0x80, s25, s19, $0xb8;
	[tilespmem:$0x1E0C0] =	vst v63  }
0x71: {  	_ =	swait.ge [sflag:s24], $0x4000  }
0x72: {  	[sflag:s24] =	ssyncset.done $0x0  }
0x73: {  	[sflag:s24] =	ssyncadd.s32 $0xFFFFC000  }
0x74: {  	_ =	swait.ge [sflag:s22], $0x4000  }
0x75: {  	[sflag:s22] =	ssyncset.done $0x0  }
0x76: {  	s28 =	sadd.s32 $0x280, s11;
	[sflag:s22] =	ssyncadd.s32 $0xFFFFC000  }
0x77: {  	[tilespmem:s4], [sflag:$0x5] =	stream.linear.gather [hbm4b:s28+s4], $0x1400, $0x38;
	[tilespmem:$0x1E0C0] =	vst v63  }
0x78: {  	_ =	swait.ge [sflag:s17], $0x1400  }
0x79: {  	[sflag:s17] =	ssyncset.done $0x0  }
0x7a: {  	s28 =	sadd.s32 $0x280, s12;
	[sflag:s17] =	ssyncadd.s32 $0xFFFFEC00  }
0x7b: {  	[tilespmem:s18], [sflag:$0x5] =	stream.linear.gather [hbm4b:s28+s4], $0x1400, $0x38;
	[tilespmem:$0x1E0C0] =	vst v63  }
0x7c: {  	_ =	swait.ge [sflag:s17], $0x1400  }
0x7d: {  	[sflag:s17] =	ssyncset.done $0x0  }
0x7e: {  	[sflag:s17] =	ssyncadd.s32 $0xFFFFEC00  }
0x7f: {  	[tilespmem:s16], [sflag:$0x1] =	stream.indirect.gather [hbm4b:s1+s19], $0x80, s4, s19, $0xb8;
	[tilespmem:$0x1E0C0] =	vst v63  }
0x80: {  	_ = 	snop  }
0x81: {  	[tilespmem:s20], [sflag:$0x2] =	stream.indirect.gather [hbm4b:s1+s19], $0x80, s19, s19, $0xb8;
	[tilespmem:$0x1E0C0] =	vst v63  }
0x82: {  	_ =	swait.ge [sflag:s21], $0x4000  }
0x83: {  	[sflag:s21] =	ssyncset.done $0x0  }
0x84: {  	[sflag:s21] =	ssyncadd.s32 $0xFFFFC000  }
0x85: {  	[spmem:s3] =	stream.indirect.scatter.add.f32 [tilespmem:s16], [sflag:$0x3], $0x80, s18, s19, $0xb8;
	[tilespmem:$0x1E0C0] =	vst v63  }
0x86: {  	_ =	swait.ge [sflag:s22], $0x4000  }
0x87: {  	[sflag:s22] =	ssyncset.done $0x0  }
0x88: {  	s28 =	simm.s32 $0x100;
	[sflag:s22] =	ssyncadd.s32 $0xFFFFC000  }
0x89: {  	[tilespmem:s16], [sflag:$0x1] =	stream.indirect.gather [hbm4b:s1+s19], $0x80, s28, s19, $0xb8;
	[tilespmem:$0x1E0C0] =	vst v63  }
0x8a: {  	_ =	swait.ge [sflag:s23], $0x4000  }
0x8b: {  	[sflag:s23] =	ssyncset.done $0x0  }
0x8c: {  	s28 =	simm.s32 $0x1480;
	[sflag:s23] =	ssyncadd.s32 $0xFFFFC000  }
0x8d: {  	[spmem:s3] =	stream.indirect.scatter.add.f32 [tilespmem:s20], [sflag:$0x4], $0x80, s28, s19, $0xb8;
	[tilespmem:$0x1E0C0] =	vst v63  }
0x8e: {  	_ =	swait.ge [sflag:s24], $0x4000  }
0x8f: {  	[sflag:s24] =	ssyncset.done $0x0  }
0x90: {  	s28 =	simm.s32 $0x180;
	[sflag:s24] =	ssyncadd.s32 $0xFFFFC000  }
0x91: {  	[tilespmem:s20], [sflag:$0x2] =	stream.indirect.gather [hbm4b:s1+s19], $0x80, s28, s19, $0xb8;
	[tilespmem:$0x1E0C0] =	vst v63  }
0x92: {  	_ =	swait.ge [sflag:s21], $0x4000  }
0x93: {  	[sflag:s21] =	ssyncset.done $0x0  }
0x94: {  	s29 =	simm.s32 $0x1500;
	s28 =	simm.s32 $0xFFFFB800;
	[sflag:s21] =	ssyncadd.s32 $0xFFFFC000  }
.LBB2_6:
0x95: {  	[spmem:s3] =	stream.indirect.scatter.add.f32 [tilespmem:s16], [sflag:$0x3], $0x80, s29, s19, $0xb8;
	[tilespmem:$0x1E0C0] =	vst v63  }
0x96: {  	s29 =	smov.u32 s28  }
0x97: {  	p1 =	sne.s32 s28, $0xFFFFFC00;
	s28 =	sadd.s32 $0x400, s28;
	_ =	swait.ge [sflag:s22], $0x4000  }
0x98: {  	s29 =	sshra.s32 s29, $0x2;
	[sflag:s22] =	ssyncset.done $0x0  }
0x99: {  	s30 =	sadd.s32 $0x1400, s29;
	[sflag:s22] =	ssyncadd.s32 $0xFFFFC000  }
0x9a: {  	[tilespmem:s16], [sflag:$0x1] =	stream.indirect.gather [hbm4b:s1+s19], $0x80, s30, s19, $0xb8;
	[tilespmem:$0x1E0C0] =	vst v63  }
0x9b: {  	_ =	swait.ge [sflag:s23], $0x4000  }
0x9c: {  	[sflag:s23] =	ssyncset.done $0x0  }
0x9d: {  	s30 =	sadd.s32 $0x2780, s29;
	[sflag:s23] =	ssyncadd.s32 $0xFFFFC000  }
0x9e: {  	[spmem:s3] =	stream.indirect.scatter.add.f32 [tilespmem:s20], [sflag:$0x4], $0x80, s30, s19, $0xb8;
	[tilespmem:$0x1E0C0] =	vst v63  }
0x9f: {  	_ =	swait.ge [sflag:s24], $0x4000  }
0xa0: {  	[sflag:s24] =	ssyncset.done $0x0  }
.Ltmp2:
0xa1: {  	s30 =	sadd.s32 $0x1480, s29;
	[sflag:s24] =	ssyncadd.s32 $0xFFFFC000;
	(pc) =	sbr.rel @p1 .LBB2_6-.Ltmp2, $4  }
0xa2: {  	[tilespmem:s20], [sflag:$0x2] =	stream.indirect.gather [hbm4b:s1+s19], $0x80, s30, s19, $0xb8;
	[tilespmem:$0x1E0C0] =	vst v63  }
0xa3: {  	_ =	swait.ge [sflag:s21], $0x4000  }
0xa4: {  	[sflag:s21] =	ssyncset.done $0x0  }
0xa5: {  	s29 =	sadd.s32 $0x2800, s29;
	[sflag:s21] =	ssyncadd.s32 $0xFFFFC000  }
0xa6: {  	[spmem:s3] =	stream.indirect.scatter.add.f32 [tilespmem:s16], [sflag:$0x3], $0x80, s29, s19, $0xb8;
	[tilespmem:$0x1E0C0] =	vst v63  }
0xa7: {  	_ =	swait.ge [sflag:s23], $0x4000  }
0xa8: {  	[sflag:s23] =	ssyncset.done $0x0  }
0xa9: {  	[sflag:s23] =	ssyncadd.s32 $0xFFFFC000  }
0xaa: {  	[spmem:s3] =	stream.indirect.scatter.add.f32 [tilespmem:s20], [sflag:$0x4], $0x80, s25, s19, $0xb8;
	[tilespmem:$0x1E0C0] =	vst v63  }
0xab: {  	_ =	swait.ge [sflag:s24], $0x4000  }
0xac: {  	[sflag:s24] =	ssyncset.done $0x0  }
0xad: {  	[sflag:s24] =	ssyncadd.s32 $0xFFFFC000  }
0xae: {  	_ =	swait.ge [sflag:s22], $0x4000  }
0xaf: {  	[sflag:s22] =	ssyncset.done $0x0  }
0xb0: {  	s28 =	sshll.u32 s0, $0x6;
	[sflag:s22] =	ssyncadd.s32 $0xFFFFC000  }
0xb1: {  	s31 =	sshrl.u32 s5, $0x3;
	s28 =	sor.u32 $0x1C05, s28;
	[bflag:$0x0] =	sbarrier.arrive $0xFFFF  }
0xb2: {  	[hbm:s13], [sflag:s28] =	dma.local [spmem:s31], $0x2700  }
0xb3: {  	_ =	swait.ge [sflag:s17], $0x2700  }
0xb4: {  	s26 =	sadd.s32 $0x1, s26;
	[sflag:s17] =	ssyncset.done $0x0  }
0xb5: {  	s29 =	sshrl.u32 @!p0 s10, $0x3;
	p1 =	sne.s32 s26, s15;
	[sflag:s17] =	ssyncadd.s32 $0xFFFFD900  }
0xb6: {  	[hbm:s14], [sflag:s28] =	dma.local @!p0 [spmem:s29], $0x100  }
.Ltmp3:
0xb7: {  	_ = 	snop;
	(pc) =	sbr.rel @p1 .LBB2_1-.Ltmp3, $4  }
0xb8: {  	s28 =	simm.s32 @!p0 $0x5  }
0xb9: {  	_ =	swait.ge @!p0 [sflag:s28], $0x100  }
0xba: {  	[sflag:s28] =	ssyncset.done @!p0 $0x0  }
0xbb: {  	[sflag:s28] =	ssyncadd.s32 @!p0 $0xFFFFFF00  }
0xbc: {  	_ =	sfence.sel $0x180000  }
0xbd: {  	[bflag:$0x0] =	sbarrier.arrive $0xFFFF  }
0xbe: {  	p0 =	sne.s32 s0, $0x0;
	_ =	strace $0x9000004D  }
0xbf: {  	s0 =	sadd.s32 @!p0 $0x100000, s2;
	[bflag:$0x2] =	sbarrier.arrive $0xFFFF  }
0xc0: {  	[sflag:s0] =	ssyncadd.tile.s32 @!p0 $0x1;
	_ =	shalt  }
.Lfunc_end2:
_tile_overlayer_lowered:
.L_overlay_start_2:
0xc1: {  	(tag) =	ssettag $0x2  }
0xc2: {  	s0 =	rddreg [dreg:$0x0];
	s2 =	stileid.u32  }
0xc3: {  	s1 =	rddreg [dreg:$0x1];
	p0 =	sne.s32 s2, $0x0  }
0xc4: {  	s3 =	rddreg [dreg:$0x2];
	[bflag:$0x3] =	sbarrier.arrive $0xFFFF;
	s2 =	simm.s32 @!p0 $0x1C05  }
0xc5: {  	[timem:s3], [sflag:s2] =	dma.local @!p0 [hbm:s0], s1  }
0xc6: {  	s0 =	simm.s32 @!p0 $0x5  }
0xc7: {  	_ =	swait.ge @!p0 [sflag:s0], s1  }
0xc8: {  	s1 =	ssub.s32 @!p0 $0x0, s1;
	[sflag:s0] =	ssyncset.done @!p0 $0x0  }
0xc9: {  	[sflag:s0] =	ssyncadd.s32 @!p0 s1  }
0xca: {  	[bflag:$0x3] =	sbarrier.arrive $0xFFFF  }
0xcb: {  	_ =	shalt  }

// kernel: kernel.9.cloned.1.call-start
scs
__scs_entry_jumppad:
0x0: {  	(pc) =	sbr.rel $0x88, $3  }
0x1: {  	(tag) =	ssettag $0x0;
	lr =	simm.s32 $0x1  }
0x2: {  	[smem:$0x3F9B] =	sst lr;
	_ =	strace $0xD0000000  }
0x3: {  	_ = 	snop  }
0x4: {  	_ = 	snop  }
0x5: {  	_ = 	snop  }
0x6: {  	_ = 	snop  }
0x7: {  	_ = 	snop  }
__scs_overlays_trampoline_lowered:
0x8: {  	[smem:$0x3FAA] =	sst s0  }
0x9: {  	[smem:$0x3FAB] =	sst s1  }
0xa: {  	[smem:$0x3FAC] =	sst s2  }
0xb: {  	[smem:$0x3FAD] =	sst s3  }
0xc: {  	[smem:$0x3FAE] =	sst s4  }
0xd: {  	[smem:$0x3FAF] =	sst s5  }
0xe: {  	[smem:$0x3FB0] =	sst s6  }
0xf: {  	[smem:$0x3FB1] =	sst s7  }
0x10: {  	[smem:$0x3FB2] =	sst s8  }
0x11: {  	[smem:$0x3FB3] =	sst s9;
	s0 =	simm.s32 @!p0 $0x0  }
0x12: {  	s1 =	sld [smem:$0x3F99];
	s0 =	simm.s32 @p0 $0x1  }
0x13: {  	[smem:$0x3FB4] =	sst s0;
	s0 =	simm.s32 @!p1 $0x0  }
0x14: {  	s2 =	sld [smem:$0x3F98];
	s0 =	simm.s32 @p1 $0x1  }
0x15: {  	[smem:$0x3FB5] =	sst s0;
	s0 =	simm.s32 @!p2 $0x0  }
0x16: {  	s3 =	sld [smem:$0x3FDB];
	s0 =	simm.s32 @p2 $0x1  }
0x17: {  	s4 =	simm.s32 $0x1BF5;
	[smem:$0x3FB7] =	sst s0  }
0x18: {  	s0 =	sld [smem:$0x3F9A];
	_ =	swait.ge [sflag:s4], $0x0  }
0x19: {  	s7 =	sld [smem:$0x3F9B]  }
0x1a: {  	s8 =	sadd.s32 $0xFFFFE003, lr  }
0x1b: {  	s9 =	sadd.s32 $0xFFFFFEF7, lr;
	s5 =	simm.s32 $0xFFFFFFFF;
	p2 =	slt.u32 s8, $0xFFFFF086  }
0x1c: {  	p1 =	slt.u32 s9, $0xF7A;
	s5 =	simm.s32 @!p2 $0x0  }
0x1d: {  	s5 =	simm.s32 @p1 $0x1;
	p0 =	seq.s32 s7, s2  }
0x1e: {  	s7 =	smul.u32 @!p0 $0xF7A, s2;
	p2 =	seq.s32 @!p0 s5, $0x0  }
0x1f: {  	s9 =	smul.u32 $0xF7A, s1;
	s8 =	simm.s32 @!p0 $0x1BF5;
	p2 =	por !p2, p0  }
0x20: {  	[sflag:s8] =	ssyncset.s32 @!p0 $0xFFFFF086;
	s6 =	sadd.s32 @!p0 s3, s7;
	s7 =	simm.s32 @!p0 $0x108  }
0x21: {  	s3 =	sadd.s32 s3, s9;
	s6 =	sadd.s32 @!p0 $0x88, s6;
	s7 =	simm.s32 @p2 $0x1082  }
0x22: {  	[simem:s7], [sflag:s8] =	dma.local @!p0 [hbm:s6], $0xF7A  }
0x23: {  	s9 =	sor.u32 $0xD0000000, s2;
	s6 =	simm.s32 $0x108;
	_ =	swait.ge @!p0 [sflag:s8], $0x0  }
0x24: {  	s3 =	sadd.s32 $0x88, s3;
	s6 =	simm.s32 @!p1 $0x1082;
	[sflag:s4] =	ssyncset.s32 $0xFFFFF086  }
0x25: {  	[simem:s6], [sflag:s4] =	dma.local [hbm:s3], $0xF7A  }
0x26: {  	[smem:$0x3F9B] =	sst s1;
	(tag) =	ssettag s2;
	_ =	strace s9  }
0x27: {  	s1 =	sld [smem:$0x3FAB]  }
0x28: {  	s2 =	sld [smem:$0x3FAC]  }
0x29: {  	s4 =	sld [smem:$0x3FAE]  }
0x2a: {  	p0 =	seq.s32 s5, $0x0;
	s5 =	sld [smem:$0x3FAF]  }
0x2b: {  	s6 =	sld [smem:$0x3FB0]  }
0x2c: {  	s7 =	sld [smem:$0x3FB1]  }
0x2d: {  	s3 =	simm.s32 $0x108;
	s8 =	sld [smem:$0x3FB2]  }
0x2e: {  	s3 =	simm.s32 @!p0 $0x1082;
	s9 =	sld [smem:$0x3FB3]  }
0x2f: {  	lr =	sadd.s32 s0, s3;
	s0 =	sld [smem:$0x3FAA]  }
0x30: {  	s3 =	sld [smem:$0x3FAD]  }
0x31: {  	[smem:$0x3FB6] =	sst s10  }
0x32: {  	s10 =	sld [smem:$0x3FB4];
	_ =	sdelay $0x3  }
0x33: {  	p0 =	seq.s32 s10, $0x1;
	s10 =	sld [smem:$0x3FB6];
	_ =	sdelay $0x3  }
0x34: {  	[smem:$0x3FB6] =	sst s10  }
0x35: {  	s10 =	sld [smem:$0x3FB5];
	_ =	sdelay $0x3  }
0x36: {  	p1 =	seq.s32 s10, $0x1;
	s10 =	sld [smem:$0x3FB6];
	_ =	sdelay $0x3  }
0x37: {  	[smem:$0x3FB6] =	sst s10  }
0x38: {  	s10 =	sld [smem:$0x3FB7]  }
0x39: {  	_ = 	snop;
	(pc) =	sbr.ind lr, $3  }
0x3a: {  	_ = 	snop  }
0x3b: {  	_ = 	snop  }
0x3c: {  	p2 =	seq.s32 s10, $0x1;
	s10 =	sld [smem:$0x3FB6]  }
0x3d: {  	_ =	shalt  }
0x3e: {  	_ =	shalt  }
0x3f: {  	_ =	shalt  }
0x40: {  	_ =	shalt  }
0x41: {  	_ =	shalt  }
0x42: {  	_ =	shalt  }
0x43: {  	_ =	shalt  }
0x44: {  	_ =	shalt  }
0x45: {  	_ =	shalt  }
0x46: {  	_ =	shalt  }
0x47: {  	_ =	shalt  }
0x48: {  	_ =	shalt  }
0x49: {  	_ =	shalt  }
0x4a: {  	_ =	shalt  }
0x4b: {  	_ =	shalt  }
0x4c: {  	_ =	shalt  }
0x4d: {  	_ =	shalt  }
0x4e: {  	_ =	shalt  }
0x4f: {  	_ =	shalt  }
0x50: {  	_ =	shalt  }
0x51: {  	_ =	shalt  }
0x52: {  	_ =	shalt  }
0x53: {  	_ =	shalt  }
0x54: {  	_ =	shalt  }
0x55: {  	_ =	shalt  }
0x56: {  	_ =	shalt  }
0x57: {  	_ =	shalt  }
0x58: {  	_ =	shalt  }
0x59: {  	_ =	shalt  }
0x5a: {  	_ =	shalt  }
0x5b: {  	_ =	shalt  }
0x5c: {  	_ =	shalt  }
0x5d: {  	_ =	shalt  }
0x5e: {  	_ =	shalt  }
0x5f: {  	_ =	shalt  }
0x60: {  	_ =	shalt  }
0x61: {  	_ =	shalt  }
0x62: {  	_ =	shalt  }
0x63: {  	_ =	shalt  }
0x64: {  	_ =	shalt  }
0x65: {  	_ =	shalt  }
0x66: {  	_ =	shalt  }
0x67: {  	_ =	shalt  }
0x68: {  	_ =	shalt  }
0x69: {  	_ =	shalt  }
0x6a: {  	_ =	shalt  }
0x6b: {  	_ =	shalt  }
0x6c: {  	_ =	shalt  }
0x6d: {  	_ =	shalt  }
0x6e: {  	_ =	shalt  }
0x6f: {  	_ =	shalt  }
0x70: {  	_ =	shalt  }
0x71: {  	_ =	shalt  }
0x72: {  	_ =	shalt  }
0x73: {  	_ =	shalt  }
0x74: {  	_ =	shalt  }
0x75: {  	_ =	shalt  }
0x76: {  	_ =	shalt  }
0x77: {  	_ =	shalt  }
0x78: {  	_ =	shalt  }
0x79: {  	_ =	shalt  }
0x7a: {  	_ =	shalt  }
0x7b: {  	_ =	shalt  }
0x7c: {  	_ =	shalt  }
0x7d: {  	_ =	shalt  }
0x7e: {  	_ =	shalt  }
0x7f: {  	_ =	shalt  }
0x80: {  	_ =	shalt  }
0x81: {  	_ =	shalt  }
0x82: {  	_ =	shalt  }
0x83: {  	_ =	shalt  }
0x84: {  	_ =	shalt  }
0x85: {  	_ =	shalt  }
0x86: {  	_ =	shalt  }
0x87: {  	_ =	shalt  }
.Lfunc_end0:
.L_simem_size_0:
called_computation_lowered:
.L_overlay_start_0:
0x88: {  	s2 =	sld [smem:$0x3FD9]  }
0x89: {  	s3 =	sld [smem:$0x3FFE];
	_ =	sdelay $0x1  }
0x8a: {  	s1 =	srdreg.scid  }
0x8b: {  	s0 =	sand.u32 $0x1, s1  }
0x8c: {  	s16 =	sshll.u32 s0, $0xA;
	s2 =	sadd.s32 s3, s2  }
0x8d: {  	s2 =	sadd.s32 s2, s16  }
0x8e: {  	[smem:$0x3FC2] =	sst s2  }
0x8f: {  	_ = 	snop  }
0x90: {  	(tm) =	ssettm $0x1  }
0x91: {  	s17 =	sld [smem:$0x3FFB];
	_ =	sdelay $0x3  }
0x92: {  	_ =	strace s17  }
0x93: {  	s2 =	sld [smem:$0x3FFC];
	_ =	sdelay $0x3  }
0x94: {  	_ =	strace s2  }
0x95: {  	s2 =	sld [smem:$0x3FFD];
	_ =	sdelay $0x3  }
0x96: {  	_ =	strace s2  }
0x97: {  	_ =	strace $0x8FFFFFFF  }
0x98: {  	s18 =	sld [smem:$0x3FDB];
	_ =	sdelay $0x1  }
0x99: {  	s19 =	simm.s32 $_scs_section_size  }
0x9a: {  	s4 =	simm.s32 $_size__tile_overlayer_lowered;
	s5 =	simm.s32 $_tile_overlayer_lowered  }
0x9b: {  	s22 =	simm.s32 $0x1BFF;
	s21 =	sshll.u32 s5, $0x1;
	s2 =	sadd.s32 s19, s18  }
0x9c: {  	s6 =	simm.s32 $0x0;
	s20 =	sshll.u32 s4, $0x1;
	s4 =	sadd.s32 s21, s2  }
0x9d: {  	[timem:s6], [sflag:s22] =	dma.local [hbm:s4], s20  }
0x9e: {  	_ =	swait.ge [sflag:s22], s20  }
0x9f: {  	s3 =	ssub.s32 $0x0, s20;
	[sflag:s22] =	ssyncset.done $0x0  }
0xa0: {  	[sflag:s22] =	ssyncadd.s32 s3;
	_ =	sdelay $0x1  }
0xa1: {  	s23 =	simm.s32 $0x1B8B  }
0xa2: {  	_ =	swait.ge [sflag:s23], $0x1  }
0xa3: {  	[sflag:s23] =	ssyncset.done $0x0  }
0xa4: {  	s25 =	simm.s32 $0x1B8E;
	s24 =	sld [smem:$0x3FFE];
	[sflag:s23] =	ssyncadd.s32 $0xFFFFFFFF  }
0xa5: {  	s26 =	simm.s32 $execute0_lowered;
	[smem:$0x3FD2] =	sst s25  }
0xa6: {  	s4 =	sshll.u32 s26, $0x1;
	_ =	strace $0x80000046;
	[dreg:$0x1] =	wrdreg $0xFFFFFFFF  }
0xa7: {  	s28 =	simm.s32 $_size_execute0_lowered;
	s2 =	sadd.s32 s2, s4;
	[dreg:$0x0] =	wrdreg $0x0  }
0xa8: {  	s4 =	sshll.u32 s28, $0x1;
	[dreg:$0x2] =	wrdreg s2  }
0xa9: {  	[dreg:$0x3] =	wrdreg s4  }
0xaa: {  	[dreg:$0x4] =	wrdreg $0xC0  }
0xab: {  	_ =	task [dreg:s6], $0x5FFFF  }
0xac: {  	[dreg:$0x1] =	wrdreg $0xFFFFFFFF  }
0xad: {  	[dreg:$0x0] =	wrdreg $0x60  }
0xae: {  	[dreg:$0x2] =	wrdreg s24  }
0xaf: {  	[dreg:$0x3] =	wrdreg $0x84000  }
0xb0: {  	[dreg:$0x4] =	wrdreg $0x9  }
0xb1: {  	_ =	task.clear_ibuf [dreg:s6], $0x5FFFF;
	_ =	strace $0x90000046  }
0xb2: {  	s29 =	simm.s32 $0x9;
	_ =	strace $0x80000048  }
0xb3: {  	_ =	swait.ge [sflag:s29], $0x1  }
0xb4: {  	[sflag:s29] =	ssyncadd.s32 $0xFFFFFFFF  }
0xb5: {  	_ =	strace $0x90000048  }
0xb6: {  	_ =	sfence  }
0xb7: {  	s30 =	sld [smem:$0x0];
	_ =	sdelay $0x2  }
0xb8: {  	s31 =	sshll.u32 s1, $0xD;
	s1 =	sshrl.u32 s1, $0x2  }
0xb9: {  	s3 =	sand.u32 $0x4000, s31;
	s1 =	sadd.s32 s1, s30  }
0xba: {  	s0 =	sor.u32 s3, s0;
	s1 =	sshll.u32 s1, $0x11  }
0xbb: {  	s0 =	sor.u32 s1, s0  }
0xbc: {  	s0 =	sadd.s32 $0x8F2B, s0  }
0xbd: {  	[sflag:s0] =	ssyncadd.remote.s32 $0x1  }
0xbe: {  	_ =	sfence.sel $0xFFFF  }
0xbf: {  	[dreg:$0x0] =	wrdreg $0xFFFFFFFF;
	(pc) =	sbr.abs _section_cstart, $3  }
0xc0: {  	[dreg:$0x1] =	wrdreg $0xFFFFFFFF  }
0xc1: {  	_ =	task.clear_ibuf [dreg:s6], $0x2FFFF;
	_ =	strace $0x9FFFFFFF  }
0xc2: {  	(tm) =	ssettm $0x7FFFFFFF  }
0xc3: {  	_ =	shalt  }
tec
execute0_lowered:
.L_overlay_start_1:
0x0: {  	(tag) =	ssettag $0x1  }
0x1: {  	s1 =	srdreg.scid;
	s4 =	rddreg [dreg:$0x0]  }
0x2: {  	s0 =	stileid.u32;
	s2 =	rddreg [dreg:$0x1];
	s3 =	simm.s32 $0x0  }
0x3: {  	s16 =	simm.s32 $0x80;
	s17 =	simm.s32 $0x400;
	s18 =	simm.s32 $0x100  }
0x4: {  	s19 =	simm.s32 $0x180;
	s20 =	simm.s32 $0x200;
	s21 =	simm.s32 $0x280  }
0x5: {  	s22 =	simm.s32 $0x300;
	s23 =	simm.s32 $0x380;
	s24 =	simm.s32 $0x0  }
0x6: {  	s8 =	sand.u32 $0x1, s1;
	s28 =	sshll.u32 s0, $0x1;
	s1 =	rddreg [dreg:$0x2]  }
0x7: {  	[smem:$0x7FF] =	sst s3;
	s6 =	smul.u32 $0x4E000, s0;
	s11 =	sadd.s32 $0xD800, s4  }
0x8: {  	s12 =	smul.u32 $0x2700, s0;
	s9 =	sadd.s32 $0x138000, s2;
	p0 =	sne.s32 s0, $0xF  }
0x9: {  	s5 =	sor.u32 s8, s28;
	s29 =	ssub.s32 $0x2, s8;
	s14 =	smul.u32 $0x138800, s8  }
0xa: {  	_ =	strace $0x80000047;
	s15 =	smul.u32 $0x27100, s8;
	s31 =	sshrl.u32 s29, $0x1  }
0xb: {  	s5 =	smul.u32 $0x500, s5;
	s30 =	sshrl.u32 s6, $0x2;
	s13 =	ssub.s32 s29, s31  }
0xc: {  	s14 =	sshrl.u32 s14, $0x3;
	s12 =	sadd.s32 s12, s15;
	s15 =	simm.s32 $0x1  }
0xd: {  	s10 =	sadd.s32 s5, s4;
	s4 =	sadd.s32 s30, s2;
	s14 =	sadd.s32 s11, s14  }
0xe: {  	s11 =	sadd.s32 s11, s12;
	s13 =	smax.u32 s13, $0x1;
	s5 =	sadd.s32 $0x4000, s4  }
0xf: {  	s6 =	sadd.s32 $0x8000, s4;
	s7 =	sadd.s32 $0xC000, s4;
	s8 =	sadd.s32 $0x10000, s4  }
0x10: {  	v0 =	vimm.f32 $1.000000000e+00;
	v1 =	vimm.f32 $0.0e+00;
	s10 =	sadd.s32 $0x3800, s10;
	s12 =	sadd.s32 $0x27000, s14;
	s14 =	simm.s32 $0x4400  }
.LBB2_1:
0x11: {  	s25 =	simm.s32 $0x0  }
.LBB2_2:
0x12: {  	p1 =	sne.s32 s25, $0xFE00  }
.Ltmp0:
0x13: {  	_ = 	snop;
	(pc) =	sbr.rel @p1 .LBB2_2-.Ltmp0, $3  }
0x14: {  	_ =	sdelay $0x1  }
0x15: {  	s26 =	sshra.s32 s25, $0x2  }
0x16: {  	s25 =	sadd.s32 $0x200, s25;
	[tilespmem:s26+$0x400] =	vst v0  }
0x17: {  	s25 =	simm.s32 $0x200;
	s26 =	simm.s32 $0x0  }
.LBB2_4:
0x18: {  	p1 =	sne.s32 s25, $0xFE00;
	[tilespmem:s26+$0x4400] =	vst v1;
	s26 =	smov.u32 s25;
	s25 =	sadd.s32 $0x200, s25  }
.Ltmp1:
0x19: {  	(pc) =	sbr.rel @p1 .LBB2_4-.Ltmp1, $2  }
0x1a: {  	_ =	sdelay $0x2  }
0x1b: {  	s26 =	sshra.s32 s26, $0x2  }
0x1c: {  	[tilespmem:s26+$0x4400] =	vst v1  }
0x1d: {  	[spmem:s4] =	stream.linear.scatter [tilespmem:s14], [sflag:$0x1], $0x4000, $0x38;
	[tilespmem:$0xAB18] =	vst v63  }
0x1e: {  	_ =	swait.ge [sflag:s15], $0x4000  }
0x1f: {  	[sflag:s15] =	ssyncset.done $0x0  }
0x20: {  	[sflag:s15] =	ssyncadd.s32 $0xFFFFC000  }
0x21: {  	[spmem:s5] =	stream.linear.scatter [tilespmem:s14], [sflag:$0x1], $0x4000, $0x38;
	[tilespmem:$0xAB18] =	vst v63  }
0x22: {  	_ =	swait.ge [sflag:s15], $0x4000  }
0x23: {  	[sflag:s15] =	ssyncset.done $0x0  }
0x24: {  	[sflag:s15] =	ssyncadd.s32 $0xFFFFC000  }
0x25: {  	[spmem:s6] =	stream.linear.scatter [tilespmem:s14], [sflag:$0x1], $0x4000, $0x38;
	[tilespmem:$0xAB18] =	vst v63  }
0x26: {  	_ =	swait.ge [sflag:s15], $0x4000  }
0x27: {  	[sflag:s15] =	ssyncset.done $0x0  }
0x28: {  	[sflag:s15] =	ssyncadd.s32 $0xFFFFC000  }
0x29: {  	[spmem:s7] =	stream.linear.scatter [tilespmem:s14], [sflag:$0x1], $0x4000, $0x38;
	[tilespmem:$0xAB18] =	vst v63  }
0x2a: {  	_ =	swait.ge [sflag:s15], $0x4000  }
0x2b: {  	[sflag:s15] =	ssyncset.done $0x0  }
0x2c: {  	[sflag:s15] =	ssyncadd.s32 $0xFFFFC000  }
0x2d: {  	[spmem:s8] =	stream.linear.scatter [tilespmem:s14], [sflag:$0x1], $0x3800, $0x38;
	[tilespmem:$0xAB18] =	vst v63  }
0x2e: {  	_ =	swait.ge [sflag:s15], $0x3800  }
0x2f: {  	[sflag:s15] =	ssyncset.done $0x0  }
0x30: {  	s25 =	simm.s32 @!p0 $0x4400;
	[sflag:s15] =	ssyncadd.s32 $0xFFFFC800  }
0x31: {  	[spmem:s9] =	stream.linear.scatter @!p0 [tilespmem:s25], [sflag:$0x1], $0x800, $0x38;
	[tilespmem:$0xAB18] =	vst v63  }
0x32: {  	s25 =	simm.s32 @!p0 $0x1  }
0x33: {  	_ =	swait.ge @!p0 [sflag:s25], $0x800  }
0x34: {  	[sflag:s25] =	ssyncset.done @!p0 $0x0  }
0x35: {  	[sflag:s25] =	ssyncadd.s32 @!p0 $0xFFFFF800  }
0x36: {  	s31 =	sadd.s32 $0x0, s10;
	[bflag:$0x0] =	sbarrier.arrive $0xFFFF  }
0x37: {  	[tilespmem:s3], [sflag:$0x1] =	stream.linear.gather [hbm4b:s31+s3], $0x400, $0x38;
	[tilespmem:$0xAB18] =	vst v63  }
0x38: {  	_ =	swait.ge [sflag:s15], $0x400  }
0x39: {  	[sflag:s15] =	ssyncset.done $0x0  }
0x3a: {  	[sflag:s15] =	ssyncadd.s32 $0xFFFFFC00  }
0x3b: {  	[spmem:s2] =	stream.indirect.scatter.add.f32 [tilespmem:s17], [sflag:$0x1], $0x10, s3, s16, $0xb8;
	[tilespmem:$0xAB18] =	vst v63  }
0x3c: {  	_ =	swait.ge [sflag:s15], $0x800  }
0x3d: {  	[sflag:s15] =	ssyncset.done $0x0  }
0x3e: {  	[sflag:s15] =	ssyncadd.s32 $0xFFFFF800  }
0x3f: {  	[spmem:s2] =	stream.indirect.scatter.add.f32 [tilespmem:s17], [sflag:$0x1], $0x10, s16, s16, $0xb8;
	[tilespmem:$0xAB18] =	vst v63  }
0x40: {  	_ =	swait.ge [sflag:s15], $0x800  }
0x41: {  	[sflag:s15] =	ssyncset.done $0x0  }
0x42: {  	[sflag:s15] =	ssyncadd.s32 $0xFFFFF800  }
0x43: {  	[spmem:s2] =	stream.indirect.scatter.add.f32 [tilespmem:s17], [sflag:$0x1], $0x10, s18, s16, $0xb8;
	[tilespmem:$0xAB18] =	vst v63  }
0x44: {  	_ =	swait.ge [sflag:s15], $0x800  }
0x45: {  	[sflag:s15] =	ssyncset.done $0x0  }
0x46: {  	[sflag:s15] =	ssyncadd.s32 $0xFFFFF800  }
0x47: {  	[spmem:s2] =	stream.indirect.scatter.add.f32 [tilespmem:s17], [sflag:$0x1], $0x10, s19, s16, $0xb8;
	[tilespmem:$0xAB18] =	vst v63  }
0x48: {  	_ =	swait.ge [sflag:s15], $0x800  }
0x49: {  	[sflag:s15] =	ssyncset.done $0x0  }
0x4a: {  	[sflag:s15] =	ssyncadd.s32 $0xFFFFF800  }
0x4b: {  	[spmem:s2] =	stream.indirect.scatter.add.f32 [tilespmem:s17], [sflag:$0x1], $0x10, s20, s16, $0xb8;
	[tilespmem:$0xAB18] =	vst v63  }
0x4c: {  	_ =	swait.ge [sflag:s15], $0x800  }
0x4d: {  	[sflag:s15] =	ssyncset.done $0x0  }
0x4e: {  	[sflag:s15] =	ssyncadd.s32 $0xFFFFF800  }
0x4f: {  	[spmem:s2] =	stream.indirect.scatter.add.f32 [tilespmem:s17], [sflag:$0x1], $0x10, s21, s16, $0xb8;
	[tilespmem:$0xAB18] =	vst v63  }
0x50: {  	_ =	swait.ge [sflag:s15], $0x800  }
0x51: {  	[sflag:s15] =	ssyncset.done $0x0  }
0x52: {  	[sflag:s15] =	ssyncadd.s32 $0xFFFFF800  }
0x53: {  	[spmem:s2] =	stream.indirect.scatter.add.f32 [tilespmem:s17], [sflag:$0x1], $0x10, s22, s16, $0xb8;
	[tilespmem:$0xAB18] =	vst v63  }
0x54: {  	_ =	swait.ge [sflag:s15], $0x800  }
0x55: {  	[sflag:s15] =	ssyncset.done $0x0  }
0x56: {  	[sflag:s15] =	ssyncadd.s32 $0xFFFFF800  }
0x57: {  	[spmem:s2] =	stream.indirect.scatter.add.f32 [tilespmem:s17], [sflag:$0x1], $0x10, s23, s16, $0xb8;
	[tilespmem:$0xAB18] =	vst v63  }
0x58: {  	_ =	swait.ge [sflag:s15], $0x800  }
0x59: {  	s28 =	simm.s32 $0x100;
	s25 =	simm.s32 $0x80;
	[sflag:s15] =	ssyncset.done $0x0  }
.LBB2_6:
0x5a: {  	s29 =	sadd.s32 s25, s10  }
0x5b: {  	[sflag:s15] =	ssyncadd.s32 $0xFFFFF800;
	s25 =	smov.u32 s28;
	s26 =	sadd.s32 $0x80, s28  }
0x5c: {  	[tilespmem:s3], [sflag:$0x1] =	stream.linear.gather [hbm4b:s29+s3], $0x400, $0x38;
	[tilespmem:$0xAB18] =	vst v63  }
0x5d: {  	p1 =	sne.s32 s28, $0x480;
	_ =	swait.ge [sflag:s15], $0x400  }
0x5e: {  	[sflag:s15] =	ssyncset.done $0x0  }
0x5f: {  	[sflag:s15] =	ssyncadd.s32 $0xFFFFFC00  }
0x60: {  	[spmem:s2] =	stream.indirect.scatter.add.f32 [tilespmem:s17], [sflag:$0x1], $0x10, s3, s16, $0xb8;
	[tilespmem:$0xAB18] =	vst v63  }
0x61: {  	_ =	swait.ge [sflag:s15], $0x800  }
0x62: {  	[sflag:s15] =	ssyncset.done $0x0  }
0x63: {  	[sflag:s15] =	ssyncadd.s32 $0xFFFFF800  }
0x64: {  	[spmem:s2] =	stream.indirect.scatter.add.f32 [tilespmem:s17], [sflag:$0x1], $0x10, s16, s16, $0xb8;
	[tilespmem:$0xAB18] =	vst v63  }
0x65: {  	_ =	swait.ge [sflag:s15], $0x800  }
0x66: {  	[sflag:s15] =	ssyncset.done $0x0  }
0x67: {  	[sflag:s15] =	ssyncadd.s32 $0xFFFFF800  }
0x68: {  	[spmem:s2] =	stream.indirect.scatter.add.f32 [tilespmem:s17], [sflag:$0x1], $0x10, s18, s16, $0xb8;
	[tilespmem:$0xAB18] =	vst v63  }
0x69: {  	_ =	swait.ge [sflag:s15], $0x800  }
0x6a: {  	[sflag:s15] =	ssyncset.done $0x0  }
0x6b: {  	[sflag:s15] =	ssyncadd.s32 $0xFFFFF800  }
0x6c: {  	[spmem:s2] =	stream.indirect.scatter.add.f32 [tilespmem:s17], [sflag:$0x1], $0x10, s19, s16, $0xb8;
	[tilespmem:$0xAB18] =	vst v63  }
0x6d: {  	_ =	swait.ge [sflag:s15], $0x800  }
0x6e: {  	[sflag:s15] =	ssyncset.done $0x0  }
0x6f: {  	[sflag:s15] =	ssyncadd.s32 $0xFFFFF800  }
0x70: {  	[spmem:s2] =	stream.indirect.scatter.add.f32 [tilespmem:s17], [sflag:$0x1], $0x10, s20, s16, $0xb8;
	[tilespmem:$0xAB18] =	vst v63  }
0x71: {  	_ =	swait.ge [sflag:s15], $0x800  }
0x72: {  	[sflag:s15] =	ssyncset.done $0x0  }
0x73: {  	[sflag:s15] =	ssyncadd.s32 $0xFFFFF800  }
0x74: {  	[spmem:s2] =	stream.indirect.scatter.add.f32 [tilespmem:s17], [sflag:$0x1], $0x10, s21, s16, $0xb8;
	[tilespmem:$0xAB18] =	vst v63  }
0x75: {  	_ =	swait.ge [sflag:s15], $0x800  }
0x76: {  	[sflag:s15] =	ssyncset.done $0x0  }
0x77: {  	[sflag:s15] =	ssyncadd.s32 $0xFFFFF800  }
0x78: {  	[spmem:s2] =	stream.indirect.scatter.add.f32 [tilespmem:s17], [sflag:$0x1], $0x10, s22, s16, $0xb8;
	[tilespmem:$0xAB18] =	vst v63  }
0x79: {  	_ =	swait.ge [sflag:s15], $0x800  }
.Ltmp2:
0x7a: {  	[sflag:s15] =	ssyncset.done $0x0;
	(pc) =	sbr.rel @p1 .LBB2_6-.Ltmp2, $4  }
0x7b: {  	[sflag:s15] =	ssyncadd.s32 $0xFFFFF800  }
0x7c: {  	[spmem:s2] =	stream.indirect.scatter.add.f32 [tilespmem:s17], [sflag:$0x1], $0x10, s23, s16, $0xb8;
	[tilespmem:$0xAB18] =	vst v63  }
0x7d: {  	_ =	swait.ge [sflag:s15], $0x800  }
0x7e: {  	s28 =	smov.u32 s26;
	[sflag:s15] =	ssyncset.done $0x0  }
0x7f: {  	s25 =	sadd.s32 s25, s10;
	[sflag:s15] =	ssyncadd.s32 $0xFFFFF800  }
0x80: {  	[tilespmem:s3], [sflag:$0x1] =	stream.linear.gather [hbm4b:s25+s3], $0x400, $0x38;
	[tilespmem:$0xAB18] =	vst v63  }
0x81: {  	_ =	swait.ge [sflag:s15], $0x400  }
0x82: {  	[sflag:s15] =	ssyncset.done $0x0  }
0x83: {  	[sflag:s15] =	ssyncadd.s32 $0xFFFFFC00  }
0x84: {  	[spmem:s2] =	stream.indirect.scatter.add.f32 [tilespmem:s17], [sflag:$0x1], $0x10, s3, s16, $0xb8;
	[tilespmem:$0xAB18] =	vst v63  }
0x85: {  	_ =	swait.ge [sflag:s15], $0x800  }
0x86: {  	[sflag:s15] =	ssyncset.done $0x0  }
0x87: {  	[sflag:s15] =	ssyncadd.s32 $0xFFFFF800  }
0x88: {  	[spmem:s2] =	stream.indirect.scatter.add.f32 [tilespmem:s17], [sflag:$0x1], $0x10, s16, s16, $0xb8;
	[tilespmem:$0xAB18] =	vst v63  }
0x89: {  	_ =	swait.ge [sflag:s15], $0x800  }
0x8a: {  	[sflag:s15] =	ssyncset.done $0x0  }
0x8b: {  	[sflag:s15] =	ssyncadd.s32 $0xFFFFF800  }
0x8c: {  	[spmem:s2] =	stream.indirect.scatter.add.f32 [tilespmem:s17], [sflag:$0x1], $0x10, s18, s16, $0xb8;
	[tilespmem:$0xAB18] =	vst v63  }
0x8d: {  	_ =	swait.ge [sflag:s15], $0x800  }
0x8e: {  	[sflag:s15] =	ssyncset.done $0x0  }
0x8f: {  	[sflag:s15] =	ssyncadd.s32 $0xFFFFF800  }
0x90: {  	[spmem:s2] =	stream.indirect.scatter.add.f32 [tilespmem:s17], [sflag:$0x1], $0x10, s19, s16, $0xb8;
	[tilespmem:$0xAB18] =	vst v63  }
0x91: {  	_ =	swait.ge [sflag:s15], $0x800  }
0x92: {  	[sflag:s15] =	ssyncset.done $0x0  }
0x93: {  	[sflag:s15] =	ssyncadd.s32 $0xFFFFF800  }
0x94: {  	[spmem:s2] =	stream.indirect.scatter.add.f32 [tilespmem:s17], [sflag:$0x1], $0x10, s20, s16, $0xb8;
	[tilespmem:$0xAB18] =	vst v63  }
0x95: {  	_ =	swait.ge [sflag:s15], $0x800  }
0x96: {  	[sflag:s15] =	ssyncset.done $0x0  }
0x97: {  	[sflag:s15] =	ssyncadd.s32 $0xFFFFF800  }
0x98: {  	[spmem:s2] =	stream.indirect.scatter.add.f32 [tilespmem:s17], [sflag:$0x1], $0x10, s21, s16, $0xb8;
	[tilespmem:$0xAB18] =	vst v63  }
0x99: {  	_ =	swait.ge [sflag:s15], $0x800  }
0x9a: {  	[sflag:s15] =	ssyncset.done $0x0  }
0x9b: {  	[sflag:s15] =	ssyncadd.s32 $0xFFFFF800  }
0x9c: {  	[spmem:s2] =	stream.indirect.scatter.add.f32 [tilespmem:s17], [sflag:$0x1], $0x10, s22, s16, $0xb8;
	[tilespmem:$0xAB18] =	vst v63  }
0x9d: {  	_ =	swait.ge [sflag:s15], $0x800  }
0x9e: {  	[sflag:s15] =	ssyncset.done $0x0  }
0x9f: {  	[sflag:s15] =	ssyncadd.s32 $0xFFFFF800  }
0xa0: {  	[spmem:s2] =	stream.indirect.scatter.add.f32 [tilespmem:s17], [sflag:$0x1], $0x10, s23, s16, $0xb8;
	[tilespmem:$0xAB18] =	vst v63  }
0xa1: {  	_ =	swait.ge [sflag:s15], $0x800  }
0xa2: {  	[sflag:s15] =	ssyncset.done $0x0  }
0xa3: {  	s31 =	sshll.u32 s0, $0x6;
	[sflag:s15] =	ssyncadd.s32 $0xFFFFF800  }
0xa4: {  	s26 =	sshrl.u32 s4, $0x3;
	s25 =	sor.u32 $0x1C01, s31;
	[bflag:$0x0] =	sbarrier.arrive $0xFFFF  }
0xa5: {  	[hbm:s11], [sflag:s25] =	dma.local [spmem:s26], $0x2700  }
0xa6: {  	_ =	swait.ge [sflag:s15], $0x2700  }
0xa7: {  	s24 =	sadd.s32 $0x1, s24;
	[sflag:s15] =	ssyncset.done $0x0  }
0xa8: {  	p1 =	sne.s32 s24, s13;
	s26 =	sshrl.u32 @!p0 s9, $0x3;
	[sflag:s15] =	ssyncadd.s32 $0xFFFFD900  }
0xa9: {  	[hbm:s12], [sflag:s25] =	dma.local @!p0 [spmem:s26], $0x100  }
.Ltmp3:
0xaa: {  	_ = 	snop;
	(pc) =	sbr.rel @p1 .LBB2_1-.Ltmp3, $4  }
0xab: {  	s25 =	simm.s32 @!p0 $0x1  }
0xac: {  	_ =	swait.ge @!p0 [sflag:s25], $0x100  }
0xad: {  	[sflag:s25] =	ssyncset.done @!p0 $0x0  }
0xae: {  	[sflag:s25] =	ssyncadd.s32 @!p0 $0xFFFFFF00  }
0xaf: {  	_ =	sfence.sel $0x180000  }
0xb0: {  	[bflag:$0x0] =	sbarrier.arrive $0xFFFF  }
0xb1: {  	p0 =	sne.s32 s0, $0x0;
	_ =	strace $0x90000047  }
0xb2: {  	s0 =	sadd.s32 @!p0 $0x100000, s1;
	[bflag:$0x2] =	sbarrier.arrive $0xFFFF  }
0xb3: {  	[sflag:s0] =	ssyncadd.tile.s32 @!p0 $0x1;
	_ =	shalt  }
.Lfunc_end2:
_tile_overlayer_lowered:
.L_overlay_start_2:
0xb4: {  	(tag) =	ssettag $0x2  }
0xb5: {  	s0 =	rddreg [dreg:$0x0];
	s2 =	stileid.u32  }
0xb6: {  	s1 =	rddreg [dreg:$0x1];
	p0 =	sne.s32 s2, $0x0  }
0xb7: {  	s3 =	rddreg [dreg:$0x2];
	[bflag:$0x3] =	sbarrier.arrive $0xFFFF;
	s2 =	simm.s32 @!p0 $0x1C01  }
0xb8: {  	[timem:s3], [sflag:s2] =	dma.local @!p0 [hbm:s0], s1  }
0xb9: {  	s0 =	simm.s32 @!p0 $0x1  }
0xba: {  	_ =	swait.ge @!p0 [sflag:s0], s1  }
0xbb: {  	s1 =	ssub.s32 @!p0 $0x0, s1;
	[sflag:s0] =	ssyncset.done @!p0 $0x0  }
0xbc: {  	[sflag:s0] =	ssyncadd.s32 @!p0 s1  }
0xbd: {  	[bflag:$0x3] =	sbarrier.arrive $0xFFFF  }
0xbe: {  	_ =	shalt  }

</sc_bundles>
